<compile_context>
chip_gen: v7x
topology: tpu7x:2x2x1
jax: 0.10.2.dev20260603
libtpu: 0.0.44.dev20260713+nightly
codegen_flags: <defaults>
</compile_context>

<pallas_src>
import functools

import jax
import jax.numpy as jnp
from jax import lax
from jax.experimental import pallas as pl
from jax.experimental.pallas import tpu as pltpu
from jax.experimental.pallas import tpu_sc as plsc

BATCH = 16384
EMBED = 32
NUM_CORES = 2
NUM_SUBCORES = 16
LANES = 16
NUM_WORKERS = NUM_CORES * NUM_SUBCORES
BPW = BATCH // NUM_WORKERS
NBUF = 4
AHEAD = NBUF - 1

_mesh = plsc.VectorSubcoreMesh(core_axis_name="c", subcore_axis_name="s")


@functools.partial(
    pl.kernel,
    out_type=jax.ShapeDtypeStruct((BATCH,), jnp.float32),
    mesh=_mesh,
    compiler_params=pltpu.CompilerParams(needs_layout_passes=False,
                                         use_tc_tiling_on_sc=True),
    scratch_types=[
        pltpu.VMEM((BPW + LANES,), jnp.int32),
        pltpu.VMEM((BPW + LANES,), jnp.int32),
        pltpu.VMEM((NBUF, EMBED, 128), jnp.float32),
        pltpu.VMEM((NBUF, EMBED, 128), jnp.float32),
        pltpu.VMEM((BPW,), jnp.float32),
    ] + [pltpu.SemaphoreType.DMA] * (2 * NBUF),
)
def _mf_dot_kernel(xt_hbm, wt_hbm, ht_hbm, out_hbm,
                   uidx, vidx, wtile, htile, outv, *sems):
    semw = sems[:NBUF]
    semh = sems[NBUF:]
    wid = lax.axis_index("s") * NUM_CORES + lax.axis_index("c")
    base = wid * BPW
    lanes = lax.iota(jnp.int32, LANES)

    xbase = pl.multiple_of(base, 128)
    pltpu.sync_copy(xt_hbm.at[0, pl.ds(xbase, BPW)], uidx.at[pl.ds(0, BPW)])
    pltpu.sync_copy(xt_hbm.at[1, pl.ds(xbase, BPW)], vidx.at[pl.ds(0, BPW)])
    uidx[pl.ds(BPW, LANES)] = jnp.zeros((LANES,), jnp.int32)
    vidx[pl.ds(BPW, LANES)] = jnp.zeros((LANES,), jnp.int32)

    def issue(u, v, slot):
        cu = pl.multiple_of((u >> 7) << 7, 128)
        cv = pl.multiple_of((v >> 7) << 7, 128)
        pltpu.async_copy(wt_hbm.at[:, pl.ds(cu, 128)], wtile.at[slot],
                         semw[slot])
        pltpu.async_copy(ht_hbm.at[:, pl.ds(cv, 128)], htile.at[slot],
                         semh[slot])

    def drain(slot):
        pltpu.make_async_copy(wt_hbm.at[:, pl.ds(0, 128)],
                              wtile.at[slot], semw[slot]).wait()
        pltpu.make_async_copy(ht_hbm.at[:, pl.ds(0, 128)],
                              htile.at[slot], semh[slot]).wait()

    uvec0 = uidx[pl.ds(0, LANES)]
    vvec0 = vidx[pl.ds(0, LANES)]
    for p in range(AHEAD):
        issue(uvec0[p], vvec0[p], p)

    def group_body(g, carry):
        uvec, vvec = carry
        acc = jnp.zeros((LANES,), jnp.float32)
        unext, vnext = uvec, vvec
        for j in range(LANES):
            if j == LANES - AHEAD:
                unext = uidx[pl.ds((g + 1) * LANES, LANES)]
                vnext = vidx[pl.ds((g + 1) * LANES, LANES)]
            p = j + AHEAD
            if p < LANES:
                nu, nv = uvec[p], vvec[p]
            else:
                nu, nv = unext[p - LANES], vnext[p - LANES]
            slot = j % NBUF
            issue(nu, nv, p % NBUF)
            drain(slot)
            lu = jnp.broadcast_to(uvec[j] & 127, (LANES,))
            lv = jnp.broadcast_to(vvec[j] & 127, (LANES,))
            w0 = plsc.load_gather(wtile.at[slot], [lanes, lu])
            w1 = plsc.load_gather(wtile.at[slot], [lanes + LANES, lu])
            h0 = plsc.load_gather(htile.at[slot], [lanes, lv])
            h1 = plsc.load_gather(htile.at[slot], [lanes + LANES, lv])
            s = jnp.sum(w0 * h0 + w1 * h1)
            acc = jnp.where(lanes == j, s, acc)
        outv[pl.ds(g * LANES, LANES)] = acc
        return unext, vnext

    lax.fori_loop(0, BPW // LANES, group_body, (uvec0, vvec0))
    for p in range(AHEAD):
        drain((BPW + p) % NBUF)

    pltpu.sync_copy(outv, out_hbm.at[pl.ds(base, BPW)])


def kernel(x, W, H):
    return _mf_dot_kernel(x.T, W.T, H.T)

# --- scband reference (transcript-rebuilt; emitter-appended) ---
"""Pipeline reference for scband-mf-mrdr-mcdropout-48172353192633 (READ-ONLY COPY).

The authoritative reference and input builder live on the scoring server;
editing this copy changes nothing except your own understanding.
"""

import jax, jax.numpy as jnp
import numpy as np

NUM_USERS = 1000000
NUM_ITEMS = 1000000
EMBED_K = 32
BATCH = 16384

def setup_inputs(seed: int = 0) -> dict:
    key = jax.random.key(seed)
    k1, k2, k3 = jax.random.split(key, 3)
    # user/item index pairs, column 0 = user idx, column 1 = item idx
    x = jax.random.randint(k1, (BATCH, 2), 0, NUM_USERS, dtype=jnp.int32)
    # xavier_normal init for embedding tables: std = sqrt(2/(fan_in+fan_out))
    std = float(np.sqrt(2.0 / (NUM_USERS + EMBED_K)))
    W = jax.random.normal(k2, (NUM_USERS, EMBED_K), dtype=jnp.float32) * std
    H = jax.random.normal(k3, (NUM_ITEMS, EMBED_K), dtype=jnp.float32) * std
    return {"x": x, "W": W, "H": H}

def reference(x, W, H):
    # Faithful translation of MF_BaseModel.forward (the prediction model inside
    # MF_MRDR_MCDROPOUT) with is_training=False: embedding lookups + rowwise dot.
    user_idx = x[:, 0]
    item_idx = x[:, 1]
    U_emb = jnp.take(W, user_idx, axis=0)
    V_emb = jnp.take(H, item_idx, axis=0)
    out = jnp.sum(U_emb * V_emb, axis=1)
    return out

if __name__ == "__main__":
    import jax
    _d = setup_inputs()
    print(jax.jit(kernel)(*tuple(_d.values())))

</pallas_src>

<mosaic_0001>
#map = affine_map<(d0, d1) -> (0, 0)>
#map1 = affine_map<(d0, d1) -> (0)>
module attributes {stable_mosaic.version = 14 : i64} {
  func.func @_mf_dot_kernel(%arg0: i32, %arg1: i32, %arg2: memref<2x16384xi32, #tpu.memory_space<hbm>>, %arg3: memref<32x1000000xf32, #tpu.memory_space<hbm>>, %arg4: memref<32x1000000xf32, #tpu.memory_space<hbm>>, %arg5: memref<16384xf32, #tpu.memory_space<hbm>>, %arg6: memref<528xi32, #tpu.memory_space<vmem>>, %arg7: memref<528xi32, #tpu.memory_space<vmem>>, %arg8: memref<4x32x128xf32, #tpu.memory_space<vmem>>, %arg9: memref<4x32x128xf32, #tpu.memory_space<vmem>>, %arg10: memref<512xf32, #tpu.memory_space<vmem>>, %arg11: memref<!tpu.dma_semaphore, #tpu.memory_space<semaphore_mem>>, %arg12: memref<!tpu.dma_semaphore, #tpu.memory_space<semaphore_mem>>, %arg13: memref<!tpu.dma_semaphore, #tpu.memory_space<semaphore_mem>>, %arg14: memref<!tpu.dma_semaphore, #tpu.memory_space<semaphore_mem>>, %arg15: memref<!tpu.dma_semaphore, #tpu.memory_space<semaphore_mem>>, %arg16: memref<!tpu.dma_semaphore, #tpu.memory_space<semaphore_mem>>, %arg17: memref<!tpu.dma_semaphore, #tpu.memory_space<semaphore_mem>>, %arg18: memref<!tpu.dma_semaphore, #tpu.memory_space<semaphore_mem>>) attributes {dimension_semantics = [#tpu.dimension_semantics<core_parallel>, #tpu.dimension_semantics<subcore_parallel>], iteration_bounds = array<i64: 2, 16>, scalar_prefetch = 0 : i64, scratch_operands = 13 : i64, tpu.core_type = #tpu.core_type<sc_vector_subcore>, window_params = [{transform_indices = #map}, {transform_indices = #map}, {transform_indices = #map}, {transform_indices = #map1}]} {
    %mul3A = arith.constant 2 : i32
    %mul3A_0 = arith.muli %arg1, %mul3A : i32
    %add3A = arith.addi %mul3A_0, %arg0 : i32
    %mul3A_1 = arith.constant 512 : i32
    %mul3A_2 = arith.muli %add3A, %mul3A_1 : i32
    %iota3A = tpu.iota {dimensions = array<i32: 0>} : vector<16xi32>
    %multiple_of3A = tpu.assume_multiple %mul3A_2, 128 : i32
    %run_scoped3A = arith.constant 0 : i32
    "tpu.region"() ({
      %run_scoped3A_222 = tpu.sem_alloc : memref<!tpu.dma_semaphore, #tpu.memory_space<semaphore_mem>>
      %dma_start3A_223 = arith.constant 0 : i32
      %dma_start3A_224 = tpu.memref_slice %arg6[%dma_start3A_223] : memref<528xi32, #tpu.memory_space<vmem>> -> memref<512xi32, #tpu.memory_space<vmem>>
      %dma_start3A_225 = tpu.memref_slice %arg2[%run_scoped3A, %multiple_of3A] : memref<2x16384xi32, #tpu.memory_space<hbm>> -> memref<1x512xi32, #tpu.memory_space<hbm>>
      %dma_start3A_226 = tpu.memref_squeeze %dma_start3A_225 : memref<1x512xi32, #tpu.memory_space<hbm>> -> memref<512xi32, #tpu.memory_space<hbm>>
      %dma_start3A_227 = arith.constant 0 : i32
      %dma_start3A_228 = tpu.memref_slice %arg6[%dma_start3A_227] : memref<528xi32, #tpu.memory_space<vmem>> -> memref<512xi32, #tpu.memory_space<vmem>>
      %dma_start3A_229 = tpu.memref_slice %arg2[%run_scoped3A, %multiple_of3A] : memref<2x16384xi32, #tpu.memory_space<hbm>> -> memref<1x512xi32, #tpu.memory_space<hbm>>
      %dma_start3A_230 = tpu.memref_squeeze %dma_start3A_229 : memref<1x512xi32, #tpu.memory_space<hbm>> -> memref<512xi32, #tpu.memory_space<hbm>>
      tpu.enqueue_dma source(%dma_start3A_230 : memref<512xi32, #tpu.memory_space<hbm>>) target(%dma_start3A_228 : memref<512xi32, #tpu.memory_space<vmem>>) target_semaphore(%run_scoped3A_222 : memref<!tpu.dma_semaphore, #tpu.memory_space<semaphore_mem>>)
      %dma_wait3A_231 = arith.constant 0 : i32
      %dma_wait3A_232 = tpu.memref_slice %arg6[%dma_wait3A_231] : memref<528xi32, #tpu.memory_space<vmem>> -> memref<512xi32, #tpu.memory_space<vmem>>
      %dma_wait3A_233 = tpu.memref_slice %arg2[%run_scoped3A, %multiple_of3A] : memref<2x16384xi32, #tpu.memory_space<hbm>> -> memref<1x512xi32, #tpu.memory_space<hbm>>
      %dma_wait3A_234 = tpu.memref_squeeze %dma_wait3A_233 : memref<1x512xi32, #tpu.memory_space<hbm>> -> memref<512xi32, #tpu.memory_space<hbm>>
      %dma_wait3A_235 = arith.constant 0 : i32
      %dma_wait3A_236 = tpu.memref_slice %arg6[%dma_wait3A_235] : memref<528xi32, #tpu.memory_space<vmem>> -> memref<512xi32, #tpu.memory_space<vmem>>
      %dma_wait3A_237 = tpu.memref_slice %arg2[%run_scoped3A, %multiple_of3A] : memref<2x16384xi32, #tpu.memory_space<hbm>> -> memref<1x512xi32, #tpu.memory_space<hbm>>
      %dma_wait3A_238 = tpu.memref_squeeze %dma_wait3A_237 : memref<1x512xi32, #tpu.memory_space<hbm>> -> memref<512xi32, #tpu.memory_space<hbm>>
      tpu.wait_dma2 semaphore(%run_scoped3A_222 : memref<!tpu.dma_semaphore, #tpu.memory_space<semaphore_mem>>) src(%dma_wait3A_238 : memref<512xi32, #tpu.memory_space<hbm>>) dst(%dma_wait3A_236 : memref<512xi32, #tpu.memory_space<vmem>>)
      tpu.yield
    }) : () -> ()
    %run_scoped3A_3 = arith.constant 1 : i32
    "tpu.region"() ({
      %run_scoped3A_222 = tpu.sem_alloc : memref<!tpu.dma_semaphore, #tpu.memory_space<semaphore_mem>>
      %dma_start3A_223 = arith.constant 0 : i32
      %dma_start3A_224 = tpu.memref_slice %arg7[%dma_start3A_223] : memref<528xi32, #tpu.memory_space<vmem>> -> memref<512xi32, #tpu.memory_space<vmem>>
      %dma_start3A_225 = tpu.memref_slice %arg2[%run_scoped3A_3, %multiple_of3A] : memref<2x16384xi32, #tpu.memory_space<hbm>> -> memref<1x512xi32, #tpu.memory_space<hbm>>
      %dma_start3A_226 = tpu.memref_squeeze %dma_start3A_225 : memref<1x512xi32, #tpu.memory_space<hbm>> -> memref<512xi32, #tpu.memory_space<hbm>>
      %dma_start3A_227 = arith.constant 0 : i32
      %dma_start3A_228 = tpu.memref_slice %arg7[%dma_start3A_227] : memref<528xi32, #tpu.memory_space<vmem>> -> memref<512xi32, #tpu.memory_space<vmem>>
      %dma_start3A_229 = tpu.memref_slice %arg2[%run_scoped3A_3, %multiple_of3A] : memref<2x16384xi32, #tpu.memory_space<hbm>> -> memref<1x512xi32, #tpu.memory_space<hbm>>
      %dma_start3A_230 = tpu.memref_squeeze %dma_start3A_229 : memref<1x512xi32, #tpu.memory_space<hbm>> -> memref<512xi32, #tpu.memory_space<hbm>>
      tpu.enqueue_dma source(%dma_start3A_230 : memref<512xi32, #tpu.memory_space<hbm>>) target(%dma_start3A_228 : memref<512xi32, #tpu.memory_space<vmem>>) target_semaphore(%run_scoped3A_222 : memref<!tpu.dma_semaphore, #tpu.memory_space<semaphore_mem>>)
      %dma_wait3A_231 = arith.constant 0 : i32
      %dma_wait3A_232 = tpu.memref_slice %arg7[%dma_wait3A_231] : memref<528xi32, #tpu.memory_space<vmem>> -> memref<512xi32, #tpu.memory_space<vmem>>
      %dma_wait3A_233 = tpu.memref_slice %arg2[%run_scoped3A_3, %multiple_of3A] : memref<2x16384xi32, #tpu.memory_space<hbm>> -> memref<1x512xi32, #tpu.memory_space<hbm>>
      %dma_wait3A_234 = tpu.memref_squeeze %dma_wait3A_233 : memref<1x512xi32, #tpu.memory_space<hbm>> -> memref<512xi32, #tpu.memory_space<hbm>>
      %dma_wait3A_235 = arith.constant 0 : i32
      %dma_wait3A_236 = tpu.memref_slice %arg7[%dma_wait3A_235] : memref<528xi32, #tpu.memory_space<vmem>> -> memref<512xi32, #tpu.memory_space<vmem>>
      %dma_wait3A_237 = tpu.memref_slice %arg2[%run_scoped3A_3, %multiple_of3A] : memref<2x16384xi32, #tpu.memory_space<hbm>> -> memref<1x512xi32, #tpu.memory_space<hbm>>
      %dma_wait3A_238 = tpu.memref_squeeze %dma_wait3A_237 : memref<1x512xi32, #tpu.memory_space<hbm>> -> memref<512xi32, #tpu.memory_space<hbm>>
      tpu.wait_dma2 semaphore(%run_scoped3A_222 : memref<!tpu.dma_semaphore, #tpu.memory_space<semaphore_mem>>) src(%dma_wait3A_238 : memref<512xi32, #tpu.memory_space<hbm>>) dst(%dma_wait3A_236 : memref<512xi32, #tpu.memory_space<vmem>>)
      tpu.yield
    }) : () -> ()
    %broadcast_in_dim3A = arith.constant 0 : i32
    %broadcast_in_dim3A_4 = vector.broadcast %broadcast_in_dim3A : i32 to vector<16xi32>
    %swap3A = arith.constant 512 : index
    %swap3A_5 = tpu.vector_load %arg6[%swap3A] {strides = array<i32>} : memref<528xi32, #tpu.memory_space<vmem>>, vector<16xi32>,
    tpu.vector_store %arg6[%swap3A], %broadcast_in_dim3A_4 {strides = array<i32>} : memref<528xi32, #tpu.memory_space<vmem>>, vector<16xi32>,
    %broadcast_in_dim3A_6 = arith.constant 0 : i32
    %broadcast_in_dim3A_7 = vector.broadcast %broadcast_in_dim3A_6 : i32 to vector<16xi32>
    %swap3A_8 = arith.constant 512 : index
    %swap3A_9 = tpu.vector_load %arg7[%swap3A_8] {strides = array<i32>} : memref<528xi32, #tpu.memory_space<vmem>>, vector<16xi32>,
    tpu.vector_store %arg7[%swap3A_8], %broadcast_in_dim3A_7 {strides = array<i32>} : memref<528xi32, #tpu.memory_space<vmem>>, vector<16xi32>,
    %get3A = arith.constant 0 : index
    %get3A_10 = tpu.vector_load %arg6[%get3A] {strides = array<i32>} : memref<528xi32, #tpu.memory_space<vmem>>, vector<16xi32>,
    %get3A_11 = arith.constant 0 : index
    %get3A_12 = tpu.vector_load %arg7[%get3A_11] {strides = array<i32>} : memref<528xi32, #tpu.memory_space<vmem>>, vector<16xi32>,
    %slice3A = vector.extract_strided_slice %get3A_10 {offsets = [0], sizes = [1], strides = [1]} : vector<16xi32> to vector<1xi32>
    %squeeze3A = vector.extract %slice3A[0] : i32 from vector<1xi32>
    %slice3A_13 = vector.extract_strided_slice %get3A_12 {offsets = [0], sizes = [1], strides = [1]} : vector<16xi32> to vector<1xi32>
    %squeeze3A_14 = vector.extract %slice3A_13[0] : i32 from vector<1xi32>
    %shift_right_arithmetic3A = arith.constant 7 : i32
    %shift_right_arithmetic3A_15 = arith.shrsi %squeeze3A, %shift_right_arithmetic3A : i32
    %shift_left3A = arith.constant 7 : i32
    %shift_left3A_16 = arith.shli %shift_right_arithmetic3A_15, %shift_left3A : i32
    %multiple_of3A_17 = tpu.assume_multiple %shift_left3A_16, 128 : i32
    %shift_right_arithmetic3A_18 = arith.constant 7 : i32
    %shift_right_arithmetic3A_19 = arith.shrsi %squeeze3A_14, %shift_right_arithmetic3A_18 : i32
    %shift_left3A_20 = arith.constant 7 : i32
    %shift_left3A_21 = arith.shli %shift_right_arithmetic3A_19, %shift_left3A_20 : i32
    %multiple_of3A_22 = tpu.assume_multiple %shift_left3A_21, 128 : i32
    %dma_start3A = arith.constant 0 : i32
    %dma_start3A_23 = arith.constant 0 : i32
    %dma_start3A_24 = arith.constant 0 : i32
    %dma_start3A_25 = tpu.memref_slice %arg8[%dma_start3A, %dma_start3A_23, %dma_start3A_24] : memref<4x32x128xf32, #tpu.memory_space<vmem>> -> memref<1x32x128xf32, #tpu.memory_space<vmem>>
    %dma_start3A_26 = tpu.memref_squeeze %dma_start3A_25 : memref<1x32x128xf32, #tpu.memory_space<vmem>> -> memref<32x128xf32, #tpu.memory_space<vmem>>
    %dma_start3A_27 = arith.constant 0 : i32
    %dma_start3A_28 = tpu.memref_slice %arg3[%dma_start3A_27, %multiple_of3A_17] : memref<32x1000000xf32, #tpu.memory_space<hbm>> -> memref<32x128xf32, #tpu.memory_space<hbm>>
    %dma_start3A_29 = arith.constant 0 : i32
    %dma_start3A_30 = arith.constant 0 : i32
    %dma_start3A_31 = tpu.memref_slice %arg8[%dma_start3A, %dma_start3A_29, %dma_start3A_30] : memref<4x32x128xf32, #tpu.memory_space<vmem>> -> memref<1x32x128xf32, #tpu.memory_space<vmem>>
    %dma_start3A_32 = tpu.memref_squeeze %dma_start3A_31 : memref<1x32x128xf32, #tpu.memory_space<vmem>> -> memref<32x128xf32, #tpu.memory_space<vmem>>
    %dma_start3A_33 = arith.constant 0 : i32
    %dma_start3A_34 = tpu.memref_slice %arg3[%dma_start3A_33, %multiple_of3A_17] : memref<32x1000000xf32, #tpu.memory_space<hbm>> -> memref<32x128xf32, #tpu.memory_space<hbm>>
    tpu.enqueue_dma source(%dma_start3A_34 : memref<32x128xf32, #tpu.memory_space<hbm>>) target(%dma_start3A_32 : memref<32x128xf32, #tpu.memory_space<vmem>>) target_semaphore(%arg11 : memref<!tpu.dma_semaphore, #tpu.memory_space<semaphore_mem>>)
    %dma_start3A_35 = arith.constant 0 : i32
    %dma_start3A_36 = arith.constant 0 : i32
    %dma_start3A_37 = arith.constant 0 : i32
    %dma_start3A_38 = tpu.memref_slice %arg9[%dma_start3A_35, %dma_start3A_36, %dma_start3A_37] : memref<4x32x128xf32, #tpu.memory_space<vmem>> -> memref<1x32x128xf32, #tpu.memory_space<vmem>>
    %dma_start3A_39 = tpu.memref_squeeze %dma_start3A_38 : memref<1x32x128xf32, #tpu.memory_space<vmem>> -> memref<32x128xf32, #tpu.memory_space<vmem>>
    %dma_start3A_40 = arith.constant 0 : i32
    %dma_start3A_41 = tpu.memref_slice %arg4[%dma_start3A_40, %multiple_of3A_22] : memref<32x1000000xf32, #tpu.memory_space<hbm>> -> memref<32x128xf32, #tpu.memory_space<hbm>>
    %dma_start3A_42 = arith.constant 0 : i32
    %dma_start3A_43 = arith.constant 0 : i32
    %dma_start3A_44 = tpu.memref_slice %arg9[%dma_start3A_35, %dma_start3A_42, %dma_start3A_43] : memref<4x32x128xf32, #tpu.memory_space<vmem>> -> memref<1x32x128xf32, #tpu.memory_space<vmem>>
    %dma_start3A_45 = tpu.memref_squeeze %dma_start3A_44 : memref<1x32x128xf32, #tpu.memory_space<vmem>> -> memref<32x128xf32, #tpu.memory_space<vmem>>
    %dma_start3A_46 = arith.constant 0 : i32
    %dma_start3A_47 = tpu.memref_slice %arg4[%dma_start3A_46, %multiple_of3A_22] : memref<32x1000000xf32, #tpu.memory_space<hbm>> -> memref<32x128xf32, #tpu.memory_space<hbm>>
    tpu.enqueue_dma source(%dma_start3A_47 : memref<32x128xf32, #tpu.memory_space<hbm>>) target(%dma_start3A_45 : memref<32x128xf32, #tpu.memory_space<vmem>>) target_semaphore(%arg15 : memref<!tpu.dma_semaphore, #tpu.memory_space<semaphore_mem>>)
    %slice3A_48 = vector.extract_strided_slice %get3A_10 {offsets = [1], sizes = [1], strides = [1]} : vector<16xi32> to vector<1xi32>
    %squeeze3A_49 = vector.extract %slice3A_48[0] : i32 from vector<1xi32>
    %slice3A_50 = vector.extract_strided_slice %get3A_12 {offsets = [1], sizes = [1], strides = [1]} : vector<16xi32> to vector<1xi32>
    %squeeze3A_51 = vector.extract %slice3A_50[0] : i32 from vector<1xi32>
    %shift_right_arithmetic3A_52 = arith.constant 7 : i32
    %shift_right_arithmetic3A_53 = arith.shrsi %squeeze3A_49, %shift_right_arithmetic3A_52 : i32
    %shift_left3A_54 = arith.constant 7 : i32
    %shift_left3A_55 = arith.shli %shift_right_arithmetic3A_53, %shift_left3A_54 : i32
    %multiple_of3A_56 = tpu.assume_multiple %shift_left3A_55, 128 : i32
    %shift_right_arithmetic3A_57 = arith.constant 7 : i32
    %shift_right_arithmetic3A_58 = arith.shrsi %squeeze3A_51, %shift_right_arithmetic3A_57 : i32
    %shift_left3A_59 = arith.constant 7 : i32
    %shift_left3A_60 = arith.shli %shift_right_arithmetic3A_58, %shift_left3A_59 : i32
    %multiple_of3A_61 = tpu.assume_multiple %shift_left3A_60, 128 : i32
    %dma_start3A_62 = arith.constant 1 : i32
    %dma_start3A_63 = arith.constant 0 : i32
    %dma_start3A_64 = arith.constant 0 : i32
    %dma_start3A_65 = tpu.memref_slice %arg8[%dma_start3A_62, %dma_start3A_63, %dma_start3A_64] : memref<4x32x128xf32, #tpu.memory_space<vmem>> -> memref<1x32x128xf32, #tpu.memory_space<vmem>>
    %dma_start3A_66 = tpu.memref_squeeze %dma_start3A_65 : memref<1x32x128xf32, #tpu.memory_space<vmem>> -> memref<32x128xf32, #tpu.memory_space<vmem>>
    %dma_start3A_67 = arith.constant 0 : i32
    %dma_start3A_68 = tpu.memref_slice %arg3[%dma_start3A_67, %multiple_of3A_56] : memref<32x1000000xf32, #tpu.memory_space<hbm>> -> memref<32x128xf32, #tpu.memory_space<hbm>>
    %dma_start3A_69 = arith.constant 0 : i32
    %dma_start3A_70 = arith.constant 0 : i32
    %dma_start3A_71 = tpu.memref_slice %arg8[%dma_start3A_62, %dma_start3A_69, %dma_start3A_70] : memref<4x32x128xf32, #tpu.memory_space<vmem>> -> memref<1x32x128xf32, #tpu.memory_space<vmem>>
    %dma_start3A_72 = tpu.memref_squeeze %dma_start3A_71 : memref<1x32x128xf32, #tpu.memory_space<vmem>> -> memref<32x128xf32, #tpu.memory_space<vmem>>
    %dma_start3A_73 = arith.constant 0 : i32
    %dma_start3A_74 = tpu.memref_slice %arg3[%dma_start3A_73, %multiple_of3A_56] : memref<32x1000000xf32, #tpu.memory_space<hbm>> -> memref<32x128xf32, #tpu.memory_space<hbm>>
    tpu.enqueue_dma source(%dma_start3A_74 : memref<32x128xf32, #tpu.memory_space<hbm>>) target(%dma_start3A_72 : memref<32x128xf32, #tpu.memory_space<vmem>>) target_semaphore(%arg12 : memref<!tpu.dma_semaphore, #tpu.memory_space<semaphore_mem>>)
    %dma_start3A_75 = arith.constant 1 : i32
    %dma_start3A_76 = arith.constant 0 : i32
    %dma_start3A_77 = arith.constant 0 : i32
    %dma_start3A_78 = tpu.memref_slice %arg9[%dma_start3A_75, %dma_start3A_76, %dma_start3A_77] : memref<4x32x128xf32, #tpu.memory_space<vmem>> -> memref<1x32x128xf32, #tpu.memory_space<vmem>>
    %dma_start3A_79 = tpu.memref_squeeze %dma_start3A_78 : memref<1x32x128xf32, #tpu.memory_space<vmem>> -> memref<32x128xf32, #tpu.memory_space<vmem>>
    %dma_start3A_80 = arith.constant 0 : i32
    %dma_start3A_81 = tpu.memref_slice %arg4[%dma_start3A_80, %multiple_of3A_61] : memref<32x1000000xf32, #tpu.memory_space<hbm>> -> memref<32x128xf32, #tpu.memory_space<hbm>>
    %dma_start3A_82 = arith.constant 0 : i32
    %dma_start3A_83 = arith.constant 0 : i32
    %dma_start3A_84 = tpu.memref_slice %arg9[%dma_start3A_75, %dma_start3A_82, %dma_start3A_83] : memref<4x32x128xf32, #tpu.memory_space<vmem>> -> memref<1x32x128xf32, #tpu.memory_space<vmem>>
    %dma_start3A_85 = tpu.memref_squeeze %dma_start3A_84 : memref<1x32x128xf32, #tpu.memory_space<vmem>> -> memref<32x128xf32, #tpu.memory_space<vmem>>
    %dma_start3A_86 = arith.constant 0 : i32
    %dma_start3A_87 = tpu.memref_slice %arg4[%dma_start3A_86, %multiple_of3A_61] : memref<32x1000000xf32, #tpu.memory_space<hbm>> -> memref<32x128xf32, #tpu.memory_space<hbm>>
    tpu.enqueue_dma source(%dma_start3A_87 : memref<32x128xf32, #tpu.memory_space<hbm>>) target(%dma_start3A_85 : memref<32x128xf32, #tpu.memory_space<vmem>>) target_semaphore(%arg16 : memref<!tpu.dma_semaphore, #tpu.memory_space<semaphore_mem>>)
    %slice3A_88 = vector.extract_strided_slice %get3A_10 {offsets = [2], sizes = [1], strides = [1]} : vector<16xi32> to vector<1xi32>
    %squeeze3A_89 = vector.extract %slice3A_88[0] : i32 from vector<1xi32>
    %slice3A_90 = vector.extract_strided_slice %get3A_12 {offsets = [2], sizes = [1], strides = [1]} : vector<16xi32> to vector<1xi32>
    %squeeze3A_91 = vector.extract %slice3A_90[0] : i32 from vector<1xi32>
    %shift_right_arithmetic3A_92 = arith.constant 7 : i32
    %shift_right_arithmetic3A_93 = arith.shrsi %squeeze3A_89, %shift_right_arithmetic3A_92 : i32
    %shift_left3A_94 = arith.constant 7 : i32
    %shift_left3A_95 = arith.shli %shift_right_arithmetic3A_93, %shift_left3A_94 : i32
    %multiple_of3A_96 = tpu.assume_multiple %shift_left3A_95, 128 : i32
    %shift_right_arithmetic3A_97 = arith.constant 7 : i32
    %shift_right_arithmetic3A_98 = arith.shrsi %squeeze3A_91, %shift_right_arithmetic3A_97 : i32
    %shift_left3A_99 = arith.constant 7 : i32
    %shift_left3A_100 = arith.shli %shift_right_arithmetic3A_98, %shift_left3A_99 : i32
    %multiple_of3A_101 = tpu.assume_multiple %shift_left3A_100, 128 : i32
    %dma_start3A_102 = arith.constant 2 : i32
    %dma_start3A_103 = arith.constant 0 : i32
    %dma_start3A_104 = arith.constant 0 : i32
    %dma_start3A_105 = tpu.memref_slice %arg8[%dma_start3A_102, %dma_start3A_103, %dma_start3A_104] : memref<4x32x128xf32, #tpu.memory_space<vmem>> -> memref<1x32x128xf32, #tpu.memory_space<vmem>>
    %dma_start3A_106 = tpu.memref_squeeze %dma_start3A_105 : memref<1x32x128xf32, #tpu.memory_space<vmem>> -> memref<32x128xf32, #tpu.memory_space<vmem>>
    %dma_start3A_107 = arith.constant 0 : i32
    %dma_start3A_108 = tpu.memref_slice %arg3[%dma_start3A_107, %multiple_of3A_96] : memref<32x1000000xf32, #tpu.memory_space<hbm>> -> memref<32x128xf32, #tpu.memory_space<hbm>>
    %dma_start3A_109 = arith.constant 0 : i32
    %dma_start3A_110 = arith.constant 0 : i32
    %dma_start3A_111 = tpu.memref_slice %arg8[%dma_start3A_102, %dma_start3A_109, %dma_start3A_110] : memref<4x32x128xf32, #tpu.memory_space<vmem>> -> memref<1x32x128xf32, #tpu.memory_space<vmem>>
    %dma_start3A_112 = tpu.memref_squeeze %dma_start3A_111 : memref<1x32x128xf32, #tpu.memory_space<vmem>> -> memref<32x128xf32, #tpu.memory_space<vmem>>
    %dma_start3A_113 = arith.constant 0 : i32
    %dma_start3A_114 = tpu.memref_slice %arg3[%dma_start3A_113, %multiple_of3A_96] : memref<32x1000000xf32, #tpu.memory_space<hbm>> -> memref<32x128xf32, #tpu.memory_space<hbm>>
    tpu.enqueue_dma source(%dma_start3A_114 : memref<32x128xf32, #tpu.memory_space<hbm>>) target(%dma_start3A_112 : memref<32x128xf32, #tpu.memory_space<vmem>>) target_semaphore(%arg13 : memref<!tpu.dma_semaphore, #tpu.memory_space<semaphore_mem>>)
    %dma_start3A_115 = arith.constant 2 : i32
    %dma_start3A_116 = arith.constant 0 : i32
    %dma_start3A_117 = arith.constant 0 : i32
    %dma_start3A_118 = tpu.memref_slice %arg9[%dma_start3A_115, %dma_start3A_116, %dma_start3A_117] : memref<4x32x128xf32, #tpu.memory_space<vmem>> -> memref<1x32x128xf32, #tpu.memory_space<vmem>>
    %dma_start3A_119 = tpu.memref_squeeze %dma_start3A_118 : memref<1x32x128xf32, #tpu.memory_space<vmem>> -> memref<32x128xf32, #tpu.memory_space<vmem>>
    %dma_start3A_120 = arith.constant 0 : i32
    %dma_start3A_121 = tpu.memref_slice %arg4[%dma_start3A_120, %multiple_of3A_101] : memref<32x1000000xf32, #tpu.memory_space<hbm>> -> memref<32x128xf32, #tpu.memory_space<hbm>>
    %dma_start3A_122 = arith.constant 0 : i32
    %dma_start3A_123 = arith.constant 0 : i32
    %dma_start3A_124 = tpu.memref_slice %arg9[%dma_start3A_115, %dma_start3A_122, %dma_start3A_123] : memref<4x32x128xf32, #tpu.memory_space<vmem>> -> memref<1x32x128xf32, #tpu.memory_space<vmem>>
    %dma_start3A_125 = tpu.memref_squeeze %dma_start3A_124 : memref<1x32x128xf32, #tpu.memory_space<vmem>> -> memref<32x128xf32, #tpu.memory_space<vmem>>
    %dma_start3A_126 = arith.constant 0 : i32
    %dma_start3A_127 = tpu.memref_slice %arg4[%dma_start3A_126, %multiple_of3A_101] : memref<32x1000000xf32, #tpu.memory_space<hbm>> -> memref<32x128xf32, #tpu.memory_space<hbm>>
    tpu.enqueue_dma source(%dma_start3A_127 : memref<32x128xf32, #tpu.memory_space<hbm>>) target(%dma_start3A_125 : memref<32x128xf32, #tpu.memory_space<vmem>>) target_semaphore(%arg17 : memref<!tpu.dma_semaphore, #tpu.memory_space<semaphore_mem>>)
    %scan3A = arith.constant 0 : i32
    %scan3A_128 = arith.constant 32 : i32
    %scan3A_129 = arith.addi %scan3A, %scan3A_128 : i32
    %scan3A_130 = arith.constant 1 : i32
    %scan3A_131:2 = scf.for %scan3A_222 = %scan3A to %scan3A_129 step %scan3A_130 iter_args(%scan3A_223 = %get3A_10, %scan3A_224 = %get3A_12) -> (vector<16xi32>, vector<16xi32>)  : i32 {
      %broadcast_in_dim3A_225 = arith.constant 0.000000e+00 : f32
      %broadcast_in_dim3A_226 = vector.broadcast %broadcast_in_dim3A_225 : f32 to vector<16xf32>
      %slice3A_227 = vector.extract_strided_slice %scan3A_223 {offsets = [3], sizes = [1], strides = [1]} : vector<16xi32> to vector<1xi32>
      %squeeze3A_228 = vector.extract %slice3A_227[0] : i32 from vector<1xi32>
      %slice3A_229 = vector.extract_strided_slice %scan3A_224 {offsets = [3], sizes = [1], strides = [1]} : vector<16xi32> to vector<1xi32>
      %squeeze3A_230 = vector.extract %slice3A_229[0] : i32 from vector<1xi32>
      %shift_right_arithmetic3A_231 = arith.constant 7 : i32
      %shift_right_arithmetic3A_232 = arith.shrsi %squeeze3A_228, %shift_right_arithmetic3A_231 : i32
      %shift_left3A_233 = arith.constant 7 : i32
      %shift_left3A_234 = arith.shli %shift_right_arithmetic3A_232, %shift_left3A_233 : i32
      %multiple_of3A_235 = tpu.assume_multiple %shift_left3A_234, 128 : i32
      %shift_right_arithmetic3A_236 = arith.constant 7 : i32
      %shift_right_arithmetic3A_237 = arith.shrsi %squeeze3A_230, %shift_right_arithmetic3A_236 : i32
      %shift_left3A_238 = arith.constant 7 : i32
      %shift_left3A_239 = arith.shli %shift_right_arithmetic3A_237, %shift_left3A_238 : i32
      %multiple_of3A_240 = tpu.assume_multiple %shift_left3A_239, 128 : i32
      %dma_start3A_241 = arith.constant 3 : i32
      %dma_start3A_242 = arith.constant 0 : i32
      %dma_start3A_243 = arith.constant 0 : i32
      %dma_start3A_244 = tpu.memref_slice %arg8[%dma_start3A_241, %dma_start3A_242, %dma_start3A_243] : memref<4x32x128xf32, #tpu.memory_space<vmem>> -> memref<1x32x128xf32, #tpu.memory_space<vmem>>
      %dma_start3A_245 = tpu.memref_squeeze %dma_start3A_244 : memref<1x32x128xf32, #tpu.memory_space<vmem>> -> memref<32x128xf32, #tpu.memory_space<vmem>>
      %dma_start3A_246 = arith.constant 0 : i32
      %dma_start3A_247 = tpu.memref_slice %arg3[%dma_start3A_246, %multiple_of3A_235] : memref<32x1000000xf32, #tpu.memory_space<hbm>> -> memref<32x128xf32, #tpu.memory_space<hbm>>
      %dma_start3A_248 = arith.constant 0 : i32
      %dma_start3A_249 = arith.constant 0 : i32
      %dma_start3A_250 = tpu.memref_slice %arg8[%dma_start3A_241, %dma_start3A_248, %dma_start3A_249] : memref<4x32x128xf32, #tpu.memory_space<vmem>> -> memref<1x32x128xf32, #tpu.memory_space<vmem>>
      %dma_start3A_251 = tpu.memref_squeeze %dma_start3A_250 : memref<1x32x128xf32, #tpu.memory_space<vmem>> -> memref<32x128xf32, #tpu.memory_space<vmem>>
      %dma_start3A_252 = arith.constant 0 : i32
      %dma_start3A_253 = tpu.memref_slice %arg3[%dma_start3A_252, %multiple_of3A_235] : memref<32x1000000xf32, #tpu.memory_space<hbm>> -> memref<32x128xf32, #tpu.memory_space<hbm>>
      tpu.enqueue_dma source(%dma_start3A_253 : memref<32x128xf32, #tpu.memory_space<hbm>>) target(%dma_start3A_251 : memref<32x128xf32, #tpu.memory_space<vmem>>) target_semaphore(%arg14 : memref<!tpu.dma_semaphore, #tpu.memory_space<semaphore_mem>>)
      %dma_start3A_254 = arith.constant 3 : i32
      %dma_start3A_255 = arith.constant 0 : i32
      %dma_start3A_256 = arith.constant 0 : i32
      %dma_start3A_257 = tpu.memref_slice %arg9[%dma_start3A_254, %dma_start3A_255, %dma_start3A_256] : memref<4x32x128xf32, #tpu.memory_space<vmem>> -> memref<1x32x128xf32, #tpu.memory_space<vmem>>
      %dma_start3A_258 = tpu.memref_squeeze %dma_start3A_257 : memref<1x32x128xf32, #tpu.memory_space<vmem>> -> memref<32x128xf32, #tpu.memory_space<vmem>>
      %dma_start3A_259 = arith.constant 0 : i32
      %dma_start3A_260 = tpu.memref_slice %arg4[%dma_start3A_259, %multiple_of3A_240] : memref<32x1000000xf32, #tpu.memory_space<hbm>> -> memref<32x128xf32, #tpu.memory_space<hbm>>
      %dma_start3A_261 = arith.constant 0 : i32
      %dma_start3A_262 = arith.constant 0 : i32
      %dma_start3A_263 = tpu.memref_slice %arg9[%dma_start3A_254, %dma_start3A_261, %dma_start3A_262] : memref<4x32x128xf32, #tpu.memory_space<vmem>> -> memref<1x32x128xf32, #tpu.memory_space<vmem>>
      %dma_start3A_264 = tpu.memref_squeeze %dma_start3A_263 : memref<1x32x128xf32, #tpu.memory_space<vmem>> -> memref<32x128xf32, #tpu.memory_space<vmem>>
      %dma_start3A_265 = arith.constant 0 : i32
      %dma_start3A_266 = tpu.memref_slice %arg4[%dma_start3A_265, %multiple_of3A_240] : memref<32x1000000xf32, #tpu.memory_space<hbm>> -> memref<32x128xf32, #tpu.memory_space<hbm>>
      tpu.enqueue_dma source(%dma_start3A_266 : memref<32x128xf32, #tpu.memory_space<hbm>>) target(%dma_start3A_264 : memref<32x128xf32, #tpu.memory_space<vmem>>) target_semaphore(%arg18 : memref<!tpu.dma_semaphore, #tpu.memory_space<semaphore_mem>>)
      %dma_wait3A_267 = arith.constant 0 : i32
      %dma_wait3A_268 = arith.constant 0 : i32
      %dma_wait3A_269 = arith.constant 0 : i32
      %dma_wait3A_270 = tpu.memref_slice %arg8[%dma_wait3A_267, %dma_wait3A_268, %dma_wait3A_269] : memref<4x32x128xf32, #tpu.memory_space<vmem>> -> memref<1x32x128xf32, #tpu.memory_space<vmem>>
      %dma_wait3A_271 = tpu.memref_squeeze %dma_wait3A_270 : memref<1x32x128xf32, #tpu.memory_space<vmem>> -> memref<32x128xf32, #tpu.memory_space<vmem>>
      %dma_wait3A_272 = arith.constant 0 : i32
      %dma_wait3A_273 = arith.constant 0 : i32
      %dma_wait3A_274 = tpu.memref_slice %arg3[%dma_wait3A_272, %dma_wait3A_273] : memref<32x1000000xf32, #tpu.memory_space<hbm>> -> memref<32x128xf32, #tpu.memory_space<hbm>>
      %dma_wait3A_275 = arith.constant 0 : i32
      %dma_wait3A_276 = arith.constant 0 : i32
      %dma_wait3A_277 = tpu.memref_slice %arg8[%dma_wait3A_267, %dma_wait3A_275, %dma_wait3A_276] : memref<4x32x128xf32, #tpu.memory_space<vmem>> -> memref<1x32x128xf32, #tpu.memory_space<vmem>>
      %dma_wait3A_278 = tpu.memref_squeeze %dma_wait3A_277 : memref<1x32x128xf32, #tpu.memory_space<vmem>> -> memref<32x128xf32, #tpu.memory_space<vmem>>
      %dma_wait3A_279 = arith.constant 0 : i32
      %dma_wait3A_280 = arith.constant 0 : i32
      %dma_wait3A_281 = tpu.memref_slice %arg3[%dma_wait3A_279, %dma_wait3A_280] : memref<32x1000000xf32, #tpu.memory_space<hbm>> -> memref<32x128xf32, #tpu.memory_space<hbm>>
      tpu.wait_dma2 semaphore(%arg11 : memref<!tpu.dma_semaphore, #tpu.memory_space<semaphore_mem>>) src(%dma_wait3A_281 : memref<32x128xf32, #tpu.memory_space<hbm>>) dst(%dma_wait3A_278 : memref<32x128xf32, #tpu.memory_space<vmem>>)
      %dma_wait3A_282 = arith.constant 0 : i32
      %dma_wait3A_283 = arith.constant 0 : i32
      %dma_wait3A_284 = arith.constant 0 : i32
      %dma_wait3A_285 = tpu.memref_slice %arg9[%dma_wait3A_282, %dma_wait3A_283, %dma_wait3A_284] : memref<4x32x128xf32, #tpu.memory_space<vmem>> -> memref<1x32x128xf32, #tpu.memory_space<vmem>>
      %dma_wait3A_286 = tpu.memref_squeeze %dma_wait3A_285 : memref<1x32x128xf32, #tpu.memory_space<vmem>> -> memref<32x128xf32, #tpu.memory_space<vmem>>
      %dma_wait3A_287 = arith.constant 0 : i32
      %dma_wait3A_288 = arith.constant 0 : i32
      %dma_wait3A_289 = tpu.memref_slice %arg4[%dma_wait3A_287, %dma_wait3A_288] : memref<32x1000000xf32, #tpu.memory_space<hbm>> -> memref<32x128xf32, #tpu.memory_space<hbm>>
      %dma_wait3A_290 = arith.constant 0 : i32
      %dma_wait3A_291 = arith.constant 0 : i32
      %dma_wait3A_292 = tpu.memref_slice %arg9[%dma_wait3A_282, %dma_wait3A_290, %dma_wait3A_291] : memref<4x32x128xf32, #tpu.memory_space<vmem>> -> memref<1x32x128xf32, #tpu.memory_space<vmem>>
      %dma_wait3A_293 = tpu.memref_squeeze %dma_wait3A_292 : memref<1x32x128xf32, #tpu.memory_space<vmem>> -> memref<32x128xf32, #tpu.memory_space<vmem>>
      %dma_wait3A_294 = arith.constant 0 : i32
      %dma_wait3A_295 = arith.constant 0 : i32
      %dma_wait3A_296 = tpu.memref_slice %arg4[%dma_wait3A_294, %dma_wait3A_295] : memref<32x1000000xf32, #tpu.memory_space<hbm>> -> memref<32x128xf32, #tpu.memory_space<hbm>>
      tpu.wait_dma2 semaphore(%arg15 : memref<!tpu.dma_semaphore, #tpu.memory_space<semaphore_mem>>) src(%dma_wait3A_296 : memref<32x128xf32, #tpu.memory_space<hbm>>) dst(%dma_wait3A_293 : memref<32x128xf32, #tpu.memory_space<vmem>>)
      %slice3A_297 = vector.extract_strided_slice %scan3A_223 {offsets = [0], sizes = [1], strides = [1]} : vector<16xi32> to vector<1xi32>
      %squeeze3A_298 = vector.extract %slice3A_297[0] : i32 from vector<1xi32>
      %and3A = arith.constant 127 : i32
      %and3A_299 = arith.andi %squeeze3A_298, %and3A : i32
      %broadcast_in_dim3A_300 = vector.broadcast %and3A_299 : i32 to vector<16xi32>
      %slice3A_301 = vector.extract_strided_slice %scan3A_224 {offsets = [0], sizes = [1], strides = [1]} : vector<16xi32> to vector<1xi32>
      %squeeze3A_302 = vector.extract %slice3A_301[0] : i32 from vector<1xi32>
      %and3A_303 = arith.constant 127 : i32
      %and3A_304 = arith.andi %squeeze3A_302, %and3A_303 : i32
      %broadcast_in_dim3A_305 = vector.broadcast %and3A_304 : i32 to vector<16xi32>
      %gather3A = arith.constant 0 : i32
      %gather3A_306 = arith.constant 0 : i32
      %gather3A_307 = arith.constant 0 : i32
      %gather3A_308 = tpu.memref_slice %arg8[%gather3A, %gather3A_306, %gather3A_307] : memref<4x32x128xf32, #tpu.memory_space<vmem>> -> memref<1x32x128xf32, #tpu.memory_space<vmem>>
      %gather3A_309 = tpu.memref_squeeze %gather3A_308 : memref<1x32x128xf32, #tpu.memory_space<vmem>> -> memref<32x128xf32, #tpu.memory_space<vmem>>
      %gather3A_310 = tpu.vector_load_idx %gather3A_309[%iota3A, %broadcast_in_dim3A_300] : memref<32x128xf32, #tpu.memory_space<vmem>>[vector<16xi32>, vector<16xi32>], vector<16xf32>,
      %add3A_311 = arith.constant 16 : i32
      %add3A_312 = vector.broadcast %add3A_311 : i32 to vector<16xi32>
      %add3A_313 = arith.addi %iota3A, %add3A_312 : vector<16xi32>
      %gather3A_314 = arith.constant 0 : i32
      %gather3A_315 = arith.constant 0 : i32
      %gather3A_316 = arith.constant 0 : i32
      %gather3A_317 = tpu.memref_slice %arg8[%gather3A_314, %gather3A_315, %gather3A_316] : memref<4x32x128xf32, #tpu.memory_space<vmem>> -> memref<1x32x128xf32, #tpu.memory_space<vmem>>
      %gather3A_318 = tpu.memref_squeeze %gather3A_317 : memref<1x32x128xf32, #tpu.memory_space<vmem>> -> memref<32x128xf32, #tpu.memory_space<vmem>>
      %gather3A_319 = tpu.vector_load_idx %gather3A_318[%add3A_313, %broadcast_in_dim3A_300] : memref<32x128xf32, #tpu.memory_space<vmem>>[vector<16xi32>, vector<16xi32>], vector<16xf32>,
      %gather3A_320 = arith.constant 0 : i32
      %gather3A_321 = arith.constant 0 : i32
      %gather3A_322 = arith.constant 0 : i32
      %gather3A_323 = tpu.memref_slice %arg9[%gather3A_320, %gather3A_321, %gather3A_322] : memref<4x32x128xf32, #tpu.memory_space<vmem>> -> memref<1x32x128xf32, #tpu.memory_space<vmem>>
      %gather3A_324 = tpu.memref_squeeze %gather3A_323 : memref<1x32x128xf32, #tpu.memory_space<vmem>> -> memref<32x128xf32, #tpu.memory_space<vmem>>
      %gather3A_325 = tpu.vector_load_idx %gather3A_324[%iota3A, %broadcast_in_dim3A_305] : memref<32x128xf32, #tpu.memory_space<vmem>>[vector<16xi32>, vector<16xi32>], vector<16xf32>,
      %add3A_326 = arith.constant 16 : i32
      %add3A_327 = vector.broadcast %add3A_326 : i32 to vector<16xi32>
      %add3A_328 = arith.addi %iota3A, %add3A_327 : vector<16xi32>
      %gather3A_329 = arith.constant 0 : i32
      %gather3A_330 = arith.constant 0 : i32
      %gather3A_331 = arith.constant 0 : i32
      %gather3A_332 = tpu.memref_slice %arg9[%gather3A_329, %gather3A_330, %gather3A_331] : memref<4x32x128xf32, #tpu.memory_space<vmem>> -> memref<1x32x128xf32, #tpu.memory_space<vmem>>
      %gather3A_333 = tpu.memref_squeeze %gather3A_332 : memref<1x32x128xf32, #tpu.memory_space<vmem>> -> memref<32x128xf32, #tpu.memory_space<vmem>>
      %gather3A_334 = tpu.vector_load_idx %gather3A_333[%add3A_328, %broadcast_in_dim3A_305] : memref<32x128xf32, #tpu.memory_space<vmem>>[vector<16xi32>, vector<16xi32>], vector<16xf32>,
      %mul3A_335 = arith.mulf %gather3A_310, %gather3A_325 : vector<16xf32>
      %mul3A_336 = arith.mulf %gather3A_319, %gather3A_334 : vector<16xf32>
      %add3A_337 = arith.addf %mul3A_335, %mul3A_336 : vector<16xf32>
      %reduce_sum3A = arith.constant true
      %reduce_sum3A_338 = vector.broadcast %reduce_sum3A : i1 to vector<16xi1>
      %reduce_sum3A_339 = tpu.scan <sum>, %add3A_337 masked %reduce_sum3A_338 : vector<16xf32>, vector<16xi1> -> vector<16xf32>
      %reduce_sum3A_340 = vector.extract %reduce_sum3A_339[15] : f32 from vector<16xf32>
      %eq3A = arith.constant 0 : i32
      %eq3A_341 = vector.broadcast %eq3A : i32 to vector<16xi32>
      %eq3A_342 = arith.cmpi eq, %iota3A, %eq3A_341 : vector<16xi32>
      %broadcast_in_dim3A_343 = vector.broadcast %reduce_sum3A_340 : f32 to vector<16xf32>
      %select_n3A = arith.select %eq3A_342, %broadcast_in_dim3A_343, %broadcast_in_dim3A_226 : vector<16xi1>, vector<16xf32>
      %slice3A_344 = vector.extract_strided_slice %scan3A_223 {offsets = [4], sizes = [1], strides = [1]} : vector<16xi32> to vector<1xi32>
      %squeeze3A_345 = vector.extract %slice3A_344[0] : i32 from vector<1xi32>
      %slice3A_346 = vector.extract_strided_slice %scan3A_224 {offsets = [4], sizes = [1], strides = [1]} : vector<16xi32> to vector<1xi32>
      %squeeze3A_347 = vector.extract %slice3A_346[0] : i32 from vector<1xi32>
      %shift_right_arithmetic3A_348 = arith.constant 7 : i32
      %shift_right_arithmetic3A_349 = arith.shrsi %squeeze3A_345, %shift_right_arithmetic3A_348 : i32
      %shift_left3A_350 = arith.constant 7 : i32
      %shift_left3A_351 = arith.shli %shift_right_arithmetic3A_349, %shift_left3A_350 : i32
      %multiple_of3A_352 = tpu.assume_multiple %shift_left3A_351, 128 : i32
      %shift_right_arithmetic3A_353 = arith.constant 7 : i32
      %shift_right_arithmetic3A_354 = arith.shrsi %squeeze3A_347, %shift_right_arithmetic3A_353 : i32
      %shift_left3A_355 = arith.constant 7 : i32
      %shift_left3A_356 = arith.shli %shift_right_arithmetic3A_354, %shift_left3A_355 : i32
      %multiple_of3A_357 = tpu.assume_multiple %shift_left3A_356, 128 : i32
      %dma_start3A_358 = arith.constant 0 : i32
      %dma_start3A_359 = arith.constant 0 : i32
      %dma_start3A_360 = arith.constant 0 : i32
      %dma_start3A_361 = tpu.memref_slice %arg8[%dma_start3A_358, %dma_start3A_359, %dma_start3A_360] : memref<4x32x128xf32, #tpu.memory_space<vmem>> -> memref<1x32x128xf32, #tpu.memory_space<vmem>>
      %dma_start3A_362 = tpu.memref_squeeze %dma_start3A_361 : memref<1x32x128xf32, #tpu.memory_space<vmem>> -> memref<32x128xf32, #tpu.memory_space<vmem>>
      %dma_start3A_363 = arith.constant 0 : i32
      %dma_start3A_364 = tpu.memref_slice %arg3[%dma_start3A_363, %multiple_of3A_352] : memref<32x1000000xf32, #tpu.memory_space<hbm>> -> memref<32x128xf32, #tpu.memory_space<hbm>>
      %dma_start3A_365 = arith.constant 0 : i32
      %dma_start3A_366 = arith.constant 0 : i32
      %dma_start3A_367 = tpu.memref_slice %arg8[%dma_start3A_358, %dma_start3A_365, %dma_start3A_366] : memref<4x32x128xf32, #tpu.memory_space<vmem>> -> memref<1x32x128xf32, #tpu.memory_space<vmem>>
      %dma_start3A_368 = tpu.memref_squeeze %dma_start3A_367 : memref<1x32x128xf32, #tpu.memory_space<vmem>> -> memref<32x128xf32, #tpu.memory_space<vmem>>
      %dma_start3A_369 = arith.constant 0 : i32
      %dma_start3A_370 = tpu.memref_slice %arg3[%dma_start3A_369, %multiple_of3A_352] : memref<32x1000000xf32, #tpu.memory_space<hbm>> -> memref<32x128xf32, #tpu.memory_space<hbm>>
      tpu.enqueue_dma source(%dma_start3A_370 : memref<32x128xf32, #tpu.memory_space<hbm>>) target(%dma_start3A_368 : memref<32x128xf32, #tpu.memory_space<vmem>>) target_semaphore(%arg11 : memref<!tpu.dma_semaphore, #tpu.memory_space<semaphore_mem>>)
      %dma_start3A_371 = arith.constant 0 : i32
      %dma_start3A_372 = arith.constant 0 : i32
      %dma_start3A_373 = arith.constant 0 : i32
      %dma_start3A_374 = tpu.memref_slice %arg9[%dma_start3A_371, %dma_start3A_372, %dma_start3A_373] : memref<4x32x128xf32, #tpu.memory_space<vmem>> -> memref<1x32x128xf32, #tpu.memory_space<vmem>>
      %dma_start3A_375 = tpu.memref_squeeze %dma_start3A_374 : memref<1x32x128xf32, #tpu.memory_space<vmem>> -> memref<32x128xf32, #tpu.memory_space<vmem>>
      %dma_start3A_376 = arith.constant 0 : i32
      %dma_start3A_377 = tpu.memref_slice %arg4[%dma_start3A_376, %multiple_of3A_357] : memref<32x1000000xf32, #tpu.memory_space<hbm>> -> memref<32x128xf32, #tpu.memory_space<hbm>>
      %dma_start3A_378 = arith.constant 0 : i32
      %dma_start3A_379 = arith.constant 0 : i32
      %dma_start3A_380 = tpu.memref_slice %arg9[%dma_start3A_371, %dma_start3A_378, %dma_start3A_379] : memref<4x32x128xf32, #tpu.memory_space<vmem>> -> memref<1x32x128xf32, #tpu.memory_space<vmem>>
      %dma_start3A_381 = tpu.memref_squeeze %dma_start3A_380 : memref<1x32x128xf32, #tpu.memory_space<vmem>> -> memref<32x128xf32, #tpu.memory_space<vmem>>
      %dma_start3A_382 = arith.constant 0 : i32
      %dma_start3A_383 = tpu.memref_slice %arg4[%dma_start3A_382, %multiple_of3A_357] : memref<32x1000000xf32, #tpu.memory_space<hbm>> -> memref<32x128xf32, #tpu.memory_space<hbm>>
      tpu.enqueue_dma source(%dma_start3A_383 : memref<32x128xf32, #tpu.memory_space<hbm>>) target(%dma_start3A_381 : memref<32x128xf32, #tpu.memory_space<vmem>>) target_semaphore(%arg15 : memref<!tpu.dma_semaphore, #tpu.memory_space<semaphore_mem>>)
      %dma_wait3A_384 = arith.constant 1 : i32
      %dma_wait3A_385 = arith.constant 0 : i32
      %dma_wait3A_386 = arith.constant 0 : i32
      %dma_wait3A_387 = tpu.memref_slice %arg8[%dma_wait3A_384, %dma_wait3A_385, %dma_wait3A_386] : memref<4x32x128xf32, #tpu.memory_space<vmem>> -> memref<1x32x128xf32, #tpu.memory_space<vmem>>
      %dma_wait3A_388 = tpu.memref_squeeze %dma_wait3A_387 : memref<1x32x128xf32, #tpu.memory_space<vmem>> -> memref<32x128xf32, #tpu.memory_space<vmem>>
      %dma_wait3A_389 = arith.constant 0 : i32
      %dma_wait3A_390 = arith.constant 0 : i32
      %dma_wait3A_391 = tpu.memref_slice %arg3[%dma_wait3A_389, %dma_wait3A_390] : memref<32x1000000xf32, #tpu.memory_space<hbm>> -> memref<32x128xf32, #tpu.memory_space<hbm>>
      %dma_wait3A_392 = arith.constant 0 : i32
      %dma_wait3A_393 = arith.constant 0 : i32
      %dma_wait3A_394 = tpu.memref_slice %arg8[%dma_wait3A_384, %dma_wait3A_392, %dma_wait3A_393] : memref<4x32x128xf32, #tpu.memory_space<vmem>> -> memref<1x32x128xf32, #tpu.memory_space<vmem>>
      %dma_wait3A_395 = tpu.memref_squeeze %dma_wait3A_394 : memref<1x32x128xf32, #tpu.memory_space<vmem>> -> memref<32x128xf32, #tpu.memory_space<vmem>>
      %dma_wait3A_396 = arith.constant 0 : i32
      %dma_wait3A_397 = arith.constant 0 : i32
      %dma_wait3A_398 = tpu.memref_slice %arg3[%dma_wait3A_396, %dma_wait3A_397] : memref<32x1000000xf32, #tpu.memory_space<hbm>> -> memref<32x128xf32, #tpu.memory_space<hbm>>
      tpu.wait_dma2 semaphore(%arg12 : memref<!tpu.dma_semaphore, #tpu.memory_space<semaphore_mem>>) src(%dma_wait3A_398 : memref<32x128xf32, #tpu.memory_space<hbm>>) dst(%dma_wait3A_395 : memref<32x128xf32, #tpu.memory_space<vmem>>)
      %dma_wait3A_399 = arith.constant 1 : i32
      %dma_wait3A_400 = arith.constant 0 : i32
      %dma_wait3A_401 = arith.constant 0 : i32
      %dma_wait3A_402 = tpu.memref_slice %arg9[%dma_wait3A_399, %dma_wait3A_400, %dma_wait3A_401] : memref<4x32x128xf32, #tpu.memory_space<vmem>> -> memref<1x32x128xf32, #tpu.memory_space<vmem>>
      %dma_wait3A_403 = tpu.memref_squeeze %dma_wait3A_402 : memref<1x32x128xf32, #tpu.memory_space<vmem>> -> memref<32x128xf32, #tpu.memory_space<vmem>>
      %dma_wait3A_404 = arith.constant 0 : i32
      %dma_wait3A_405 = arith.constant 0 : i32
      %dma_wait3A_406 = tpu.memref_slice %arg4[%dma_wait3A_404, %dma_wait3A_405] : memref<32x1000000xf32, #tpu.memory_space<hbm>> -> memref<32x128xf32, #tpu.memory_space<hbm>>
      %dma_wait3A_407 = arith.constant 0 : i32
      %dma_wait3A_408 = arith.constant 0 : i32
      %dma_wait3A_409 = tpu.memref_slice %arg9[%dma_wait3A_399, %dma_wait3A_407, %dma_wait3A_408] : memref<4x32x128xf32, #tpu.memory_space<vmem>> -> memref<1x32x128xf32, #tpu.memory_space<vmem>>
      %dma_wait3A_410 = tpu.memref_squeeze %dma_wait3A_409 : memref<1x32x128xf32, #tpu.memory_space<vmem>> -> memref<32x128xf32, #tpu.memory_space<vmem>>
      %dma_wait3A_411 = arith.constant 0 : i32
      %dma_wait3A_412 = arith.constant 0 : i32
      %dma_wait3A_413 = tpu.memref_slice %arg4[%dma_wait3A_411, %dma_wait3A_412] : memref<32x1000000xf32, #tpu.memory_space<hbm>> -> memref<32x128xf32, #tpu.memory_space<hbm>>
      tpu.wait_dma2 semaphore(%arg16 : memref<!tpu.dma_semaphore, #tpu.memory_space<semaphore_mem>>) src(%dma_wait3A_413 : memref<32x128xf32, #tpu.memory_space<hbm>>) dst(%dma_wait3A_410 : memref<32x128xf32, #tpu.memory_space<vmem>>)
      %slice3A_414 = vector.extract_strided_slice %scan3A_223 {offsets = [1], sizes = [1], strides = [1]} : vector<16xi32> to vector<1xi32>
      %squeeze3A_415 = vector.extract %slice3A_414[0] : i32 from vector<1xi32>
      %and3A_416 = arith.constant 127 : i32
      %and3A_417 = arith.andi %squeeze3A_415, %and3A_416 : i32
      %broadcast_in_dim3A_418 = vector.broadcast %and3A_417 : i32 to vector<16xi32>
      %slice3A_419 = vector.extract_strided_slice %scan3A_224 {offsets = [1], sizes = [1], strides = [1]} : vector<16xi32> to vector<1xi32>
      %squeeze3A_420 = vector.extract %slice3A_419[0] : i32 from vector<1xi32>
      %and3A_421 = arith.constant 127 : i32
      %and3A_422 = arith.andi %squeeze3A_420, %and3A_421 : i32
      %broadcast_in_dim3A_423 = vector.broadcast %and3A_422 : i32 to vector<16xi32>
      %gather3A_424 = arith.constant 1 : i32
      %gather3A_425 = arith.constant 0 : i32
      %gather3A_426 = arith.constant 0 : i32
      %gather3A_427 = tpu.memref_slice %arg8[%gather3A_424, %gather3A_425, %gather3A_426] : memref<4x32x128xf32, #tpu.memory_space<vmem>> -> memref<1x32x128xf32, #tpu.memory_space<vmem>>
      %gather3A_428 = tpu.memref_squeeze %gather3A_427 : memref<1x32x128xf32, #tpu.memory_space<vmem>> -> memref<32x128xf32, #tpu.memory_space<vmem>>
      %gather3A_429 = tpu.vector_load_idx %gather3A_428[%iota3A, %broadcast_in_dim3A_418] : memref<32x128xf32, #tpu.memory_space<vmem>>[vector<16xi32>, vector<16xi32>], vector<16xf32>,
      %add3A_430 = arith.constant 16 : i32
      %add3A_431 = vector.broadcast %add3A_430 : i32 to vector<16xi32>
      %add3A_432 = arith.addi %iota3A, %add3A_431 : vector<16xi32>
      %gather3A_433 = arith.constant 1 : i32
      %gather3A_434 = arith.constant 0 : i32
      %gather3A_435 = arith.constant 0 : i32
      %gather3A_436 = tpu.memref_slice %arg8[%gather3A_433, %gather3A_434, %gather3A_435] : memref<4x32x128xf32, #tpu.memory_space<vmem>> -> memref<1x32x128xf32, #tpu.memory_space<vmem>>
      %gather3A_437 = tpu.memref_squeeze %gather3A_436 : memref<1x32x128xf32, #tpu.memory_space<vmem>> -> memref<32x128xf32, #tpu.memory_space<vmem>>
      %gather3A_438 = tpu.vector_load_idx %gather3A_437[%add3A_432, %broadcast_in_dim3A_418] : memref<32x128xf32, #tpu.memory_space<vmem>>[vector<16xi32>, vector<16xi32>], vector<16xf32>,
      %gather3A_439 = arith.constant 1 : i32
      %gather3A_440 = arith.constant 0 : i32
      %gather3A_441 = arith.constant 0 : i32
      %gather3A_442 = tpu.memref_slice %arg9[%gather3A_439, %gather3A_440, %gather3A_441] : memref<4x32x128xf32, #tpu.memory_space<vmem>> -> memref<1x32x128xf32, #tpu.memory_space<vmem>>
      %gather3A_443 = tpu.memref_squeeze %gather3A_442 : memref<1x32x128xf32, #tpu.memory_space<vmem>> -> memref<32x128xf32, #tpu.memory_space<vmem>>
      %gather3A_444 = tpu.vector_load_idx %gather3A_443[%iota3A, %broadcast_in_dim3A_423] : memref<32x128xf32, #tpu.memory_space<vmem>>[vector<16xi32>, vector<16xi32>], vector<16xf32>,
      %add3A_445 = arith.constant 16 : i32
      %add3A_446 = vector.broadcast %add3A_445 : i32 to vector<16xi32>
      %add3A_447 = arith.addi %iota3A, %add3A_446 : vector<16xi32>
      %gather3A_448 = arith.constant 1 : i32
      %gather3A_449 = arith.constant 0 : i32
      %gather3A_450 = arith.constant 0 : i32
      %gather3A_451 = tpu.memref_slice %arg9[%gather3A_448, %gather3A_449, %gather3A_450] : memref<4x32x128xf32, #tpu.memory_space<vmem>> -> memref<1x32x128xf32, #tpu.memory_space<vmem>>
      %gather3A_452 = tpu.memref_squeeze %gather3A_451 : memref<1x32x128xf32, #tpu.memory_space<vmem>> -> memref<32x128xf32, #tpu.memory_space<vmem>>
      %gather3A_453 = tpu.vector_load_idx %gather3A_452[%add3A_447, %broadcast_in_dim3A_423] : memref<32x128xf32, #tpu.memory_space<vmem>>[vector<16xi32>, vector<16xi32>], vector<16xf32>,
      %mul3A_454 = arith.mulf %gather3A_429, %gather3A_444 : vector<16xf32>
      %mul3A_455 = arith.mulf %gather3A_438, %gather3A_453 : vector<16xf32>
      %add3A_456 = arith.addf %mul3A_454, %mul3A_455 : vector<16xf32>
      %reduce_sum3A_457 = arith.constant true
      %reduce_sum3A_458 = vector.broadcast %reduce_sum3A_457 : i1 to vector<16xi1>
      %reduce_sum3A_459 = tpu.scan <sum>, %add3A_456 masked %reduce_sum3A_458 : vector<16xf32>, vector<16xi1> -> vector<16xf32>
      %reduce_sum3A_460 = vector.extract %reduce_sum3A_459[15] : f32 from vector<16xf32>
      %eq3A_461 = arith.constant 1 : i32
      %eq3A_462 = vector.broadcast %eq3A_461 : i32 to vector<16xi32>
      %eq3A_463 = arith.cmpi eq, %iota3A, %eq3A_462 : vector<16xi32>
      %broadcast_in_dim3A_464 = vector.broadcast %reduce_sum3A_460 : f32 to vector<16xf32>
      %select_n3A_465 = arith.select %eq3A_463, %broadcast_in_dim3A_464, %select_n3A : vector<16xi1>, vector<16xf32>
      %slice3A_466 = vector.extract_strided_slice %scan3A_223 {offsets = [5], sizes = [1], strides = [1]} : vector<16xi32> to vector<1xi32>
      %squeeze3A_467 = vector.extract %slice3A_466[0] : i32 from vector<1xi32>
      %slice3A_468 = vector.extract_strided_slice %scan3A_224 {offsets = [5], sizes = [1], strides = [1]} : vector<16xi32> to vector<1xi32>
      %squeeze3A_469 = vector.extract %slice3A_468[0] : i32 from vector<1xi32>
      %shift_right_arithmetic3A_470 = arith.constant 7 : i32
      %shift_right_arithmetic3A_471 = arith.shrsi %squeeze3A_467, %shift_right_arithmetic3A_470 : i32
      %shift_left3A_472 = arith.constant 7 : i32
      %shift_left3A_473 = arith.shli %shift_right_arithmetic3A_471, %shift_left3A_472 : i32
      %multiple_of3A_474 = tpu.assume_multiple %shift_left3A_473, 128 : i32
      %shift_right_arithmetic3A_475 = arith.constant 7 : i32
      %shift_right_arithmetic3A_476 = arith.shrsi %squeeze3A_469, %shift_right_arithmetic3A_475 : i32
      %shift_left3A_477 = arith.constant 7 : i32
      %shift_left3A_478 = arith.shli %shift_right_arithmetic3A_476, %shift_left3A_477 : i32
      %multiple_of3A_479 = tpu.assume_multiple %shift_left3A_478, 128 : i32
      %dma_start3A_480 = arith.constant 1 : i32
      %dma_start3A_481 = arith.constant 0 : i32
      %dma_start3A_482 = arith.constant 0 : i32
      %dma_start3A_483 = tpu.memref_slice %arg8[%dma_start3A_480, %dma_start3A_481, %dma_start3A_482] : memref<4x32x128xf32, #tpu.memory_space<vmem>> -> memref<1x32x128xf32, #tpu.memory_space<vmem>>
      %dma_start3A_484 = tpu.memref_squeeze %dma_start3A_483 : memref<1x32x128xf32, #tpu.memory_space<vmem>> -> memref<32x128xf32, #tpu.memory_space<vmem>>
      %dma_start3A_485 = arith.constant 0 : i32
      %dma_start3A_486 = tpu.memref_slice %arg3[%dma_start3A_485, %multiple_of3A_474] : memref<32x1000000xf32, #tpu.memory_space<hbm>> -> memref<32x128xf32, #tpu.memory_space<hbm>>
      %dma_start3A_487 = arith.constant 0 : i32
      %dma_start3A_488 = arith.constant 0 : i32
      %dma_start3A_489 = tpu.memref_slice %arg8[%dma_start3A_480, %dma_start3A_487, %dma_start3A_488] : memref<4x32x128xf32, #tpu.memory_space<vmem>> -> memref<1x32x128xf32, #tpu.memory_space<vmem>>
      %dma_start3A_490 = tpu.memref_squeeze %dma_start3A_489 : memref<1x32x128xf32, #tpu.memory_space<vmem>> -> memref<32x128xf32, #tpu.memory_space<vmem>>
      %dma_start3A_491 = arith.constant 0 : i32
      %dma_start3A_492 = tpu.memref_slice %arg3[%dma_start3A_491, %multiple_of3A_474] : memref<32x1000000xf32, #tpu.memory_space<hbm>> -> memref<32x128xf32, #tpu.memory_space<hbm>>
      tpu.enqueue_dma source(%dma_start3A_492 : memref<32x128xf32, #tpu.memory_space<hbm>>) target(%dma_start3A_490 : memref<32x128xf32, #tpu.memory_space<vmem>>) target_semaphore(%arg12 : memref<!tpu.dma_semaphore, #tpu.memory_space<semaphore_mem>>)
      %dma_start3A_493 = arith.constant 1 : i32
      %dma_start3A_494 = arith.constant 0 : i32
      %dma_start3A_495 = arith.constant 0 : i32
      %dma_start3A_496 = tpu.memref_slice %arg9[%dma_start3A_493, %dma_start3A_494, %dma_start3A_495] : memref<4x32x128xf32, #tpu.memory_space<vmem>> -> memref<1x32x128xf32, #tpu.memory_space<vmem>>
      %dma_start3A_497 = tpu.memref_squeeze %dma_start3A_496 : memref<1x32x128xf32, #tpu.memory_space<vmem>> -> memref<32x128xf32, #tpu.memory_space<vmem>>
      %dma_start3A_498 = arith.constant 0 : i32
      %dma_start3A_499 = tpu.memref_slice %arg4[%dma_start3A_498, %multiple_of3A_479] : memref<32x1000000xf32, #tpu.memory_space<hbm>> -> memref<32x128xf32, #tpu.memory_space<hbm>>
      %dma_start3A_500 = arith.constant 0 : i32
      %dma_start3A_501 = arith.constant 0 : i32
      %dma_start3A_502 = tpu.memref_slice %arg9[%dma_start3A_493, %dma_start3A_500, %dma_start3A_501] : memref<4x32x128xf32, #tpu.memory_space<vmem>> -> memref<1x32x128xf32, #tpu.memory_space<vmem>>
      %dma_start3A_503 = tpu.memref_squeeze %dma_start3A_502 : memref<1x32x128xf32, #tpu.memory_space<vmem>> -> memref<32x128xf32, #tpu.memory_space<vmem>>
      %dma_start3A_504 = arith.constant 0 : i32
      %dma_start3A_505 = tpu.memref_slice %arg4[%dma_start3A_504, %multiple_of3A_479] : memref<32x1000000xf32, #tpu.memory_space<hbm>> -> memref<32x128xf32, #tpu.memory_space<hbm>>
      tpu.enqueue_dma source(%dma_start3A_505 : memref<32x128xf32, #tpu.memory_space<hbm>>) target(%dma_start3A_503 : memref<32x128xf32, #tpu.memory_space<vmem>>) target_semaphore(%arg16 : memref<!tpu.dma_semaphore, #tpu.memory_space<semaphore_mem>>)
      %dma_wait3A_506 = arith.constant 2 : i32
      %dma_wait3A_507 = arith.constant 0 : i32
      %dma_wait3A_508 = arith.constant 0 : i32
      %dma_wait3A_509 = tpu.memref_slice %arg8[%dma_wait3A_506, %dma_wait3A_507, %dma_wait3A_508] : memref<4x32x128xf32, #tpu.memory_space<vmem>> -> memref<1x32x128xf32, #tpu.memory_space<vmem>>
      %dma_wait3A_510 = tpu.memref_squeeze %dma_wait3A_509 : memref<1x32x128xf32, #tpu.memory_space<vmem>> -> memref<32x128xf32, #tpu.memory_space<vmem>>
      %dma_wait3A_511 = arith.constant 0 : i32
      %dma_wait3A_512 = arith.constant 0 : i32
      %dma_wait3A_513 = tpu.memref_slice %arg3[%dma_wait3A_511, %dma_wait3A_512] : memref<32x1000000xf32, #tpu.memory_space<hbm>> -> memref<32x128xf32, #tpu.memory_space<hbm>>
      %dma_wait3A_514 = arith.constant 0 : i32
      %dma_wait3A_515 = arith.constant 0 : i32
      %dma_wait3A_516 = tpu.memref_slice %arg8[%dma_wait3A_506, %dma_wait3A_514, %dma_wait3A_515] : memref<4x32x128xf32, #tpu.memory_space<vmem>> -> memref<1x32x128xf32, #tpu.memory_space<vmem>>
      %dma_wait3A_517 = tpu.memref_squeeze %dma_wait3A_516 : memref<1x32x128xf32, #tpu.memory_space<vmem>> -> memref<32x128xf32, #tpu.memory_space<vmem>>
      %dma_wait3A_518 = arith.constant 0 : i32
      %dma_wait3A_519 = arith.constant 0 : i32
      %dma_wait3A_520 = tpu.memref_slice %arg3[%dma_wait3A_518, %dma_wait3A_519] : memref<32x1000000xf32, #tpu.memory_space<hbm>> -> memref<32x128xf32, #tpu.memory_space<hbm>>
      tpu.wait_dma2 semaphore(%arg13 : memref<!tpu.dma_semaphore, #tpu.memory_space<semaphore_mem>>) src(%dma_wait3A_520 : memref<32x128xf32, #tpu.memory_space<hbm>>) dst(%dma_wait3A_517 : memref<32x128xf32, #tpu.memory_space<vmem>>)
      %dma_wait3A_521 = arith.constant 2 : i32
      %dma_wait3A_522 = arith.constant 0 : i32
      %dma_wait3A_523 = arith.constant 0 : i32
      %dma_wait3A_524 = tpu.memref_slice %arg9[%dma_wait3A_521, %dma_wait3A_522, %dma_wait3A_523] : memref<4x32x128xf32, #tpu.memory_space<vmem>> -> memref<1x32x128xf32, #tpu.memory_space<vmem>>
      %dma_wait3A_525 = tpu.memref_squeeze %dma_wait3A_524 : memref<1x32x128xf32, #tpu.memory_space<vmem>> -> memref<32x128xf32, #tpu.memory_space<vmem>>
      %dma_wait3A_526 = arith.constant 0 : i32
      %dma_wait3A_527 = arith.constant 0 : i32
      %dma_wait3A_528 = tpu.memref_slice %arg4[%dma_wait3A_526, %dma_wait3A_527] : memref<32x1000000xf32, #tpu.memory_space<hbm>> -> memref<32x128xf32, #tpu.memory_space<hbm>>
      %dma_wait3A_529 = arith.constant 0 : i32
      %dma_wait3A_530 = arith.constant 0 : i32
      %dma_wait3A_531 = tpu.memref_slice %arg9[%dma_wait3A_521, %dma_wait3A_529, %dma_wait3A_530] : memref<4x32x128xf32, #tpu.memory_space<vmem>> -> memref<1x32x128xf32, #tpu.memory_space<vmem>>
      %dma_wait3A_532 = tpu.memref_squeeze %dma_wait3A_531 : memref<1x32x128xf32, #tpu.memory_space<vmem>> -> memref<32x128xf32, #tpu.memory_space<vmem>>
      %dma_wait3A_533 = arith.constant 0 : i32
      %dma_wait3A_534 = arith.constant 0 : i32
      %dma_wait3A_535 = tpu.memref_slice %arg4[%dma_wait3A_533, %dma_wait3A_534] : memref<32x1000000xf32, #tpu.memory_space<hbm>> -> memref<32x128xf32, #tpu.memory_space<hbm>>
      tpu.wait_dma2 semaphore(%arg17 : memref<!tpu.dma_semaphore, #tpu.memory_space<semaphore_mem>>) src(%dma_wait3A_535 : memref<32x128xf32, #tpu.memory_space<hbm>>) dst(%dma_wait3A_532 : memref<32x128xf32, #tpu.memory_space<vmem>>)
      %slice3A_536 = vector.extract_strided_slice %scan3A_223 {offsets = [2], sizes = [1], strides = [1]} : vector<16xi32> to vector<1xi32>
      %squeeze3A_537 = vector.extract %slice3A_536[0] : i32 from vector<1xi32>
      %and3A_538 = arith.constant 127 : i32
      %and3A_539 = arith.andi %squeeze3A_537, %and3A_538 : i32
      %broadcast_in_dim3A_540 = vector.broadcast %and3A_539 : i32 to vector<16xi32>
      %slice3A_541 = vector.extract_strided_slice %scan3A_224 {offsets = [2], sizes = [1], strides = [1]} : vector<16xi32> to vector<1xi32>
      %squeeze3A_542 = vector.extract %slice3A_541[0] : i32 from vector<1xi32>
      %and3A_543 = arith.constant 127 : i32
      %and3A_544 = arith.andi %squeeze3A_542, %and3A_543 : i32
      %broadcast_in_dim3A_545 = vector.broadcast %and3A_544 : i32 to vector<16xi32>
      %gather3A_546 = arith.constant 2 : i32
      %gather3A_547 = arith.constant 0 : i32
      %gather3A_548 = arith.constant 0 : i32
      %gather3A_549 = tpu.memref_slice %arg8[%gather3A_546, %gather3A_547, %gather3A_548] : memref<4x32x128xf32, #tpu.memory_space<vmem>> -> memref<1x32x128xf32, #tpu.memory_space<vmem>>
      %gather3A_550 = tpu.memref_squeeze %gather3A_549 : memref<1x32x128xf32, #tpu.memory_space<vmem>> -> memref<32x128xf32, #tpu.memory_space<vmem>>
      %gather3A_551 = tpu.vector_load_idx %gather3A_550[%iota3A, %broadcast_in_dim3A_540] : memref<32x128xf32, #tpu.memory_space<vmem>>[vector<16xi32>, vector<16xi32>], vector<16xf32>,
      %add3A_552 = arith.constant 16 : i32
      %add3A_553 = vector.broadcast %add3A_552 : i32 to vector<16xi32>
      %add3A_554 = arith.addi %iota3A, %add3A_553 : vector<16xi32>
      %gather3A_555 = arith.constant 2 : i32
      %gather3A_556 = arith.constant 0 : i32
      %gather3A_557 = arith.constant 0 : i32
      %gather3A_558 = tpu.memref_slice %arg8[%gather3A_555, %gather3A_556, %gather3A_557] : memref<4x32x128xf32, #tpu.memory_space<vmem>> -> memref<1x32x128xf32, #tpu.memory_space<vmem>>
      %gather3A_559 = tpu.memref_squeeze %gather3A_558 : memref<1x32x128xf32, #tpu.memory_space<vmem>> -> memref<32x128xf32, #tpu.memory_space<vmem>>
      %gather3A_560 = tpu.vector_load_idx %gather3A_559[%add3A_554, %broadcast_in_dim3A_540] : memref<32x128xf32, #tpu.memory_space<vmem>>[vector<16xi32>, vector<16xi32>], vector<16xf32>,
      %gather3A_561 = arith.constant 2 : i32
      %gather3A_562 = arith.constant 0 : i32
      %gather3A_563 = arith.constant 0 : i32
      %gather3A_564 = tpu.memref_slice %arg9[%gather3A_561, %gather3A_562, %gather3A_563] : memref<4x32x128xf32, #tpu.memory_space<vmem>> -> memref<1x32x128xf32, #tpu.memory_space<vmem>>
      %gather3A_565 = tpu.memref_squeeze %gather3A_564 : memref<1x32x128xf32, #tpu.memory_space<vmem>> -> memref<32x128xf32, #tpu.memory_space<vmem>>
      %gather3A_566 = tpu.vector_load_idx %gather3A_565[%iota3A, %broadcast_in_dim3A_545] : memref<32x128xf32, #tpu.memory_space<vmem>>[vector<16xi32>, vector<16xi32>], vector<16xf32>,
      %add3A_567 = arith.constant 16 : i32
      %add3A_568 = vector.broadcast %add3A_567 : i32 to vector<16xi32>
      %add3A_569 = arith.addi %iota3A, %add3A_568 : vector<16xi32>
      %gather3A_570 = arith.constant 2 : i32
      %gather3A_571 = arith.constant 0 : i32
      %gather3A_572 = arith.constant 0 : i32
      %gather3A_573 = tpu.memref_slice %arg9[%gather3A_570, %gather3A_571, %gather3A_572] : memref<4x32x128xf32, #tpu.memory_space<vmem>> -> memref<1x32x128xf32, #tpu.memory_space<vmem>>
      %gather3A_574 = tpu.memref_squeeze %gather3A_573 : memref<1x32x128xf32, #tpu.memory_space<vmem>> -> memref<32x128xf32, #tpu.memory_space<vmem>>
      %gather3A_575 = tpu.vector_load_idx %gather3A_574[%add3A_569, %broadcast_in_dim3A_545] : memref<32x128xf32, #tpu.memory_space<vmem>>[vector<16xi32>, vector<16xi32>], vector<16xf32>,
      %mul3A_576 = arith.mulf %gather3A_551, %gather3A_566 : vector<16xf32>
      %mul3A_577 = arith.mulf %gather3A_560, %gather3A_575 : vector<16xf32>
      %add3A_578 = arith.addf %mul3A_576, %mul3A_577 : vector<16xf32>
      %reduce_sum3A_579 = arith.constant true
      %reduce_sum3A_580 = vector.broadcast %reduce_sum3A_579 : i1 to vector<16xi1>
      %reduce_sum3A_581 = tpu.scan <sum>, %add3A_578 masked %reduce_sum3A_580 : vector<16xf32>, vector<16xi1> -> vector<16xf32>
      %reduce_sum3A_582 = vector.extract %reduce_sum3A_581[15] : f32 from vector<16xf32>
      %eq3A_583 = arith.constant 2 : i32
      %eq3A_584 = vector.broadcast %eq3A_583 : i32 to vector<16xi32>
      %eq3A_585 = arith.cmpi eq, %iota3A, %eq3A_584 : vector<16xi32>
      %broadcast_in_dim3A_586 = vector.broadcast %reduce_sum3A_582 : f32 to vector<16xf32>
      %select_n3A_587 = arith.select %eq3A_585, %broadcast_in_dim3A_586, %select_n3A_465 : vector<16xi1>, vector<16xf32>
      %slice3A_588 = vector.extract_strided_slice %scan3A_223 {offsets = [6], sizes = [1], strides = [1]} : vector<16xi32> to vector<1xi32>
      %squeeze3A_589 = vector.extract %slice3A_588[0] : i32 from vector<1xi32>
      %slice3A_590 = vector.extract_strided_slice %scan3A_224 {offsets = [6], sizes = [1], strides = [1]} : vector<16xi32> to vector<1xi32>
      %squeeze3A_591 = vector.extract %slice3A_590[0] : i32 from vector<1xi32>
      %shift_right_arithmetic3A_592 = arith.constant 7 : i32
      %shift_right_arithmetic3A_593 = arith.shrsi %squeeze3A_589, %shift_right_arithmetic3A_592 : i32
      %shift_left3A_594 = arith.constant 7 : i32
      %shift_left3A_595 = arith.shli %shift_right_arithmetic3A_593, %shift_left3A_594 : i32
      %multiple_of3A_596 = tpu.assume_multiple %shift_left3A_595, 128 : i32
      %shift_right_arithmetic3A_597 = arith.constant 7 : i32
      %shift_right_arithmetic3A_598 = arith.shrsi %squeeze3A_591, %shift_right_arithmetic3A_597 : i32
      %shift_left3A_599 = arith.constant 7 : i32
      %shift_left3A_600 = arith.shli %shift_right_arithmetic3A_598, %shift_left3A_599 : i32
      %multiple_of3A_601 = tpu.assume_multiple %shift_left3A_600, 128 : i32
      %dma_start3A_602 = arith.constant 2 : i32
      %dma_start3A_603 = arith.constant 0 : i32
      %dma_start3A_604 = arith.constant 0 : i32
      %dma_start3A_605 = tpu.memref_slice %arg8[%dma_start3A_602, %dma_start3A_603, %dma_start3A_604] : memref<4x32x128xf32, #tpu.memory_space<vmem>> -> memref<1x32x128xf32, #tpu.memory_space<vmem>>
      %dma_start3A_606 = tpu.memref_squeeze %dma_start3A_605 : memref<1x32x128xf32, #tpu.memory_space<vmem>> -> memref<32x128xf32, #tpu.memory_space<vmem>>
      %dma_start3A_607 = arith.constant 0 : i32
      %dma_start3A_608 = tpu.memref_slice %arg3[%dma_start3A_607, %multiple_of3A_596] : memref<32x1000000xf32, #tpu.memory_space<hbm>> -> memref<32x128xf32, #tpu.memory_space<hbm>>
      %dma_start3A_609 = arith.constant 0 : i32
      %dma_start3A_610 = arith.constant 0 : i32
      %dma_start3A_611 = tpu.memref_slice %arg8[%dma_start3A_602, %dma_start3A_609, %dma_start3A_610] : memref<4x32x128xf32, #tpu.memory_space<vmem>> -> memref<1x32x128xf32, #tpu.memory_space<vmem>>
      %dma_start3A_612 = tpu.memref_squeeze %dma_start3A_611 : memref<1x32x128xf32, #tpu.memory_space<vmem>> -> memref<32x128xf32, #tpu.memory_space<vmem>>
      %dma_start3A_613 = arith.constant 0 : i32
      %dma_start3A_614 = tpu.memref_slice %arg3[%dma_start3A_613, %multiple_of3A_596] : memref<32x1000000xf32, #tpu.memory_space<hbm>> -> memref<32x128xf32, #tpu.memory_space<hbm>>
      tpu.enqueue_dma source(%dma_start3A_614 : memref<32x128xf32, #tpu.memory_space<hbm>>) target(%dma_start3A_612 : memref<32x128xf32, #tpu.memory_space<vmem>>) target_semaphore(%arg13 : memref<!tpu.dma_semaphore, #tpu.memory_space<semaphore_mem>>)
      %dma_start3A_615 = arith.constant 2 : i32
      %dma_start3A_616 = arith.constant 0 : i32
      %dma_start3A_617 = arith.constant 0 : i32
      %dma_start3A_618 = tpu.memref_slice %arg9[%dma_start3A_615, %dma_start3A_616, %dma_start3A_617] : memref<4x32x128xf32, #tpu.memory_space<vmem>> -> memref<1x32x128xf32, #tpu.memory_space<vmem>>
      %dma_start3A_619 = tpu.memref_squeeze %dma_start3A_618 : memref<1x32x128xf32, #tpu.memory_space<vmem>> -> memref<32x128xf32, #tpu.memory_space<vmem>>
      %dma_start3A_620 = arith.constant 0 : i32
      %dma_start3A_621 = tpu.memref_slice %arg4[%dma_start3A_620, %multiple_of3A_601] : memref<32x1000000xf32, #tpu.memory_space<hbm>> -> memref<32x128xf32, #tpu.memory_space<hbm>>
      %dma_start3A_622 = arith.constant 0 : i32
      %dma_start3A_623 = arith.constant 0 : i32
      %dma_start3A_624 = tpu.memref_slice %arg9[%dma_start3A_615, %dma_start3A_622, %dma_start3A_623] : memref<4x32x128xf32, #tpu.memory_space<vmem>> -> memref<1x32x128xf32, #tpu.memory_space<vmem>>
      %dma_start3A_625 = tpu.memref_squeeze %dma_start3A_624 : memref<1x32x128xf32, #tpu.memory_space<vmem>> -> memref<32x128xf32, #tpu.memory_space<vmem>>
      %dma_start3A_626 = arith.constant 0 : i32
      %dma_start3A_627 = tpu.memref_slice %arg4[%dma_start3A_626, %multiple_of3A_601] : memref<32x1000000xf32, #tpu.memory_space<hbm>> -> memref<32x128xf32, #tpu.memory_space<hbm>>
      tpu.enqueue_dma source(%dma_start3A_627 : memref<32x128xf32, #tpu.memory_space<hbm>>) target(%dma_start3A_625 : memref<32x128xf32, #tpu.memory_space<vmem>>) target_semaphore(%arg17 : memref<!tpu.dma_semaphore, #tpu.memory_space<semaphore_mem>>)
      %dma_wait3A_628 = arith.constant 3 : i32
      %dma_wait3A_629 = arith.constant 0 : i32
      %dma_wait3A_630 = arith.constant 0 : i32
      %dma_wait3A_631 = tpu.memref_slice %arg8[%dma_wait3A_628, %dma_wait3A_629, %dma_wait3A_630] : memref<4x32x128xf32, #tpu.memory_space<vmem>> -> memref<1x32x128xf32, #tpu.memory_space<vmem>>
      %dma_wait3A_632 = tpu.memref_squeeze %dma_wait3A_631 : memref<1x32x128xf32, #tpu.memory_space<vmem>> -> memref<32x128xf32, #tpu.memory_space<vmem>>
      %dma_wait3A_633 = arith.constant 0 : i32
      %dma_wait3A_634 = arith.constant 0 : i32
      %dma_wait3A_635 = tpu.memref_slice %arg3[%dma_wait3A_633, %dma_wait3A_634] : memref<32x1000000xf32, #tpu.memory_space<hbm>> -> memref<32x128xf32, #tpu.memory_space<hbm>>
      %dma_wait3A_636 = arith.constant 0 : i32
      %dma_wait3A_637 = arith.constant 0 : i32
      %dma_wait3A_638 = tpu.memref_slice %arg8[%dma_wait3A_628, %dma_wait3A_636, %dma_wait3A_637] : memref<4x32x128xf32, #tpu.memory_space<vmem>> -> memref<1x32x128xf32, #tpu.memory_space<vmem>>
      %dma_wait3A_639 = tpu.memref_squeeze %dma_wait3A_638 : memref<1x32x128xf32, #tpu.memory_space<vmem>> -> memref<32x128xf32, #tpu.memory_space<vmem>>
      %dma_wait3A_640 = arith.constant 0 : i32
      %dma_wait3A_641 = arith.constant 0 : i32
      %dma_wait3A_642 = tpu.memref_slice %arg3[%dma_wait3A_640, %dma_wait3A_641] : memref<32x1000000xf32, #tpu.memory_space<hbm>> -> memref<32x128xf32, #tpu.memory_space<hbm>>
      tpu.wait_dma2 semaphore(%arg14 : memref<!tpu.dma_semaphore, #tpu.memory_space<semaphore_mem>>) src(%dma_wait3A_642 : memref<32x128xf32, #tpu.memory_space<hbm>>) dst(%dma_wait3A_639 : memref<32x128xf32, #tpu.memory_space<vmem>>)
      %dma_wait3A_643 = arith.constant 3 : i32
      %dma_wait3A_644 = arith.constant 0 : i32
      %dma_wait3A_645 = arith.constant 0 : i32
      %dma_wait3A_646 = tpu.memref_slice %arg9[%dma_wait3A_643, %dma_wait3A_644, %dma_wait3A_645] : memref<4x32x128xf32, #tpu.memory_space<vmem>> -> memref<1x32x128xf32, #tpu.memory_space<vmem>>
      %dma_wait3A_647 = tpu.memref_squeeze %dma_wait3A_646 : memref<1x32x128xf32, #tpu.memory_space<vmem>> -> memref<32x128xf32, #tpu.memory_space<vmem>>
      %dma_wait3A_648 = arith.constant 0 : i32
      %dma_wait3A_649 = arith.constant 0 : i32
      %dma_wait3A_650 = tpu.memref_slice %arg4[%dma_wait3A_648, %dma_wait3A_649] : memref<32x1000000xf32, #tpu.memory_space<hbm>> -> memref<32x128xf32, #tpu.memory_space<hbm>>
      %dma_wait3A_651 = arith.constant 0 : i32
      %dma_wait3A_652 = arith.constant 0 : i32
      %dma_wait3A_653 = tpu.memref_slice %arg9[%dma_wait3A_643, %dma_wait3A_651, %dma_wait3A_652] : memref<4x32x128xf32, #tpu.memory_space<vmem>> -> memref<1x32x128xf32, #tpu.memory_space<vmem>>
      %dma_wait3A_654 = tpu.memref_squeeze %dma_wait3A_653 : memref<1x32x128xf32, #tpu.memory_space<vmem>> -> memref<32x128xf32, #tpu.memory_space<vmem>>
      %dma_wait3A_655 = arith.constant 0 : i32
      %dma_wait3A_656 = arith.constant 0 : i32
      %dma_wait3A_657 = tpu.memref_slice %arg4[%dma_wait3A_655, %dma_wait3A_656] : memref<32x1000000xf32, #tpu.memory_space<hbm>> -> memref<32x128xf32, #tpu.memory_space<hbm>>
      tpu.wait_dma2 semaphore(%arg18 : memref<!tpu.dma_semaphore, #tpu.memory_space<semaphore_mem>>) src(%dma_wait3A_657 : memref<32x128xf32, #tpu.memory_space<hbm>>) dst(%dma_wait3A_654 : memref<32x128xf32, #tpu.memory_space<vmem>>)
      %slice3A_658 = vector.extract_strided_slice %scan3A_223 {offsets = [3], sizes = [1], strides = [1]} : vector<16xi32> to vector<1xi32>
      %squeeze3A_659 = vector.extract %slice3A_658[0] : i32 from vector<1xi32>
      %and3A_660 = arith.constant 127 : i32
      %and3A_661 = arith.andi %squeeze3A_659, %and3A_660 : i32
      %broadcast_in_dim3A_662 = vector.broadcast %and3A_661 : i32 to vector<16xi32>
      %slice3A_663 = vector.extract_strided_slice %scan3A_224 {offsets = [3], sizes = [1], strides = [1]} : vector<16xi32> to vector<1xi32>
      %squeeze3A_664 = vector.extract %slice3A_663[0] : i32 from vector<1xi32>
      %and3A_665 = arith.constant 127 : i32
      %and3A_666 = arith.andi %squeeze3A_664, %and3A_665 : i32
      %broadcast_in_dim3A_667 = vector.broadcast %and3A_666 : i32 to vector<16xi32>
      %gather3A_668 = arith.constant 3 : i32
      %gather3A_669 = arith.constant 0 : i32
      %gather3A_670 = arith.constant 0 : i32
      %gather3A_671 = tpu.memref_slice %arg8[%gather3A_668, %gather3A_669, %gather3A_670] : memref<4x32x128xf32, #tpu.memory_space<vmem>> -> memref<1x32x128xf32, #tpu.memory_space<vmem>>
      %gather3A_672 = tpu.memref_squeeze %gather3A_671 : memref<1x32x128xf32, #tpu.memory_space<vmem>> -> memref<32x128xf32, #tpu.memory_space<vmem>>
      %gather3A_673 = tpu.vector_load_idx %gather3A_672[%iota3A, %broadcast_in_dim3A_662] : memref<32x128xf32, #tpu.memory_space<vmem>>[vector<16xi32>, vector<16xi32>], vector<16xf32>,
      %add3A_674 = arith.constant 16 : i32
      %add3A_675 = vector.broadcast %add3A_674 : i32 to vector<16xi32>
      %add3A_676 = arith.addi %iota3A, %add3A_675 : vector<16xi32>
      %gather3A_677 = arith.constant 3 : i32
      %gather3A_678 = arith.constant 0 : i32
      %gather3A_679 = arith.constant 0 : i32
      %gather3A_680 = tpu.memref_slice %arg8[%gather3A_677, %gather3A_678, %gather3A_679] : memref<4x32x128xf32, #tpu.memory_space<vmem>> -> memref<1x32x128xf32, #tpu.memory_space<vmem>>
      %gather3A_681 = tpu.memref_squeeze %gather3A_680 : memref<1x32x128xf32, #tpu.memory_space<vmem>> -> memref<32x128xf32, #tpu.memory_space<vmem>>
      %gather3A_682 = tpu.vector_load_idx %gather3A_681[%add3A_676, %broadcast_in_dim3A_662] : memref<32x128xf32, #tpu.memory_space<vmem>>[vector<16xi32>, vector<16xi32>], vector<16xf32>,
      %gather3A_683 = arith.constant 3 : i32
      %gather3A_684 = arith.constant 0 : i32
      %gather3A_685 = arith.constant 0 : i32
      %gather3A_686 = tpu.memref_slice %arg9[%gather3A_683, %gather3A_684, %gather3A_685] : memref<4x32x128xf32, #tpu.memory_space<vmem>> -> memref<1x32x128xf32, #tpu.memory_space<vmem>>
      %gather3A_687 = tpu.memref_squeeze %gather3A_686 : memref<1x32x128xf32, #tpu.memory_space<vmem>> -> memref<32x128xf32, #tpu.memory_space<vmem>>
      %gather3A_688 = tpu.vector_load_idx %gather3A_687[%iota3A, %broadcast_in_dim3A_667] : memref<32x128xf32, #tpu.memory_space<vmem>>[vector<16xi32>, vector<16xi32>], vector<16xf32>,
      %add3A_689 = arith.constant 16 : i32
      %add3A_690 = vector.broadcast %add3A_689 : i32 to vector<16xi32>
      %add3A_691 = arith.addi %iota3A, %add3A_690 : vector<16xi32>
      %gather3A_692 = arith.constant 3 : i32
      %gather3A_693 = arith.constant 0 : i32
      %gather3A_694 = arith.constant 0 : i32
      %gather3A_695 = tpu.memref_slice %arg9[%gather3A_692, %gather3A_693, %gather3A_694] : memref<4x32x128xf32, #tpu.memory_space<vmem>> -> memref<1x32x128xf32, #tpu.memory_space<vmem>>
      %gather3A_696 = tpu.memref_squeeze %gather3A_695 : memref<1x32x128xf32, #tpu.memory_space<vmem>> -> memref<32x128xf32, #tpu.memory_space<vmem>>
      %gather3A_697 = tpu.vector_load_idx %gather3A_696[%add3A_691, %broadcast_in_dim3A_667] : memref<32x128xf32, #tpu.memory_space<vmem>>[vector<16xi32>, vector<16xi32>], vector<16xf32>,
      %mul3A_698 = arith.mulf %gather3A_673, %gather3A_688 : vector<16xf32>
      %mul3A_699 = arith.mulf %gather3A_682, %gather3A_697 : vector<16xf32>
      %add3A_700 = arith.addf %mul3A_698, %mul3A_699 : vector<16xf32>
      %reduce_sum3A_701 = arith.constant true
      %reduce_sum3A_702 = vector.broadcast %reduce_sum3A_701 : i1 to vector<16xi1>
      %reduce_sum3A_703 = tpu.scan <sum>, %add3A_700 masked %reduce_sum3A_702 : vector<16xf32>, vector<16xi1> -> vector<16xf32>
      %reduce_sum3A_704 = vector.extract %reduce_sum3A_703[15] : f32 from vector<16xf32>
      %eq3A_705 = arith.constant 3 : i32
      %eq3A_706 = vector.broadcast %eq3A_705 : i32 to vector<16xi32>
      %eq3A_707 = arith.cmpi eq, %iota3A, %eq3A_706 : vector<16xi32>
      %broadcast_in_dim3A_708 = vector.broadcast %reduce_sum3A_704 : f32 to vector<16xf32>
      %select_n3A_709 = arith.select %eq3A_707, %broadcast_in_dim3A_708, %select_n3A_587 : vector<16xi1>, vector<16xf32>
      %slice3A_710 = vector.extract_strided_slice %scan3A_223 {offsets = [7], sizes = [1], strides = [1]} : vector<16xi32> to vector<1xi32>
      %squeeze3A_711 = vector.extract %slice3A_710[0] : i32 from vector<1xi32>
      %slice3A_712 = vector.extract_strided_slice %scan3A_224 {offsets = [7], sizes = [1], strides = [1]} : vector<16xi32> to vector<1xi32>
      %squeeze3A_713 = vector.extract %slice3A_712[0] : i32 from vector<1xi32>
      %shift_right_arithmetic3A_714 = arith.constant 7 : i32
      %shift_right_arithmetic3A_715 = arith.shrsi %squeeze3A_711, %shift_right_arithmetic3A_714 : i32
      %shift_left3A_716 = arith.constant 7 : i32
      %shift_left3A_717 = arith.shli %shift_right_arithmetic3A_715, %shift_left3A_716 : i32
      %multiple_of3A_718 = tpu.assume_multiple %shift_left3A_717, 128 : i32
      %shift_right_arithmetic3A_719 = arith.constant 7 : i32
      %shift_right_arithmetic3A_720 = arith.shrsi %squeeze3A_713, %shift_right_arithmetic3A_719 : i32
      %shift_left3A_721 = arith.constant 7 : i32
      %shift_left3A_722 = arith.shli %shift_right_arithmetic3A_720, %shift_left3A_721 : i32
      %multiple_of3A_723 = tpu.assume_multiple %shift_left3A_722, 128 : i32
      %dma_start3A_724 = arith.constant 3 : i32
      %dma_start3A_725 = arith.constant 0 : i32
      %dma_start3A_726 = arith.constant 0 : i32
      %dma_start3A_727 = tpu.memref_slice %arg8[%dma_start3A_724, %dma_start3A_725, %dma_start3A_726] : memref<4x32x128xf32, #tpu.memory_space<vmem>> -> memref<1x32x128xf32, #tpu.memory_space<vmem>>
      %dma_start3A_728 = tpu.memref_squeeze %dma_start3A_727 : memref<1x32x128xf32, #tpu.memory_space<vmem>> -> memref<32x128xf32, #tpu.memory_space<vmem>>
      %dma_start3A_729 = arith.constant 0 : i32
      %dma_start3A_730 = tpu.memref_slice %arg3[%dma_start3A_729, %multiple_of3A_718] : memref<32x1000000xf32, #tpu.memory_space<hbm>> -> memref<32x128xf32, #tpu.memory_space<hbm>>
      %dma_start3A_731 = arith.constant 0 : i32
      %dma_start3A_732 = arith.constant 0 : i32
      %dma_start3A_733 = tpu.memref_slice %arg8[%dma_start3A_724, %dma_start3A_731, %dma_start3A_732] : memref<4x32x128xf32, #tpu.memory_space<vmem>> -> memref<1x32x128xf32, #tpu.memory_space<vmem>>
      %dma_start3A_734 = tpu.memref_squeeze %dma_start3A_733 : memref<1x32x128xf32, #tpu.memory_space<vmem>> -> memref<32x128xf32, #tpu.memory_space<vmem>>
      %dma_start3A_735 = arith.constant 0 : i32
      %dma_start3A_736 = tpu.memref_slice %arg3[%dma_start3A_735, %multiple_of3A_718] : memref<32x1000000xf32, #tpu.memory_space<hbm>> -> memref<32x128xf32, #tpu.memory_space<hbm>>
      tpu.enqueue_dma source(%dma_start3A_736 : memref<32x128xf32, #tpu.memory_space<hbm>>) target(%dma_start3A_734 : memref<32x128xf32, #tpu.memory_space<vmem>>) target_semaphore(%arg14 : memref<!tpu.dma_semaphore, #tpu.memory_space<semaphore_mem>>)
      %dma_start3A_737 = arith.constant 3 : i32
      %dma_start3A_738 = arith.constant 0 : i32
      %dma_start3A_739 = arith.constant 0 : i32
      %dma_start3A_740 = tpu.memref_slice %arg9[%dma_start3A_737, %dma_start3A_738, %dma_start3A_739] : memref<4x32x128xf32, #tpu.memory_space<vmem>> -> memref<1x32x128xf32, #tpu.memory_space<vmem>>
      %dma_start3A_741 = tpu.memref_squeeze %dma_start3A_740 : memref<1x32x128xf32, #tpu.memory_space<vmem>> -> memref<32x128xf32, #tpu.memory_space<vmem>>
      %dma_start3A_742 = arith.constant 0 : i32
      %dma_start3A_743 = tpu.memref_slice %arg4[%dma_start3A_742, %multiple_of3A_723] : memref<32x1000000xf32, #tpu.memory_space<hbm>> -> memref<32x128xf32, #tpu.memory_space<hbm>>
      %dma_start3A_744 = arith.constant 0 : i32
      %dma_start3A_745 = arith.constant 0 : i32
      %dma_start3A_746 = tpu.memref_slice %arg9[%dma_start3A_737, %dma_start3A_744, %dma_start3A_745] : memref<4x32x128xf32, #tpu.memory_space<vmem>> -> memref<1x32x128xf32, #tpu.memory_space<vmem>>
      %dma_start3A_747 = tpu.memref_squeeze %dma_start3A_746 : memref<1x32x128xf32, #tpu.memory_space<vmem>> -> memref<32x128xf32, #tpu.memory_space<vmem>>
      %dma_start3A_748 = arith.constant 0 : i32
      %dma_start3A_749 = tpu.memref_slice %arg4[%dma_start3A_748, %multiple_of3A_723] : memref<32x1000000xf32, #tpu.memory_space<hbm>> -> memref<32x128xf32, #tpu.memory_space<hbm>>
      tpu.enqueue_dma source(%dma_start3A_749 : memref<32x128xf32, #tpu.memory_space<hbm>>) target(%dma_start3A_747 : memref<32x128xf32, #tpu.memory_space<vmem>>) target_semaphore(%arg18 : memref<!tpu.dma_semaphore, #tpu.memory_space<semaphore_mem>>)
      %dma_wait3A_750 = arith.constant 0 : i32
      %dma_wait3A_751 = arith.constant 0 : i32
      %dma_wait3A_752 = arith.constant 0 : i32
      %dma_wait3A_753 = tpu.memref_slice %arg8[%dma_wait3A_750, %dma_wait3A_751, %dma_wait3A_752] : memref<4x32x128xf32, #tpu.memory_space<vmem>> -> memref<1x32x128xf32, #tpu.memory_space<vmem>>
      %dma_wait3A_754 = tpu.memref_squeeze %dma_wait3A_753 : memref<1x32x128xf32, #tpu.memory_space<vmem>> -> memref<32x128xf32, #tpu.memory_space<vmem>>
      %dma_wait3A_755 = arith.constant 0 : i32
      %dma_wait3A_756 = arith.constant 0 : i32
      %dma_wait3A_757 = tpu.memref_slice %arg3[%dma_wait3A_755, %dma_wait3A_756] : memref<32x1000000xf32, #tpu.memory_space<hbm>> -> memref<32x128xf32, #tpu.memory_space<hbm>>
      %dma_wait3A_758 = arith.constant 0 : i32
      %dma_wait3A_759 = arith.constant 0 : i32
      %dma_wait3A_760 = tpu.memref_slice %arg8[%dma_wait3A_750, %dma_wait3A_758, %dma_wait3A_759] : memref<4x32x128xf32, #tpu.memory_space<vmem>> -> memref<1x32x128xf32, #tpu.memory_space<vmem>>
      %dma_wait3A_761 = tpu.memref_squeeze %dma_wait3A_760 : memref<1x32x128xf32, #tpu.memory_space<vmem>> -> memref<32x128xf32, #tpu.memory_space<vmem>>
      %dma_wait3A_762 = arith.constant 0 : i32
      %dma_wait3A_763 = arith.constant 0 : i32
      %dma_wait3A_764 = tpu.memref_slice %arg3[%dma_wait3A_762, %dma_wait3A_763] : memref<32x1000000xf32, #tpu.memory_space<hbm>> -> memref<32x128xf32, #tpu.memory_space<hbm>>
      tpu.wait_dma2 semaphore(%arg11 : memref<!tpu.dma_semaphore, #tpu.memory_space<semaphore_mem>>) src(%dma_wait3A_764 : memref<32x128xf32, #tpu.memory_space<hbm>>) dst(%dma_wait3A_761 : memref<32x128xf32, #tpu.memory_space<vmem>>)
      %dma_wait3A_765 = arith.constant 0 : i32
      %dma_wait3A_766 = arith.constant 0 : i32
      %dma_wait3A_767 = arith.constant 0 : i32
      %dma_wait3A_768 = tpu.memref_slice %arg9[%dma_wait3A_765, %dma_wait3A_766, %dma_wait3A_767] : memref<4x32x128xf32, #tpu.memory_space<vmem>> -> memref<1x32x128xf32, #tpu.memory_space<vmem>>
      %dma_wait3A_769 = tpu.memref_squeeze %dma_wait3A_768 : memref<1x32x128xf32, #tpu.memory_space<vmem>> -> memref<32x128xf32, #tpu.memory_space<vmem>>
      %dma_wait3A_770 = arith.constant 0 : i32
      %dma_wait3A_771 = arith.constant 0 : i32
      %dma_wait3A_772 = tpu.memref_slice %arg4[%dma_wait3A_770, %dma_wait3A_771] : memref<32x1000000xf32, #tpu.memory_space<hbm>> -> memref<32x128xf32, #tpu.memory_space<hbm>>
      %dma_wait3A_773 = arith.constant 0 : i32
      %dma_wait3A_774 = arith.constant 0 : i32
      %dma_wait3A_775 = tpu.memref_slice %arg9[%dma_wait3A_765, %dma_wait3A_773, %dma_wait3A_774] : memref<4x32x128xf32, #tpu.memory_space<vmem>> -> memref<1x32x128xf32, #tpu.memory_space<vmem>>
      %dma_wait3A_776 = tpu.memref_squeeze %dma_wait3A_775 : memref<1x32x128xf32, #tpu.memory_space<vmem>> -> memref<32x128xf32, #tpu.memory_space<vmem>>
      %dma_wait3A_777 = arith.constant 0 : i32
      %dma_wait3A_778 = arith.constant 0 : i32
      %dma_wait3A_779 = tpu.memref_slice %arg4[%dma_wait3A_777, %dma_wait3A_778] : memref<32x1000000xf32, #tpu.memory_space<hbm>> -> memref<32x128xf32, #tpu.memory_space<hbm>>
      tpu.wait_dma2 semaphore(%arg15 : memref<!tpu.dma_semaphore, #tpu.memory_space<semaphore_mem>>) src(%dma_wait3A_779 : memref<32x128xf32, #tpu.memory_space<hbm>>) dst(%dma_wait3A_776 : memref<32x128xf32, #tpu.memory_space<vmem>>)
      %slice3A_780 = vector.extract_strided_slice %scan3A_223 {offsets = [4], sizes = [1], strides = [1]} : vector<16xi32> to vector<1xi32>
      %squeeze3A_781 = vector.extract %slice3A_780[0] : i32 from vector<1xi32>
      %and3A_782 = arith.constant 127 : i32
      %and3A_783 = arith.andi %squeeze3A_781, %and3A_782 : i32
      %broadcast_in_dim3A_784 = vector.broadcast %and3A_783 : i32 to vector<16xi32>
      %slice3A_785 = vector.extract_strided_slice %scan3A_224 {offsets = [4], sizes = [1], strides = [1]} : vector<16xi32> to vector<1xi32>
      %squeeze3A_786 = vector.extract %slice3A_785[0] : i32 from vector<1xi32>
      %and3A_787 = arith.constant 127 : i32
      %and3A_788 = arith.andi %squeeze3A_786, %and3A_787 : i32
      %broadcast_in_dim3A_789 = vector.broadcast %and3A_788 : i32 to vector<16xi32>
      %gather3A_790 = arith.constant 0 : i32
      %gather3A_791 = arith.constant 0 : i32
      %gather3A_792 = arith.constant 0 : i32
      %gather3A_793 = tpu.memref_slice %arg8[%gather3A_790, %gather3A_791, %gather3A_792] : memref<4x32x128xf32, #tpu.memory_space<vmem>> -> memref<1x32x128xf32, #tpu.memory_space<vmem>>
      %gather3A_794 = tpu.memref_squeeze %gather3A_793 : memref<1x32x128xf32, #tpu.memory_space<vmem>> -> memref<32x128xf32, #tpu.memory_space<vmem>>
      %gather3A_795 = tpu.vector_load_idx %gather3A_794[%iota3A, %broadcast_in_dim3A_784] : memref<32x128xf32, #tpu.memory_space<vmem>>[vector<16xi32>, vector<16xi32>], vector<16xf32>,
      %add3A_796 = arith.constant 16 : i32
      %add3A_797 = vector.broadcast %add3A_796 : i32 to vector<16xi32>
      %add3A_798 = arith.addi %iota3A, %add3A_797 : vector<16xi32>
      %gather3A_799 = arith.constant 0 : i32
      %gather3A_800 = arith.constant 0 : i32
      %gather3A_801 = arith.constant 0 : i32
      %gather3A_802 = tpu.memref_slice %arg8[%gather3A_799, %gather3A_800, %gather3A_801] : memref<4x32x128xf32, #tpu.memory_space<vmem>> -> memref<1x32x128xf32, #tpu.memory_space<vmem>>
      %gather3A_803 = tpu.memref_squeeze %gather3A_802 : memref<1x32x128xf32, #tpu.memory_space<vmem>> -> memref<32x128xf32, #tpu.memory_space<vmem>>
      %gather3A_804 = tpu.vector_load_idx %gather3A_803[%add3A_798, %broadcast_in_dim3A_784] : memref<32x128xf32, #tpu.memory_space<vmem>>[vector<16xi32>, vector<16xi32>], vector<16xf32>,
      %gather3A_805 = arith.constant 0 : i32
      %gather3A_806 = arith.constant 0 : i32
      %gather3A_807 = arith.constant 0 : i32
      %gather3A_808 = tpu.memref_slice %arg9[%gather3A_805, %gather3A_806, %gather3A_807] : memref<4x32x128xf32, #tpu.memory_space<vmem>> -> memref<1x32x128xf32, #tpu.memory_space<vmem>>
      %gather3A_809 = tpu.memref_squeeze %gather3A_808 : memref<1x32x128xf32, #tpu.memory_space<vmem>> -> memref<32x128xf32, #tpu.memory_space<vmem>>
      %gather3A_810 = tpu.vector_load_idx %gather3A_809[%iota3A, %broadcast_in_dim3A_789] : memref<32x128xf32, #tpu.memory_space<vmem>>[vector<16xi32>, vector<16xi32>], vector<16xf32>,
      %add3A_811 = arith.constant 16 : i32
      %add3A_812 = vector.broadcast %add3A_811 : i32 to vector<16xi32>
      %add3A_813 = arith.addi %iota3A, %add3A_812 : vector<16xi32>
      %gather3A_814 = arith.constant 0 : i32
      %gather3A_815 = arith.constant 0 : i32
      %gather3A_816 = arith.constant 0 : i32
      %gather3A_817 = tpu.memref_slice %arg9[%gather3A_814, %gather3A_815, %gather3A_816] : memref<4x32x128xf32, #tpu.memory_space<vmem>> -> memref<1x32x128xf32, #tpu.memory_space<vmem>>
      %gather3A_818 = tpu.memref_squeeze %gather3A_817 : memref<1x32x128xf32, #tpu.memory_space<vmem>> -> memref<32x128xf32, #tpu.memory_space<vmem>>
      %gather3A_819 = tpu.vector_load_idx %gather3A_818[%add3A_813, %broadcast_in_dim3A_789] : memref<32x128xf32, #tpu.memory_space<vmem>>[vector<16xi32>, vector<16xi32>], vector<16xf32>,
      %mul3A_820 = arith.mulf %gather3A_795, %gather3A_810 : vector<16xf32>
      %mul3A_821 = arith.mulf %gather3A_804, %gather3A_819 : vector<16xf32>
      %add3A_822 = arith.addf %mul3A_820, %mul3A_821 : vector<16xf32>
      %reduce_sum3A_823 = arith.constant true
      %reduce_sum3A_824 = vector.broadcast %reduce_sum3A_823 : i1 to vector<16xi1>
      %reduce_sum3A_825 = tpu.scan <sum>, %add3A_822 masked %reduce_sum3A_824 : vector<16xf32>, vector<16xi1> -> vector<16xf32>
      %reduce_sum3A_826 = vector.extract %reduce_sum3A_825[15] : f32 from vector<16xf32>
      %eq3A_827 = arith.constant 4 : i32
      %eq3A_828 = vector.broadcast %eq3A_827 : i32 to vector<16xi32>
      %eq3A_829 = arith.cmpi eq, %iota3A, %eq3A_828 : vector<16xi32>
      %broadcast_in_dim3A_830 = vector.broadcast %reduce_sum3A_826 : f32 to vector<16xf32>
      %select_n3A_831 = arith.select %eq3A_829, %broadcast_in_dim3A_830, %select_n3A_709 : vector<16xi1>, vector<16xf32>
      %slice3A_832 = vector.extract_strided_slice %scan3A_223 {offsets = [8], sizes = [1], strides = [1]} : vector<16xi32> to vector<1xi32>
      %squeeze3A_833 = vector.extract %slice3A_832[0] : i32 from vector<1xi32>
      %slice3A_834 = vector.extract_strided_slice %scan3A_224 {offsets = [8], sizes = [1], strides = [1]} : vector<16xi32> to vector<1xi32>
      %squeeze3A_835 = vector.extract %slice3A_834[0] : i32 from vector<1xi32>
      %shift_right_arithmetic3A_836 = arith.constant 7 : i32
      %shift_right_arithmetic3A_837 = arith.shrsi %squeeze3A_833, %shift_right_arithmetic3A_836 : i32
      %shift_left3A_838 = arith.constant 7 : i32
      %shift_left3A_839 = arith.shli %shift_right_arithmetic3A_837, %shift_left3A_838 : i32
      %multiple_of3A_840 = tpu.assume_multiple %shift_left3A_839, 128 : i32
      %shift_right_arithmetic3A_841 = arith.constant 7 : i32
      %shift_right_arithmetic3A_842 = arith.shrsi %squeeze3A_835, %shift_right_arithmetic3A_841 : i32
      %shift_left3A_843 = arith.constant 7 : i32
      %shift_left3A_844 = arith.shli %shift_right_arithmetic3A_842, %shift_left3A_843 : i32
      %multiple_of3A_845 = tpu.assume_multiple %shift_left3A_844, 128 : i32
      %dma_start3A_846 = arith.constant 0 : i32
      %dma_start3A_847 = arith.constant 0 : i32
      %dma_start3A_848 = arith.constant 0 : i32
      %dma_start3A_849 = tpu.memref_slice %arg8[%dma_start3A_846, %dma_start3A_847, %dma_start3A_848] : memref<4x32x128xf32, #tpu.memory_space<vmem>> -> memref<1x32x128xf32, #tpu.memory_space<vmem>>
      %dma_start3A_850 = tpu.memref_squeeze %dma_start3A_849 : memref<1x32x128xf32, #tpu.memory_space<vmem>> -> memref<32x128xf32, #tpu.memory_space<vmem>>
      %dma_start3A_851 = arith.constant 0 : i32
      %dma_start3A_852 = tpu.memref_slice %arg3[%dma_start3A_851, %multiple_of3A_840] : memref<32x1000000xf32, #tpu.memory_space<hbm>> -> memref<32x128xf32, #tpu.memory_space<hbm>>
      %dma_start3A_853 = arith.constant 0 : i32
      %dma_start3A_854 = arith.constant 0 : i32
      %dma_start3A_855 = tpu.memref_slice %arg8[%dma_start3A_846, %dma_start3A_853, %dma_start3A_854] : memref<4x32x128xf32, #tpu.memory_space<vmem>> -> memref<1x32x128xf32, #tpu.memory_space<vmem>>
      %dma_start3A_856 = tpu.memref_squeeze %dma_start3A_855 : memref<1x32x128xf32, #tpu.memory_space<vmem>> -> memref<32x128xf32, #tpu.memory_space<vmem>>
      %dma_start3A_857 = arith.constant 0 : i32
      %dma_start3A_858 = tpu.memref_slice %arg3[%dma_start3A_857, %multiple_of3A_840] : memref<32x1000000xf32, #tpu.memory_space<hbm>> -> memref<32x128xf32, #tpu.memory_space<hbm>>
      tpu.enqueue_dma source(%dma_start3A_858 : memref<32x128xf32, #tpu.memory_space<hbm>>) target(%dma_start3A_856 : memref<32x128xf32, #tpu.memory_space<vmem>>) target_semaphore(%arg11 : memref<!tpu.dma_semaphore, #tpu.memory_space<semaphore_mem>>)
      %dma_start3A_859 = arith.constant 0 : i32
      %dma_start3A_860 = arith.constant 0 : i32
      %dma_start3A_861 = arith.constant 0 : i32
      %dma_start3A_862 = tpu.memref_slice %arg9[%dma_start3A_859, %dma_start3A_860, %dma_start3A_861] : memref<4x32x128xf32, #tpu.memory_space<vmem>> -> memref<1x32x128xf32, #tpu.memory_space<vmem>>
      %dma_start3A_863 = tpu.memref_squeeze %dma_start3A_862 : memref<1x32x128xf32, #tpu.memory_space<vmem>> -> memref<32x128xf32, #tpu.memory_space<vmem>>
      %dma_start3A_864 = arith.constant 0 : i32
      %dma_start3A_865 = tpu.memref_slice %arg4[%dma_start3A_864, %multiple_of3A_845] : memref<32x1000000xf32, #tpu.memory_space<hbm>> -> memref<32x128xf32, #tpu.memory_space<hbm>>
      %dma_start3A_866 = arith.constant 0 : i32
      %dma_start3A_867 = arith.constant 0 : i32
      %dma_start3A_868 = tpu.memref_slice %arg9[%dma_start3A_859, %dma_start3A_866, %dma_start3A_867] : memref<4x32x128xf32, #tpu.memory_space<vmem>> -> memref<1x32x128xf32, #tpu.memory_space<vmem>>
      %dma_start3A_869 = tpu.memref_squeeze %dma_start3A_868 : memref<1x32x128xf32, #tpu.memory_space<vmem>> -> memref<32x128xf32, #tpu.memory_space<vmem>>
      %dma_start3A_870 = arith.constant 0 : i32
      %dma_start3A_871 = tpu.memref_slice %arg4[%dma_start3A_870, %multiple_of3A_845] : memref<32x1000000xf32, #tpu.memory_space<hbm>> -> memref<32x128xf32, #tpu.memory_space<hbm>>
      tpu.enqueue_dma source(%dma_start3A_871 : memref<32x128xf32, #tpu.memory_space<hbm>>) target(%dma_start3A_869 : memref<32x128xf32, #tpu.memory_space<vmem>>) target_semaphore(%arg15 : memref<!tpu.dma_semaphore, #tpu.memory_space<semaphore_mem>>)
      %dma_wait3A_872 = arith.constant 1 : i32
      %dma_wait3A_873 = arith.constant 0 : i32
      %dma_wait3A_874 = arith.constant 0 : i32
      %dma_wait3A_875 = tpu.memref_slice %arg8[%dma_wait3A_872, %dma_wait3A_873, %dma_wait3A_874] : memref<4x32x128xf32, #tpu.memory_space<vmem>> -> memref<1x32x128xf32, #tpu.memory_space<vmem>>
      %dma_wait3A_876 = tpu.memref_squeeze %dma_wait3A_875 : memref<1x32x128xf32, #tpu.memory_space<vmem>> -> memref<32x128xf32, #tpu.memory_space<vmem>>
      %dma_wait3A_877 = arith.constant 0 : i32
      %dma_wait3A_878 = arith.constant 0 : i32
      %dma_wait3A_879 = tpu.memref_slice %arg3[%dma_wait3A_877, %dma_wait3A_878] : memref<32x1000000xf32, #tpu.memory_space<hbm>> -> memref<32x128xf32, #tpu.memory_space<hbm>>
      %dma_wait3A_880 = arith.constant 0 : i32
      %dma_wait3A_881 = arith.constant 0 : i32
      %dma_wait3A_882 = tpu.memref_slice %arg8[%dma_wait3A_872, %dma_wait3A_880, %dma_wait3A_881] : memref<4x32x128xf32, #tpu.memory_space<vmem>> -> memref<1x32x128xf32, #tpu.memory_space<vmem>>
      %dma_wait3A_883 = tpu.memref_squeeze %dma_wait3A_882 : memref<1x32x128xf32, #tpu.memory_space<vmem>> -> memref<32x128xf32, #tpu.memory_space<vmem>>
      %dma_wait3A_884 = arith.constant 0 : i32
      %dma_wait3A_885 = arith.constant 0 : i32
      %dma_wait3A_886 = tpu.memref_slice %arg3[%dma_wait3A_884, %dma_wait3A_885] : memref<32x1000000xf32, #tpu.memory_space<hbm>> -> memref<32x128xf32, #tpu.memory_space<hbm>>
      tpu.wait_dma2 semaphore(%arg12 : memref<!tpu.dma_semaphore, #tpu.memory_space<semaphore_mem>>) src(%dma_wait3A_886 : memref<32x128xf32, #tpu.memory_space<hbm>>) dst(%dma_wait3A_883 : memref<32x128xf32, #tpu.memory_space<vmem>>)
      %dma_wait3A_887 = arith.constant 1 : i32
      %dma_wait3A_888 = arith.constant 0 : i32
      %dma_wait3A_889 = arith.constant 0 : i32
      %dma_wait3A_890 = tpu.memref_slice %arg9[%dma_wait3A_887, %dma_wait3A_888, %dma_wait3A_889] : memref<4x32x128xf32, #tpu.memory_space<vmem>> -> memref<1x32x128xf32, #tpu.memory_space<vmem>>
      %dma_wait3A_891 = tpu.memref_squeeze %dma_wait3A_890 : memref<1x32x128xf32, #tpu.memory_space<vmem>> -> memref<32x128xf32, #tpu.memory_space<vmem>>
      %dma_wait3A_892 = arith.constant 0 : i32
      %dma_wait3A_893 = arith.constant 0 : i32
      %dma_wait3A_894 = tpu.memref_slice %arg4[%dma_wait3A_892, %dma_wait3A_893] : memref<32x1000000xf32, #tpu.memory_space<hbm>> -> memref<32x128xf32, #tpu.memory_space<hbm>>
      %dma_wait3A_895 = arith.constant 0 : i32
      %dma_wait3A_896 = arith.constant 0 : i32
      %dma_wait3A_897 = tpu.memref_slice %arg9[%dma_wait3A_887, %dma_wait3A_895, %dma_wait3A_896] : memref<4x32x128xf32, #tpu.memory_space<vmem>> -> memref<1x32x128xf32, #tpu.memory_space<vmem>>
      %dma_wait3A_898 = tpu.memref_squeeze %dma_wait3A_897 : memref<1x32x128xf32, #tpu.memory_space<vmem>> -> memref<32x128xf32, #tpu.memory_space<vmem>>
      %dma_wait3A_899 = arith.constant 0 : i32
      %dma_wait3A_900 = arith.constant 0 : i32
      %dma_wait3A_901 = tpu.memref_slice %arg4[%dma_wait3A_899, %dma_wait3A_900] : memref<32x1000000xf32, #tpu.memory_space<hbm>> -> memref<32x128xf32, #tpu.memory_space<hbm>>
      tpu.wait_dma2 semaphore(%arg16 : memref<!tpu.dma_semaphore, #tpu.memory_space<semaphore_mem>>) src(%dma_wait3A_901 : memref<32x128xf32, #tpu.memory_space<hbm>>) dst(%dma_wait3A_898 : memref<32x128xf32, #tpu.memory_space<vmem>>)
      %slice3A_902 = vector.extract_strided_slice %scan3A_223 {offsets = [5], sizes = [1], strides = [1]} : vector<16xi32> to vector<1xi32>
      %squeeze3A_903 = vector.extract %slice3A_902[0] : i32 from vector<1xi32>
      %and3A_904 = arith.constant 127 : i32
      %and3A_905 = arith.andi %squeeze3A_903, %and3A_904 : i32
      %broadcast_in_dim3A_906 = vector.broadcast %and3A_905 : i32 to vector<16xi32>
      %slice3A_907 = vector.extract_strided_slice %scan3A_224 {offsets = [5], sizes = [1], strides = [1]} : vector<16xi32> to vector<1xi32>
      %squeeze3A_908 = vector.extract %slice3A_907[0] : i32 from vector<1xi32>
      %and3A_909 = arith.constant 127 : i32
      %and3A_910 = arith.andi %squeeze3A_908, %and3A_909 : i32
      %broadcast_in_dim3A_911 = vector.broadcast %and3A_910 : i32 to vector<16xi32>
      %gather3A_912 = arith.constant 1 : i32
      %gather3A_913 = arith.constant 0 : i32
      %gather3A_914 = arith.constant 0 : i32
      %gather3A_915 = tpu.memref_slice %arg8[%gather3A_912, %gather3A_913, %gather3A_914] : memref<4x32x128xf32, #tpu.memory_space<vmem>> -> memref<1x32x128xf32, #tpu.memory_space<vmem>>
      %gather3A_916 = tpu.memref_squeeze %gather3A_915 : memref<1x32x128xf32, #tpu.memory_space<vmem>> -> memref<32x128xf32, #tpu.memory_space<vmem>>
      %gather3A_917 = tpu.vector_load_idx %gather3A_916[%iota3A, %broadcast_in_dim3A_906] : memref<32x128xf32, #tpu.memory_space<vmem>>[vector<16xi32>, vector<16xi32>], vector<16xf32>,
      %add3A_918 = arith.constant 16 : i32
      %add3A_919 = vector.broadcast %add3A_918 : i32 to vector<16xi32>
      %add3A_920 = arith.addi %iota3A, %add3A_919 : vector<16xi32>
      %gather3A_921 = arith.constant 1 : i32
      %gather3A_922 = arith.constant 0 : i32
      %gather3A_923 = arith.constant 0 : i32
      %gather3A_924 = tpu.memref_slice %arg8[%gather3A_921, %gather3A_922, %gather3A_923] : memref<4x32x128xf32, #tpu.memory_space<vmem>> -> memref<1x32x128xf32, #tpu.memory_space<vmem>>
      %gather3A_925 = tpu.memref_squeeze %gather3A_924 : memref<1x32x128xf32, #tpu.memory_space<vmem>> -> memref<32x128xf32, #tpu.memory_space<vmem>>
      %gather3A_926 = tpu.vector_load_idx %gather3A_925[%add3A_920, %broadcast_in_dim3A_906] : memref<32x128xf32, #tpu.memory_space<vmem>>[vector<16xi32>, vector<16xi32>], vector<16xf32>,
      %gather3A_927 = arith.constant 1 : i32
      %gather3A_928 = arith.constant 0 : i32
      %gather3A_929 = arith.constant 0 : i32
      %gather3A_930 = tpu.memref_slice %arg9[%gather3A_927, %gather3A_928, %gather3A_929] : memref<4x32x128xf32, #tpu.memory_space<vmem>> -> memref<1x32x128xf32, #tpu.memory_space<vmem>>
      %gather3A_931 = tpu.memref_squeeze %gather3A_930 : memref<1x32x128xf32, #tpu.memory_space<vmem>> -> memref<32x128xf32, #tpu.memory_space<vmem>>
      %gather3A_932 = tpu.vector_load_idx %gather3A_931[%iota3A, %broadcast_in_dim3A_911] : memref<32x128xf32, #tpu.memory_space<vmem>>[vector<16xi32>, vector<16xi32>], vector<16xf32>,
      %add3A_933 = arith.constant 16 : i32
      %add3A_934 = vector.broadcast %add3A_933 : i32 to vector<16xi32>
      %add3A_935 = arith.addi %iota3A, %add3A_934 : vector<16xi32>
      %gather3A_936 = arith.constant 1 : i32
      %gather3A_937 = arith.constant 0 : i32
      %gather3A_938 = arith.constant 0 : i32
      %gather3A_939 = tpu.memref_slice %arg9[%gather3A_936, %gather3A_937, %gather3A_938] : memref<4x32x128xf32, #tpu.memory_space<vmem>> -> memref<1x32x128xf32, #tpu.memory_space<vmem>>
      %gather3A_940 = tpu.memref_squeeze %gather3A_939 : memref<1x32x128xf32, #tpu.memory_space<vmem>> -> memref<32x128xf32, #tpu.memory_space<vmem>>
      %gather3A_941 = tpu.vector_load_idx %gather3A_940[%add3A_935, %broadcast_in_dim3A_911] : memref<32x128xf32, #tpu.memory_space<vmem>>[vector<16xi32>, vector<16xi32>], vector<16xf32>,
      %mul3A_942 = arith.mulf %gather3A_917, %gather3A_932 : vector<16xf32>
      %mul3A_943 = arith.mulf %gather3A_926, %gather3A_941 : vector<16xf32>
      %add3A_944 = arith.addf %mul3A_942, %mul3A_943 : vector<16xf32>
      %reduce_sum3A_945 = arith.constant true
      %reduce_sum3A_946 = vector.broadcast %reduce_sum3A_945 : i1 to vector<16xi1>
      %reduce_sum3A_947 = tpu.scan <sum>, %add3A_944 masked %reduce_sum3A_946 : vector<16xf32>, vector<16xi1> -> vector<16xf32>
      %reduce_sum3A_948 = vector.extract %reduce_sum3A_947[15] : f32 from vector<16xf32>
      %eq3A_949 = arith.constant 5 : i32
      %eq3A_950 = vector.broadcast %eq3A_949 : i32 to vector<16xi32>
      %eq3A_951 = arith.cmpi eq, %iota3A, %eq3A_950 : vector<16xi32>
      %broadcast_in_dim3A_952 = vector.broadcast %reduce_sum3A_948 : f32 to vector<16xf32>
      %select_n3A_953 = arith.select %eq3A_951, %broadcast_in_dim3A_952, %select_n3A_831 : vector<16xi1>, vector<16xf32>
      %slice3A_954 = vector.extract_strided_slice %scan3A_223 {offsets = [9], sizes = [1], strides = [1]} : vector<16xi32> to vector<1xi32>
      %squeeze3A_955 = vector.extract %slice3A_954[0] : i32 from vector<1xi32>
      %slice3A_956 = vector.extract_strided_slice %scan3A_224 {offsets = [9], sizes = [1], strides = [1]} : vector<16xi32> to vector<1xi32>
      %squeeze3A_957 = vector.extract %slice3A_956[0] : i32 from vector<1xi32>
      %shift_right_arithmetic3A_958 = arith.constant 7 : i32
      %shift_right_arithmetic3A_959 = arith.shrsi %squeeze3A_955, %shift_right_arithmetic3A_958 : i32
      %shift_left3A_960 = arith.constant 7 : i32
      %shift_left3A_961 = arith.shli %shift_right_arithmetic3A_959, %shift_left3A_960 : i32
      %multiple_of3A_962 = tpu.assume_multiple %shift_left3A_961, 128 : i32
      %shift_right_arithmetic3A_963 = arith.constant 7 : i32
      %shift_right_arithmetic3A_964 = arith.shrsi %squeeze3A_957, %shift_right_arithmetic3A_963 : i32
      %shift_left3A_965 = arith.constant 7 : i32
      %shift_left3A_966 = arith.shli %shift_right_arithmetic3A_964, %shift_left3A_965 : i32
      %multiple_of3A_967 = tpu.assume_multiple %shift_left3A_966, 128 : i32
      %dma_start3A_968 = arith.constant 1 : i32
      %dma_start3A_969 = arith.constant 0 : i32
      %dma_start3A_970 = arith.constant 0 : i32
      %dma_start3A_971 = tpu.memref_slice %arg8[%dma_start3A_968, %dma_start3A_969, %dma_start3A_970] : memref<4x32x128xf32, #tpu.memory_space<vmem>> -> memref<1x32x128xf32, #tpu.memory_space<vmem>>
      %dma_start3A_972 = tpu.memref_squeeze %dma_start3A_971 : memref<1x32x128xf32, #tpu.memory_space<vmem>> -> memref<32x128xf32, #tpu.memory_space<vmem>>
      %dma_start3A_973 = arith.constant 0 : i32
      %dma_start3A_974 = tpu.memref_slice %arg3[%dma_start3A_973, %multiple_of3A_962] : memref<32x1000000xf32, #tpu.memory_space<hbm>> -> memref<32x128xf32, #tpu.memory_space<hbm>>
      %dma_start3A_975 = arith.constant 0 : i32
      %dma_start3A_976 = arith.constant 0 : i32
      %dma_start3A_977 = tpu.memref_slice %arg8[%dma_start3A_968, %dma_start3A_975, %dma_start3A_976] : memref<4x32x128xf32, #tpu.memory_space<vmem>> -> memref<1x32x128xf32, #tpu.memory_space<vmem>>
      %dma_start3A_978 = tpu.memref_squeeze %dma_start3A_977 : memref<1x32x128xf32, #tpu.memory_space<vmem>> -> memref<32x128xf32, #tpu.memory_space<vmem>>
      %dma_start3A_979 = arith.constant 0 : i32
      %dma_start3A_980 = tpu.memref_slice %arg3[%dma_start3A_979, %multiple_of3A_962] : memref<32x1000000xf32, #tpu.memory_space<hbm>> -> memref<32x128xf32, #tpu.memory_space<hbm>>
      tpu.enqueue_dma source(%dma_start3A_980 : memref<32x128xf32, #tpu.memory_space<hbm>>) target(%dma_start3A_978 : memref<32x128xf32, #tpu.memory_space<vmem>>) target_semaphore(%arg12 : memref<!tpu.dma_semaphore, #tpu.memory_space<semaphore_mem>>)
      %dma_start3A_981 = arith.constant 1 : i32
      %dma_start3A_982 = arith.constant 0 : i32
      %dma_start3A_983 = arith.constant 0 : i32
      %dma_start3A_984 = tpu.memref_slice %arg9[%dma_start3A_981, %dma_start3A_982, %dma_start3A_983] : memref<4x32x128xf32, #tpu.memory_space<vmem>> -> memref<1x32x128xf32, #tpu.memory_space<vmem>>
      %dma_start3A_985 = tpu.memref_squeeze %dma_start3A_984 : memref<1x32x128xf32, #tpu.memory_space<vmem>> -> memref<32x128xf32, #tpu.memory_space<vmem>>
      %dma_start3A_986 = arith.constant 0 : i32
      %dma_start3A_987 = tpu.memref_slice %arg4[%dma_start3A_986, %multiple_of3A_967] : memref<32x1000000xf32, #tpu.memory_space<hbm>> -> memref<32x128xf32, #tpu.memory_space<hbm>>
      %dma_start3A_988 = arith.constant 0 : i32
      %dma_start3A_989 = arith.constant 0 : i32
      %dma_start3A_990 = tpu.memref_slice %arg9[%dma_start3A_981, %dma_start3A_988, %dma_start3A_989] : memref<4x32x128xf32, #tpu.memory_space<vmem>> -> memref<1x32x128xf32, #tpu.memory_space<vmem>>
      %dma_start3A_991 = tpu.memref_squeeze %dma_start3A_990 : memref<1x32x128xf32, #tpu.memory_space<vmem>> -> memref<32x128xf32, #tpu.memory_space<vmem>>
      %dma_start3A_992 = arith.constant 0 : i32
      %dma_start3A_993 = tpu.memref_slice %arg4[%dma_start3A_992, %multiple_of3A_967] : memref<32x1000000xf32, #tpu.memory_space<hbm>> -> memref<32x128xf32, #tpu.memory_space<hbm>>
      tpu.enqueue_dma source(%dma_start3A_993 : memref<32x128xf32, #tpu.memory_space<hbm>>) target(%dma_start3A_991 : memref<32x128xf32, #tpu.memory_space<vmem>>) target_semaphore(%arg16 : memref<!tpu.dma_semaphore, #tpu.memory_space<semaphore_mem>>)
      %dma_wait3A_994 = arith.constant 2 : i32
      %dma_wait3A_995 = arith.constant 0 : i32
      %dma_wait3A_996 = arith.constant 0 : i32
      %dma_wait3A_997 = tpu.memref_slice %arg8[%dma_wait3A_994, %dma_wait3A_995, %dma_wait3A_996] : memref<4x32x128xf32, #tpu.memory_space<vmem>> -> memref<1x32x128xf32, #tpu.memory_space<vmem>>
      %dma_wait3A_998 = tpu.memref_squeeze %dma_wait3A_997 : memref<1x32x128xf32, #tpu.memory_space<vmem>> -> memref<32x128xf32, #tpu.memory_space<vmem>>
      %dma_wait3A_999 = arith.constant 0 : i32
      %dma_wait3A_1000 = arith.constant 0 : i32
      %dma_wait3A_1001 = tpu.memref_slice %arg3[%dma_wait3A_999, %dma_wait3A_1000] : memref<32x1000000xf32, #tpu.memory_space<hbm>> -> memref<32x128xf32, #tpu.memory_space<hbm>>
      %dma_wait3A_1002 = arith.constant 0 : i32
      %dma_wait3A_1003 = arith.constant 0 : i32
      %dma_wait3A_1004 = tpu.memref_slice %arg8[%dma_wait3A_994, %dma_wait3A_1002, %dma_wait3A_1003] : memref<4x32x128xf32, #tpu.memory_space<vmem>> -> memref<1x32x128xf32, #tpu.memory_space<vmem>>
      %dma_wait3A_1005 = tpu.memref_squeeze %dma_wait3A_1004 : memref<1x32x128xf32, #tpu.memory_space<vmem>> -> memref<32x128xf32, #tpu.memory_space<vmem>>
      %dma_wait3A_1006 = arith.constant 0 : i32
      %dma_wait3A_1007 = arith.constant 0 : i32
      %dma_wait3A_1008 = tpu.memref_slice %arg3[%dma_wait3A_1006, %dma_wait3A_1007] : memref<32x1000000xf32, #tpu.memory_space<hbm>> -> memref<32x128xf32, #tpu.memory_space<hbm>>
      tpu.wait_dma2 semaphore(%arg13 : memref<!tpu.dma_semaphore, #tpu.memory_space<semaphore_mem>>) src(%dma_wait3A_1008 : memref<32x128xf32, #tpu.memory_space<hbm>>) dst(%dma_wait3A_1005 : memref<32x128xf32, #tpu.memory_space<vmem>>)
      %dma_wait3A_1009 = arith.constant 2 : i32
      %dma_wait3A_1010 = arith.constant 0 : i32
      %dma_wait3A_1011 = arith.constant 0 : i32
      %dma_wait3A_1012 = tpu.memref_slice %arg9[%dma_wait3A_1009, %dma_wait3A_1010, %dma_wait3A_1011] : memref<4x32x128xf32, #tpu.memory_space<vmem>> -> memref<1x32x128xf32, #tpu.memory_space<vmem>>
      %dma_wait3A_1013 = tpu.memref_squeeze %dma_wait3A_1012 : memref<1x32x128xf32, #tpu.memory_space<vmem>> -> memref<32x128xf32, #tpu.memory_space<vmem>>
      %dma_wait3A_1014 = arith.constant 0 : i32
      %dma_wait3A_1015 = arith.constant 0 : i32
      %dma_wait3A_1016 = tpu.memref_slice %arg4[%dma_wait3A_1014, %dma_wait3A_1015] : memref<32x1000000xf32, #tpu.memory_space<hbm>> -> memref<32x128xf32, #tpu.memory_space<hbm>>
      %dma_wait3A_1017 = arith.constant 0 : i32
      %dma_wait3A_1018 = arith.constant 0 : i32
      %dma_wait3A_1019 = tpu.memref_slice %arg9[%dma_wait3A_1009, %dma_wait3A_1017, %dma_wait3A_1018] : memref<4x32x128xf32, #tpu.memory_space<vmem>> -> memref<1x32x128xf32, #tpu.memory_space<vmem>>
      %dma_wait3A_1020 = tpu.memref_squeeze %dma_wait3A_1019 : memref<1x32x128xf32, #tpu.memory_space<vmem>> -> memref<32x128xf32, #tpu.memory_space<vmem>>
      %dma_wait3A_1021 = arith.constant 0 : i32
      %dma_wait3A_1022 = arith.constant 0 : i32
      %dma_wait3A_1023 = tpu.memref_slice %arg4[%dma_wait3A_1021, %dma_wait3A_1022] : memref<32x1000000xf32, #tpu.memory_space<hbm>> -> memref<32x128xf32, #tpu.memory_space<hbm>>
      tpu.wait_dma2 semaphore(%arg17 : memref<!tpu.dma_semaphore, #tpu.memory_space<semaphore_mem>>) src(%dma_wait3A_1023 : memref<32x128xf32, #tpu.memory_space<hbm>>) dst(%dma_wait3A_1020 : memref<32x128xf32, #tpu.memory_space<vmem>>)
      %slice3A_1024 = vector.extract_strided_slice %scan3A_223 {offsets = [6], sizes = [1], strides = [1]} : vector<16xi32> to vector<1xi32>
      %squeeze3A_1025 = vector.extract %slice3A_1024[0] : i32 from vector<1xi32>
      %and3A_1026 = arith.constant 127 : i32
      %and3A_1027 = arith.andi %squeeze3A_1025, %and3A_1026 : i32
      %broadcast_in_dim3A_1028 = vector.broadcast %and3A_1027 : i32 to vector<16xi32>
      %slice3A_1029 = vector.extract_strided_slice %scan3A_224 {offsets = [6], sizes = [1], strides = [1]} : vector<16xi32> to vector<1xi32>
      %squeeze3A_1030 = vector.extract %slice3A_1029[0] : i32 from vector<1xi32>
      %and3A_1031 = arith.constant 127 : i32
      %and3A_1032 = arith.andi %squeeze3A_1030, %and3A_1031 : i32
      %broadcast_in_dim3A_1033 = vector.broadcast %and3A_1032 : i32 to vector<16xi32>
      %gather3A_1034 = arith.constant 2 : i32
      %gather3A_1035 = arith.constant 0 : i32
      %gather3A_1036 = arith.constant 0 : i32
      %gather3A_1037 = tpu.memref_slice %arg8[%gather3A_1034, %gather3A_1035, %gather3A_1036] : memref<4x32x128xf32, #tpu.memory_space<vmem>> -> memref<1x32x128xf32, #tpu.memory_space<vmem>>
      %gather3A_1038 = tpu.memref_squeeze %gather3A_1037 : memref<1x32x128xf32, #tpu.memory_space<vmem>> -> memref<32x128xf32, #tpu.memory_space<vmem>>
      %gather3A_1039 = tpu.vector_load_idx %gather3A_1038[%iota3A, %broadcast_in_dim3A_1028] : memref<32x128xf32, #tpu.memory_space<vmem>>[vector<16xi32>, vector<16xi32>], vector<16xf32>,
      %add3A_1040 = arith.constant 16 : i32
      %add3A_1041 = vector.broadcast %add3A_1040 : i32 to vector<16xi32>
      %add3A_1042 = arith.addi %iota3A, %add3A_1041 : vector<16xi32>
      %gather3A_1043 = arith.constant 2 : i32
      %gather3A_1044 = arith.constant 0 : i32
      %gather3A_1045 = arith.constant 0 : i32
      %gather3A_1046 = tpu.memref_slice %arg8[%gather3A_1043, %gather3A_1044, %gather3A_1045] : memref<4x32x128xf32, #tpu.memory_space<vmem>> -> memref<1x32x128xf32, #tpu.memory_space<vmem>>
      %gather3A_1047 = tpu.memref_squeeze %gather3A_1046 : memref<1x32x128xf32, #tpu.memory_space<vmem>> -> memref<32x128xf32, #tpu.memory_space<vmem>>
      %gather3A_1048 = tpu.vector_load_idx %gather3A_1047[%add3A_1042, %broadcast_in_dim3A_1028] : memref<32x128xf32, #tpu.memory_space<vmem>>[vector<16xi32>, vector<16xi32>], vector<16xf32>,
      %gather3A_1049 = arith.constant 2 : i32
      %gather3A_1050 = arith.constant 0 : i32
      %gather3A_1051 = arith.constant 0 : i32
      %gather3A_1052 = tpu.memref_slice %arg9[%gather3A_1049, %gather3A_1050, %gather3A_1051] : memref<4x32x128xf32, #tpu.memory_space<vmem>> -> memref<1x32x128xf32, #tpu.memory_space<vmem>>
      %gather3A_1053 = tpu.memref_squeeze %gather3A_1052 : memref<1x32x128xf32, #tpu.memory_space<vmem>> -> memref<32x128xf32, #tpu.memory_space<vmem>>
      %gather3A_1054 = tpu.vector_load_idx %gather3A_1053[%iota3A, %broadcast_in_dim3A_1033] : memref<32x128xf32, #tpu.memory_space<vmem>>[vector<16xi32>, vector<16xi32>], vector<16xf32>,
      %add3A_1055 = arith.constant 16 : i32
      %add3A_1056 = vector.broadcast %add3A_1055 : i32 to vector<16xi32>
      %add3A_1057 = arith.addi %iota3A, %add3A_1056 : vector<16xi32>
      %gather3A_1058 = arith.constant 2 : i32
      %gather3A_1059 = arith.constant 0 : i32
      %gather3A_1060 = arith.constant 0 : i32
      %gather3A_1061 = tpu.memref_slice %arg9[%gather3A_1058, %gather3A_1059, %gather3A_1060] : memref<4x32x128xf32, #tpu.memory_space<vmem>> -> memref<1x32x128xf32, #tpu.memory_space<vmem>>
      %gather3A_1062 = tpu.memref_squeeze %gather3A_1061 : memref<1x32x128xf32, #tpu.memory_space<vmem>> -> memref<32x128xf32, #tpu.memory_space<vmem>>
      %gather3A_1063 = tpu.vector_load_idx %gather3A_1062[%add3A_1057, %broadcast_in_dim3A_1033] : memref<32x128xf32, #tpu.memory_space<vmem>>[vector<16xi32>, vector<16xi32>], vector<16xf32>,
      %mul3A_1064 = arith.mulf %gather3A_1039, %gather3A_1054 : vector<16xf32>
      %mul3A_1065 = arith.mulf %gather3A_1048, %gather3A_1063 : vector<16xf32>
      %add3A_1066 = arith.addf %mul3A_1064, %mul3A_1065 : vector<16xf32>
      %reduce_sum3A_1067 = arith.constant true
      %reduce_sum3A_1068 = vector.broadcast %reduce_sum3A_1067 : i1 to vector<16xi1>
      %reduce_sum3A_1069 = tpu.scan <sum>, %add3A_1066 masked %reduce_sum3A_1068 : vector<16xf32>, vector<16xi1> -> vector<16xf32>
      %reduce_sum3A_1070 = vector.extract %reduce_sum3A_1069[15] : f32 from vector<16xf32>
      %eq3A_1071 = arith.constant 6 : i32
      %eq3A_1072 = vector.broadcast %eq3A_1071 : i32 to vector<16xi32>
      %eq3A_1073 = arith.cmpi eq, %iota3A, %eq3A_1072 : vector<16xi32>
      %broadcast_in_dim3A_1074 = vector.broadcast %reduce_sum3A_1070 : f32 to vector<16xf32>
      %select_n3A_1075 = arith.select %eq3A_1073, %broadcast_in_dim3A_1074, %select_n3A_953 : vector<16xi1>, vector<16xf32>
      %slice3A_1076 = vector.extract_strided_slice %scan3A_223 {offsets = [10], sizes = [1], strides = [1]} : vector<16xi32> to vector<1xi32>
      %squeeze3A_1077 = vector.extract %slice3A_1076[0] : i32 from vector<1xi32>
      %slice3A_1078 = vector.extract_strided_slice %scan3A_224 {offsets = [10], sizes = [1], strides = [1]} : vector<16xi32> to vector<1xi32>
      %squeeze3A_1079 = vector.extract %slice3A_1078[0] : i32 from vector<1xi32>
      %shift_right_arithmetic3A_1080 = arith.constant 7 : i32
      %shift_right_arithmetic3A_1081 = arith.shrsi %squeeze3A_1077, %shift_right_arithmetic3A_1080 : i32
      %shift_left3A_1082 = arith.constant 7 : i32
      %shift_left3A_1083 = arith.shli %shift_right_arithmetic3A_1081, %shift_left3A_1082 : i32
      %multiple_of3A_1084 = tpu.assume_multiple %shift_left3A_1083, 128 : i32
      %shift_right_arithmetic3A_1085 = arith.constant 7 : i32
      %shift_right_arithmetic3A_1086 = arith.shrsi %squeeze3A_1079, %shift_right_arithmetic3A_1085 : i32
      %shift_left3A_1087 = arith.constant 7 : i32
      %shift_left3A_1088 = arith.shli %shift_right_arithmetic3A_1086, %shift_left3A_1087 : i32
      %multiple_of3A_1089 = tpu.assume_multiple %shift_left3A_1088, 128 : i32
      %dma_start3A_1090 = arith.constant 2 : i32
      %dma_start3A_1091 = arith.constant 0 : i32
      %dma_start3A_1092 = arith.constant 0 : i32
      %dma_start3A_1093 = tpu.memref_slice %arg8[%dma_start3A_1090, %dma_start3A_1091, %dma_start3A_1092] : memref<4x32x128xf32, #tpu.memory_space<vmem>> -> memref<1x32x128xf32, #tpu.memory_space<vmem>>
      %dma_start3A_1094 = tpu.memref_squeeze %dma_start3A_1093 : memref<1x32x128xf32, #tpu.memory_space<vmem>> -> memref<32x128xf32, #tpu.memory_space<vmem>>
      %dma_start3A_1095 = arith.constant 0 : i32
      %dma_start3A_1096 = tpu.memref_slice %arg3[%dma_start3A_1095, %multiple_of3A_1084] : memref<32x1000000xf32, #tpu.memory_space<hbm>> -> memref<32x128xf32, #tpu.memory_space<hbm>>
      %dma_start3A_1097 = arith.constant 0 : i32
      %dma_start3A_1098 = arith.constant 0 : i32
      %dma_start3A_1099 = tpu.memref_slice %arg8[%dma_start3A_1090, %dma_start3A_1097, %dma_start3A_1098] : memref<4x32x128xf32, #tpu.memory_space<vmem>> -> memref<1x32x128xf32, #tpu.memory_space<vmem>>
      %dma_start3A_1100 = tpu.memref_squeeze %dma_start3A_1099 : memref<1x32x128xf32, #tpu.memory_space<vmem>> -> memref<32x128xf32, #tpu.memory_space<vmem>>
      %dma_start3A_1101 = arith.constant 0 : i32
      %dma_start3A_1102 = tpu.memref_slice %arg3[%dma_start3A_1101, %multiple_of3A_1084] : memref<32x1000000xf32, #tpu.memory_space<hbm>> -> memref<32x128xf32, #tpu.memory_space<hbm>>
      tpu.enqueue_dma source(%dma_start3A_1102 : memref<32x128xf32, #tpu.memory_space<hbm>>) target(%dma_start3A_1100 : memref<32x128xf32, #tpu.memory_space<vmem>>) target_semaphore(%arg13 : memref<!tpu.dma_semaphore, #tpu.memory_space<semaphore_mem>>)
      %dma_start3A_1103 = arith.constant 2 : i32
      %dma_start3A_1104 = arith.constant 0 : i32
      %dma_start3A_1105 = arith.constant 0 : i32
      %dma_start3A_1106 = tpu.memref_slice %arg9[%dma_start3A_1103, %dma_start3A_1104, %dma_start3A_1105] : memref<4x32x128xf32, #tpu.memory_space<vmem>> -> memref<1x32x128xf32, #tpu.memory_space<vmem>>
      %dma_start3A_1107 = tpu.memref_squeeze %dma_start3A_1106 : memref<1x32x128xf32, #tpu.memory_space<vmem>> -> memref<32x128xf32, #tpu.memory_space<vmem>>
      %dma_start3A_1108 = arith.constant 0 : i32
      %dma_start3A_1109 = tpu.memref_slice %arg4[%dma_start3A_1108, %multiple_of3A_1089] : memref<32x1000000xf32, #tpu.memory_space<hbm>> -> memref<32x128xf32, #tpu.memory_space<hbm>>
      %dma_start3A_1110 = arith.constant 0 : i32
      %dma_start3A_1111 = arith.constant 0 : i32
      %dma_start3A_1112 = tpu.memref_slice %arg9[%dma_start3A_1103, %dma_start3A_1110, %dma_start3A_1111] : memref<4x32x128xf32, #tpu.memory_space<vmem>> -> memref<1x32x128xf32, #tpu.memory_space<vmem>>
      %dma_start3A_1113 = tpu.memref_squeeze %dma_start3A_1112 : memref<1x32x128xf32, #tpu.memory_space<vmem>> -> memref<32x128xf32, #tpu.memory_space<vmem>>
      %dma_start3A_1114 = arith.constant 0 : i32
      %dma_start3A_1115 = tpu.memref_slice %arg4[%dma_start3A_1114, %multiple_of3A_1089] : memref<32x1000000xf32, #tpu.memory_space<hbm>> -> memref<32x128xf32, #tpu.memory_space<hbm>>
      tpu.enqueue_dma source(%dma_start3A_1115 : memref<32x128xf32, #tpu.memory_space<hbm>>) target(%dma_start3A_1113 : memref<32x128xf32, #tpu.memory_space<vmem>>) target_semaphore(%arg17 : memref<!tpu.dma_semaphore, #tpu.memory_space<semaphore_mem>>)
      %dma_wait3A_1116 = arith.constant 3 : i32
      %dma_wait3A_1117 = arith.constant 0 : i32
      %dma_wait3A_1118 = arith.constant 0 : i32
      %dma_wait3A_1119 = tpu.memref_slice %arg8[%dma_wait3A_1116, %dma_wait3A_1117, %dma_wait3A_1118] : memref<4x32x128xf32, #tpu.memory_space<vmem>> -> memref<1x32x128xf32, #tpu.memory_space<vmem>>
      %dma_wait3A_1120 = tpu.memref_squeeze %dma_wait3A_1119 : memref<1x32x128xf32, #tpu.memory_space<vmem>> -> memref<32x128xf32, #tpu.memory_space<vmem>>
      %dma_wait3A_1121 = arith.constant 0 : i32
      %dma_wait3A_1122 = arith.constant 0 : i32
      %dma_wait3A_1123 = tpu.memref_slice %arg3[%dma_wait3A_1121, %dma_wait3A_1122] : memref<32x1000000xf32, #tpu.memory_space<hbm>> -> memref<32x128xf32, #tpu.memory_space<hbm>>
      %dma_wait3A_1124 = arith.constant 0 : i32
      %dma_wait3A_1125 = arith.constant 0 : i32
      %dma_wait3A_1126 = tpu.memref_slice %arg8[%dma_wait3A_1116, %dma_wait3A_1124, %dma_wait3A_1125] : memref<4x32x128xf32, #tpu.memory_space<vmem>> -> memref<1x32x128xf32, #tpu.memory_space<vmem>>
      %dma_wait3A_1127 = tpu.memref_squeeze %dma_wait3A_1126 : memref<1x32x128xf32, #tpu.memory_space<vmem>> -> memref<32x128xf32, #tpu.memory_space<vmem>>
      %dma_wait3A_1128 = arith.constant 0 : i32
      %dma_wait3A_1129 = arith.constant 0 : i32
      %dma_wait3A_1130 = tpu.memref_slice %arg3[%dma_wait3A_1128, %dma_wait3A_1129] : memref<32x1000000xf32, #tpu.memory_space<hbm>> -> memref<32x128xf32, #tpu.memory_space<hbm>>
      tpu.wait_dma2 semaphore(%arg14 : memref<!tpu.dma_semaphore, #tpu.memory_space<semaphore_mem>>) src(%dma_wait3A_1130 : memref<32x128xf32, #tpu.memory_space<hbm>>) dst(%dma_wait3A_1127 : memref<32x128xf32, #tpu.memory_space<vmem>>)
      %dma_wait3A_1131 = arith.constant 3 : i32
      %dma_wait3A_1132 = arith.constant 0 : i32
      %dma_wait3A_1133 = arith.constant 0 : i32
      %dma_wait3A_1134 = tpu.memref_slice %arg9[%dma_wait3A_1131, %dma_wait3A_1132, %dma_wait3A_1133] : memref<4x32x128xf32, #tpu.memory_space<vmem>> -> memref<1x32x128xf32, #tpu.memory_space<vmem>>
      %dma_wait3A_1135 = tpu.memref_squeeze %dma_wait3A_1134 : memref<1x32x128xf32, #tpu.memory_space<vmem>> -> memref<32x128xf32, #tpu.memory_space<vmem>>
      %dma_wait3A_1136 = arith.constant 0 : i32
      %dma_wait3A_1137 = arith.constant 0 : i32
      %dma_wait3A_1138 = tpu.memref_slice %arg4[%dma_wait3A_1136, %dma_wait3A_1137] : memref<32x1000000xf32, #tpu.memory_space<hbm>> -> memref<32x128xf32, #tpu.memory_space<hbm>>
      %dma_wait3A_1139 = arith.constant 0 : i32
      %dma_wait3A_1140 = arith.constant 0 : i32
      %dma_wait3A_1141 = tpu.memref_slice %arg9[%dma_wait3A_1131, %dma_wait3A_1139, %dma_wait3A_1140] : memref<4x32x128xf32, #tpu.memory_space<vmem>> -> memref<1x32x128xf32, #tpu.memory_space<vmem>>
      %dma_wait3A_1142 = tpu.memref_squeeze %dma_wait3A_1141 : memref<1x32x128xf32, #tpu.memory_space<vmem>> -> memref<32x128xf32, #tpu.memory_space<vmem>>
      %dma_wait3A_1143 = arith.constant 0 : i32
      %dma_wait3A_1144 = arith.constant 0 : i32
      %dma_wait3A_1145 = tpu.memref_slice %arg4[%dma_wait3A_1143, %dma_wait3A_1144] : memref<32x1000000xf32, #tpu.memory_space<hbm>> -> memref<32x128xf32, #tpu.memory_space<hbm>>
      tpu.wait_dma2 semaphore(%arg18 : memref<!tpu.dma_semaphore, #tpu.memory_space<semaphore_mem>>) src(%dma_wait3A_1145 : memref<32x128xf32, #tpu.memory_space<hbm>>) dst(%dma_wait3A_1142 : memref<32x128xf32, #tpu.memory_space<vmem>>)
      %slice3A_1146 = vector.extract_strided_slice %scan3A_223 {offsets = [7], sizes = [1], strides = [1]} : vector<16xi32> to vector<1xi32>
      %squeeze3A_1147 = vector.extract %slice3A_1146[0] : i32 from vector<1xi32>
      %and3A_1148 = arith.constant 127 : i32
      %and3A_1149 = arith.andi %squeeze3A_1147, %and3A_1148 : i32
      %broadcast_in_dim3A_1150 = vector.broadcast %and3A_1149 : i32 to vector<16xi32>
      %slice3A_1151 = vector.extract_strided_slice %scan3A_224 {offsets = [7], sizes = [1], strides = [1]} : vector<16xi32> to vector<1xi32>
      %squeeze3A_1152 = vector.extract %slice3A_1151[0] : i32 from vector<1xi32>
      %and3A_1153 = arith.constant 127 : i32
      %and3A_1154 = arith.andi %squeeze3A_1152, %and3A_1153 : i32
      %broadcast_in_dim3A_1155 = vector.broadcast %and3A_1154 : i32 to vector<16xi32>
      %gather3A_1156 = arith.constant 3 : i32
      %gather3A_1157 = arith.constant 0 : i32
      %gather3A_1158 = arith.constant 0 : i32
      %gather3A_1159 = tpu.memref_slice %arg8[%gather3A_1156, %gather3A_1157, %gather3A_1158] : memref<4x32x128xf32, #tpu.memory_space<vmem>> -> memref<1x32x128xf32, #tpu.memory_space<vmem>>
      %gather3A_1160 = tpu.memref_squeeze %gather3A_1159 : memref<1x32x128xf32, #tpu.memory_space<vmem>> -> memref<32x128xf32, #tpu.memory_space<vmem>>
      %gather3A_1161 = tpu.vector_load_idx %gather3A_1160[%iota3A, %broadcast_in_dim3A_1150] : memref<32x128xf32, #tpu.memory_space<vmem>>[vector<16xi32>, vector<16xi32>], vector<16xf32>,
      %add3A_1162 = arith.constant 16 : i32
      %add3A_1163 = vector.broadcast %add3A_1162 : i32 to vector<16xi32>
      %add3A_1164 = arith.addi %iota3A, %add3A_1163 : vector<16xi32>
      %gather3A_1165 = arith.constant 3 : i32
      %gather3A_1166 = arith.constant 0 : i32
      %gather3A_1167 = arith.constant 0 : i32
      %gather3A_1168 = tpu.memref_slice %arg8[%gather3A_1165, %gather3A_1166, %gather3A_1167] : memref<4x32x128xf32, #tpu.memory_space<vmem>> -> memref<1x32x128xf32, #tpu.memory_space<vmem>>
      %gather3A_1169 = tpu.memref_squeeze %gather3A_1168 : memref<1x32x128xf32, #tpu.memory_space<vmem>> -> memref<32x128xf32, #tpu.memory_space<vmem>>
      %gather3A_1170 = tpu.vector_load_idx %gather3A_1169[%add3A_1164, %broadcast_in_dim3A_1150] : memref<32x128xf32, #tpu.memory_space<vmem>>[vector<16xi32>, vector<16xi32>], vector<16xf32>,
      %gather3A_1171 = arith.constant 3 : i32
      %gather3A_1172 = arith.constant 0 : i32
      %gather3A_1173 = arith.constant 0 : i32
      %gather3A_1174 = tpu.memref_slice %arg9[%gather3A_1171, %gather3A_1172, %gather3A_1173] : memref<4x32x128xf32, #tpu.memory_space<vmem>> -> memref<1x32x128xf32, #tpu.memory_space<vmem>>
      %gather3A_1175 = tpu.memref_squeeze %gather3A_1174 : memref<1x32x128xf32, #tpu.memory_space<vmem>> -> memref<32x128xf32, #tpu.memory_space<vmem>>
      %gather3A_1176 = tpu.vector_load_idx %gather3A_1175[%iota3A, %broadcast_in_dim3A_1155] : memref<32x128xf32, #tpu.memory_space<vmem>>[vector<16xi32>, vector<16xi32>], vector<16xf32>,
      %add3A_1177 = arith.constant 16 : i32
      %add3A_1178 = vector.broadcast %add3A_1177 : i32 to vector<16xi32>
      %add3A_1179 = arith.addi %iota3A, %add3A_1178 : vector<16xi32>
      %gather3A_1180 = arith.constant 3 : i32
      %gather3A_1181 = arith.constant 0 : i32
      %gather3A_1182 = arith.constant 0 : i32
      %gather3A_1183 = tpu.memref_slice %arg9[%gather3A_1180, %gather3A_1181, %gather3A_1182] : memref<4x32x128xf32, #tpu.memory_space<vmem>> -> memref<1x32x128xf32, #tpu.memory_space<vmem>>
      %gather3A_1184 = tpu.memref_squeeze %gather3A_1183 : memref<1x32x128xf32, #tpu.memory_space<vmem>> -> memref<32x128xf32, #tpu.memory_space<vmem>>
      %gather3A_1185 = tpu.vector_load_idx %gather3A_1184[%add3A_1179, %broadcast_in_dim3A_1155] : memref<32x128xf32, #tpu.memory_space<vmem>>[vector<16xi32>, vector<16xi32>], vector<16xf32>,
      %mul3A_1186 = arith.mulf %gather3A_1161, %gather3A_1176 : vector<16xf32>
      %mul3A_1187 = arith.mulf %gather3A_1170, %gather3A_1185 : vector<16xf32>
      %add3A_1188 = arith.addf %mul3A_1186, %mul3A_1187 : vector<16xf32>
      %reduce_sum3A_1189 = arith.constant true
      %reduce_sum3A_1190 = vector.broadcast %reduce_sum3A_1189 : i1 to vector<16xi1>
      %reduce_sum3A_1191 = tpu.scan <sum>, %add3A_1188 masked %reduce_sum3A_1190 : vector<16xf32>, vector<16xi1> -> vector<16xf32>
      %reduce_sum3A_1192 = vector.extract %reduce_sum3A_1191[15] : f32 from vector<16xf32>
      %eq3A_1193 = arith.constant 7 : i32
      %eq3A_1194 = vector.broadcast %eq3A_1193 : i32 to vector<16xi32>
      %eq3A_1195 = arith.cmpi eq, %iota3A, %eq3A_1194 : vector<16xi32>
      %broadcast_in_dim3A_1196 = vector.broadcast %reduce_sum3A_1192 : f32 to vector<16xf32>
      %select_n3A_1197 = arith.select %eq3A_1195, %broadcast_in_dim3A_1196, %select_n3A_1075 : vector<16xi1>, vector<16xf32>
      %slice3A_1198 = vector.extract_strided_slice %scan3A_223 {offsets = [11], sizes = [1], strides = [1]} : vector<16xi32> to vector<1xi32>
      %squeeze3A_1199 = vector.extract %slice3A_1198[0] : i32 from vector<1xi32>
      %slice3A_1200 = vector.extract_strided_slice %scan3A_224 {offsets = [11], sizes = [1], strides = [1]} : vector<16xi32> to vector<1xi32>
      %squeeze3A_1201 = vector.extract %slice3A_1200[0] : i32 from vector<1xi32>
      %shift_right_arithmetic3A_1202 = arith.constant 7 : i32
      %shift_right_arithmetic3A_1203 = arith.shrsi %squeeze3A_1199, %shift_right_arithmetic3A_1202 : i32
      %shift_left3A_1204 = arith.constant 7 : i32
      %shift_left3A_1205 = arith.shli %shift_right_arithmetic3A_1203, %shift_left3A_1204 : i32
      %multiple_of3A_1206 = tpu.assume_multiple %shift_left3A_1205, 128 : i32
      %shift_right_arithmetic3A_1207 = arith.constant 7 : i32
      %shift_right_arithmetic3A_1208 = arith.shrsi %squeeze3A_1201, %shift_right_arithmetic3A_1207 : i32
      %shift_left3A_1209 = arith.constant 7 : i32
      %shift_left3A_1210 = arith.shli %shift_right_arithmetic3A_1208, %shift_left3A_1209 : i32
      %multiple_of3A_1211 = tpu.assume_multiple %shift_left3A_1210, 128 : i32
      %dma_start3A_1212 = arith.constant 3 : i32
      %dma_start3A_1213 = arith.constant 0 : i32
      %dma_start3A_1214 = arith.constant 0 : i32
      %dma_start3A_1215 = tpu.memref_slice %arg8[%dma_start3A_1212, %dma_start3A_1213, %dma_start3A_1214] : memref<4x32x128xf32, #tpu.memory_space<vmem>> -> memref<1x32x128xf32, #tpu.memory_space<vmem>>
      %dma_start3A_1216 = tpu.memref_squeeze %dma_start3A_1215 : memref<1x32x128xf32, #tpu.memory_space<vmem>> -> memref<32x128xf32, #tpu.memory_space<vmem>>
      %dma_start3A_1217 = arith.constant 0 : i32
      %dma_start3A_1218 = tpu.memref_slice %arg3[%dma_start3A_1217, %multiple_of3A_1206] : memref<32x1000000xf32, #tpu.memory_space<hbm>> -> memref<32x128xf32, #tpu.memory_space<hbm>>
      %dma_start3A_1219 = arith.constant 0 : i32
      %dma_start3A_1220 = arith.constant 0 : i32
      %dma_start3A_1221 = tpu.memref_slice %arg8[%dma_start3A_1212, %dma_start3A_1219, %dma_start3A_1220] : memref<4x32x128xf32, #tpu.memory_space<vmem>> -> memref<1x32x128xf32, #tpu.memory_space<vmem>>
      %dma_start3A_1222 = tpu.memref_squeeze %dma_start3A_1221 : memref<1x32x128xf32, #tpu.memory_space<vmem>> -> memref<32x128xf32, #tpu.memory_space<vmem>>
      %dma_start3A_1223 = arith.constant 0 : i32
      %dma_start3A_1224 = tpu.memref_slice %arg3[%dma_start3A_1223, %multiple_of3A_1206] : memref<32x1000000xf32, #tpu.memory_space<hbm>> -> memref<32x128xf32, #tpu.memory_space<hbm>>
      tpu.enqueue_dma source(%dma_start3A_1224 : memref<32x128xf32, #tpu.memory_space<hbm>>) target(%dma_start3A_1222 : memref<32x128xf32, #tpu.memory_space<vmem>>) target_semaphore(%arg14 : memref<!tpu.dma_semaphore, #tpu.memory_space<semaphore_mem>>)
      %dma_start3A_1225 = arith.constant 3 : i32
      %dma_start3A_1226 = arith.constant 0 : i32
      %dma_start3A_1227 = arith.constant 0 : i32
      %dma_start3A_1228 = tpu.memref_slice %arg9[%dma_start3A_1225, %dma_start3A_1226, %dma_start3A_1227] : memref<4x32x128xf32, #tpu.memory_space<vmem>> -> memref<1x32x128xf32, #tpu.memory_space<vmem>>
      %dma_start3A_1229 = tpu.memref_squeeze %dma_start3A_1228 : memref<1x32x128xf32, #tpu.memory_space<vmem>> -> memref<32x128xf32, #tpu.memory_space<vmem>>
      %dma_start3A_1230 = arith.constant 0 : i32
      %dma_start3A_1231 = tpu.memref_slice %arg4[%dma_start3A_1230, %multiple_of3A_1211] : memref<32x1000000xf32, #tpu.memory_space<hbm>> -> memref<32x128xf32, #tpu.memory_space<hbm>>
      %dma_start3A_1232 = arith.constant 0 : i32
      %dma_start3A_1233 = arith.constant 0 : i32
      %dma_start3A_1234 = tpu.memref_slice %arg9[%dma_start3A_1225, %dma_start3A_1232, %dma_start3A_1233] : memref<4x32x128xf32, #tpu.memory_space<vmem>> -> memref<1x32x128xf32, #tpu.memory_space<vmem>>
      %dma_start3A_1235 = tpu.memref_squeeze %dma_start3A_1234 : memref<1x32x128xf32, #tpu.memory_space<vmem>> -> memref<32x128xf32, #tpu.memory_space<vmem>>
      %dma_start3A_1236 = arith.constant 0 : i32
      %dma_start3A_1237 = tpu.memref_slice %arg4[%dma_start3A_1236, %multiple_of3A_1211] : memref<32x1000000xf32, #tpu.memory_space<hbm>> -> memref<32x128xf32, #tpu.memory_space<hbm>>
      tpu.enqueue_dma source(%dma_start3A_1237 : memref<32x128xf32, #tpu.memory_space<hbm>>) target(%dma_start3A_1235 : memref<32x128xf32, #tpu.memory_space<vmem>>) target_semaphore(%arg18 : memref<!tpu.dma_semaphore, #tpu.memory_space<semaphore_mem>>)
      %dma_wait3A_1238 = arith.constant 0 : i32
      %dma_wait3A_1239 = arith.constant 0 : i32
      %dma_wait3A_1240 = arith.constant 0 : i32
      %dma_wait3A_1241 = tpu.memref_slice %arg8[%dma_wait3A_1238, %dma_wait3A_1239, %dma_wait3A_1240] : memref<4x32x128xf32, #tpu.memory_space<vmem>> -> memref<1x32x128xf32, #tpu.memory_space<vmem>>
      %dma_wait3A_1242 = tpu.memref_squeeze %dma_wait3A_1241 : memref<1x32x128xf32, #tpu.memory_space<vmem>> -> memref<32x128xf32, #tpu.memory_space<vmem>>
      %dma_wait3A_1243 = arith.constant 0 : i32
      %dma_wait3A_1244 = arith.constant 0 : i32
      %dma_wait3A_1245 = tpu.memref_slice %arg3[%dma_wait3A_1243, %dma_wait3A_1244] : memref<32x1000000xf32, #tpu.memory_space<hbm>> -> memref<32x128xf32, #tpu.memory_space<hbm>>
      %dma_wait3A_1246 = arith.constant 0 : i32
      %dma_wait3A_1247 = arith.constant 0 : i32
      %dma_wait3A_1248 = tpu.memref_slice %arg8[%dma_wait3A_1238, %dma_wait3A_1246, %dma_wait3A_1247] : memref<4x32x128xf32, #tpu.memory_space<vmem>> -> memref<1x32x128xf32, #tpu.memory_space<vmem>>
      %dma_wait3A_1249 = tpu.memref_squeeze %dma_wait3A_1248 : memref<1x32x128xf32, #tpu.memory_space<vmem>> -> memref<32x128xf32, #tpu.memory_space<vmem>>
      %dma_wait3A_1250 = arith.constant 0 : i32
      %dma_wait3A_1251 = arith.constant 0 : i32
      %dma_wait3A_1252 = tpu.memref_slice %arg3[%dma_wait3A_1250, %dma_wait3A_1251] : memref<32x1000000xf32, #tpu.memory_space<hbm>> -> memref<32x128xf32, #tpu.memory_space<hbm>>
      tpu.wait_dma2 semaphore(%arg11 : memref<!tpu.dma_semaphore, #tpu.memory_space<semaphore_mem>>) src(%dma_wait3A_1252 : memref<32x128xf32, #tpu.memory_space<hbm>>) dst(%dma_wait3A_1249 : memref<32x128xf32, #tpu.memory_space<vmem>>)
      %dma_wait3A_1253 = arith.constant 0 : i32
      %dma_wait3A_1254 = arith.constant 0 : i32
      %dma_wait3A_1255 = arith.constant 0 : i32
      %dma_wait3A_1256 = tpu.memref_slice %arg9[%dma_wait3A_1253, %dma_wait3A_1254, %dma_wait3A_1255] : memref<4x32x128xf32, #tpu.memory_space<vmem>> -> memref<1x32x128xf32, #tpu.memory_space<vmem>>
      %dma_wait3A_1257 = tpu.memref_squeeze %dma_wait3A_1256 : memref<1x32x128xf32, #tpu.memory_space<vmem>> -> memref<32x128xf32, #tpu.memory_space<vmem>>
      %dma_wait3A_1258 = arith.constant 0 : i32
      %dma_wait3A_1259 = arith.constant 0 : i32
      %dma_wait3A_1260 = tpu.memref_slice %arg4[%dma_wait3A_1258, %dma_wait3A_1259] : memref<32x1000000xf32, #tpu.memory_space<hbm>> -> memref<32x128xf32, #tpu.memory_space<hbm>>
      %dma_wait3A_1261 = arith.constant 0 : i32
      %dma_wait3A_1262 = arith.constant 0 : i32
      %dma_wait3A_1263 = tpu.memref_slice %arg9[%dma_wait3A_1253, %dma_wait3A_1261, %dma_wait3A_1262] : memref<4x32x128xf32, #tpu.memory_space<vmem>> -> memref<1x32x128xf32, #tpu.memory_space<vmem>>
      %dma_wait3A_1264 = tpu.memref_squeeze %dma_wait3A_1263 : memref<1x32x128xf32, #tpu.memory_space<vmem>> -> memref<32x128xf32, #tpu.memory_space<vmem>>
      %dma_wait3A_1265 = arith.constant 0 : i32
      %dma_wait3A_1266 = arith.constant 0 : i32
      %dma_wait3A_1267 = tpu.memref_slice %arg4[%dma_wait3A_1265, %dma_wait3A_1266] : memref<32x1000000xf32, #tpu.memory_space<hbm>> -> memref<32x128xf32, #tpu.memory_space<hbm>>
      tpu.wait_dma2 semaphore(%arg15 : memref<!tpu.dma_semaphore, #tpu.memory_space<semaphore_mem>>) src(%dma_wait3A_1267 : memref<32x128xf32, #tpu.memory_space<hbm>>) dst(%dma_wait3A_1264 : memref<32x128xf32, #tpu.memory_space<vmem>>)
      %slice3A_1268 = vector.extract_strided_slice %scan3A_223 {offsets = [8], sizes = [1], strides = [1]} : vector<16xi32> to vector<1xi32>
      %squeeze3A_1269 = vector.extract %slice3A_1268[0] : i32 from vector<1xi32>
      %and3A_1270 = arith.constant 127 : i32
      %and3A_1271 = arith.andi %squeeze3A_1269, %and3A_1270 : i32
      %broadcast_in_dim3A_1272 = vector.broadcast %and3A_1271 : i32 to vector<16xi32>
      %slice3A_1273 = vector.extract_strided_slice %scan3A_224 {offsets = [8], sizes = [1], strides = [1]} : vector<16xi32> to vector<1xi32>
      %squeeze3A_1274 = vector.extract %slice3A_1273[0] : i32 from vector<1xi32>
      %and3A_1275 = arith.constant 127 : i32
      %and3A_1276 = arith.andi %squeeze3A_1274, %and3A_1275 : i32
      %broadcast_in_dim3A_1277 = vector.broadcast %and3A_1276 : i32 to vector<16xi32>
      %gather3A_1278 = arith.constant 0 : i32
      %gather3A_1279 = arith.constant 0 : i32
      %gather3A_1280 = arith.constant 0 : i32
      %gather3A_1281 = tpu.memref_slice %arg8[%gather3A_1278, %gather3A_1279, %gather3A_1280] : memref<4x32x128xf32, #tpu.memory_space<vmem>> -> memref<1x32x128xf32, #tpu.memory_space<vmem>>
      %gather3A_1282 = tpu.memref_squeeze %gather3A_1281 : memref<1x32x128xf32, #tpu.memory_space<vmem>> -> memref<32x128xf32, #tpu.memory_space<vmem>>
      %gather3A_1283 = tpu.vector_load_idx %gather3A_1282[%iota3A, %broadcast_in_dim3A_1272] : memref<32x128xf32, #tpu.memory_space<vmem>>[vector<16xi32>, vector<16xi32>], vector<16xf32>,
      %add3A_1284 = arith.constant 16 : i32
      %add3A_1285 = vector.broadcast %add3A_1284 : i32 to vector<16xi32>
      %add3A_1286 = arith.addi %iota3A, %add3A_1285 : vector<16xi32>
      %gather3A_1287 = arith.constant 0 : i32
      %gather3A_1288 = arith.constant 0 : i32
      %gather3A_1289 = arith.constant 0 : i32
      %gather3A_1290 = tpu.memref_slice %arg8[%gather3A_1287, %gather3A_1288, %gather3A_1289] : memref<4x32x128xf32, #tpu.memory_space<vmem>> -> memref<1x32x128xf32, #tpu.memory_space<vmem>>
      %gather3A_1291 = tpu.memref_squeeze %gather3A_1290 : memref<1x32x128xf32, #tpu.memory_space<vmem>> -> memref<32x128xf32, #tpu.memory_space<vmem>>
      %gather3A_1292 = tpu.vector_load_idx %gather3A_1291[%add3A_1286, %broadcast_in_dim3A_1272] : memref<32x128xf32, #tpu.memory_space<vmem>>[vector<16xi32>, vector<16xi32>], vector<16xf32>,
      %gather3A_1293 = arith.constant 0 : i32
      %gather3A_1294 = arith.constant 0 : i32
      %gather3A_1295 = arith.constant 0 : i32
      %gather3A_1296 = tpu.memref_slice %arg9[%gather3A_1293, %gather3A_1294, %gather3A_1295] : memref<4x32x128xf32, #tpu.memory_space<vmem>> -> memref<1x32x128xf32, #tpu.memory_space<vmem>>
      %gather3A_1297 = tpu.memref_squeeze %gather3A_1296 : memref<1x32x128xf32, #tpu.memory_space<vmem>> -> memref<32x128xf32, #tpu.memory_space<vmem>>
      %gather3A_1298 = tpu.vector_load_idx %gather3A_1297[%iota3A, %broadcast_in_dim3A_1277] : memref<32x128xf32, #tpu.memory_space<vmem>>[vector<16xi32>, vector<16xi32>], vector<16xf32>,
      %add3A_1299 = arith.constant 16 : i32
      %add3A_1300 = vector.broadcast %add3A_1299 : i32 to vector<16xi32>
      %add3A_1301 = arith.addi %iota3A, %add3A_1300 : vector<16xi32>
      %gather3A_1302 = arith.constant 0 : i32
      %gather3A_1303 = arith.constant 0 : i32
      %gather3A_1304 = arith.constant 0 : i32
      %gather3A_1305 = tpu.memref_slice %arg9[%gather3A_1302, %gather3A_1303, %gather3A_1304] : memref<4x32x128xf32, #tpu.memory_space<vmem>> -> memref<1x32x128xf32, #tpu.memory_space<vmem>>
      %gather3A_1306 = tpu.memref_squeeze %gather3A_1305 : memref<1x32x128xf32, #tpu.memory_space<vmem>> -> memref<32x128xf32, #tpu.memory_space<vmem>>
      %gather3A_1307 = tpu.vector_load_idx %gather3A_1306[%add3A_1301, %broadcast_in_dim3A_1277] : memref<32x128xf32, #tpu.memory_space<vmem>>[vector<16xi32>, vector<16xi32>], vector<16xf32>,
      %mul3A_1308 = arith.mulf %gather3A_1283, %gather3A_1298 : vector<16xf32>
      %mul3A_1309 = arith.mulf %gather3A_1292, %gather3A_1307 : vector<16xf32>
      %add3A_1310 = arith.addf %mul3A_1308, %mul3A_1309 : vector<16xf32>
      %reduce_sum3A_1311 = arith.constant true
      %reduce_sum3A_1312 = vector.broadcast %reduce_sum3A_1311 : i1 to vector<16xi1>
      %reduce_sum3A_1313 = tpu.scan <sum>, %add3A_1310 masked %reduce_sum3A_1312 : vector<16xf32>, vector<16xi1> -> vector<16xf32>
      %reduce_sum3A_1314 = vector.extract %reduce_sum3A_1313[15] : f32 from vector<16xf32>
      %eq3A_1315 = arith.constant 8 : i32
      %eq3A_1316 = vector.broadcast %eq3A_1315 : i32 to vector<16xi32>
      %eq3A_1317 = arith.cmpi eq, %iota3A, %eq3A_1316 : vector<16xi32>
      %broadcast_in_dim3A_1318 = vector.broadcast %reduce_sum3A_1314 : f32 to vector<16xf32>
      %select_n3A_1319 = arith.select %eq3A_1317, %broadcast_in_dim3A_1318, %select_n3A_1197 : vector<16xi1>, vector<16xf32>
      %slice3A_1320 = vector.extract_strided_slice %scan3A_223 {offsets = [12], sizes = [1], strides = [1]} : vector<16xi32> to vector<1xi32>
      %squeeze3A_1321 = vector.extract %slice3A_1320[0] : i32 from vector<1xi32>
      %slice3A_1322 = vector.extract_strided_slice %scan3A_224 {offsets = [12], sizes = [1], strides = [1]} : vector<16xi32> to vector<1xi32>
      %squeeze3A_1323 = vector.extract %slice3A_1322[0] : i32 from vector<1xi32>
      %shift_right_arithmetic3A_1324 = arith.constant 7 : i32
      %shift_right_arithmetic3A_1325 = arith.shrsi %squeeze3A_1321, %shift_right_arithmetic3A_1324 : i32
      %shift_left3A_1326 = arith.constant 7 : i32
      %shift_left3A_1327 = arith.shli %shift_right_arithmetic3A_1325, %shift_left3A_1326 : i32
      %multiple_of3A_1328 = tpu.assume_multiple %shift_left3A_1327, 128 : i32
      %shift_right_arithmetic3A_1329 = arith.constant 7 : i32
      %shift_right_arithmetic3A_1330 = arith.shrsi %squeeze3A_1323, %shift_right_arithmetic3A_1329 : i32
      %shift_left3A_1331 = arith.constant 7 : i32
      %shift_left3A_1332 = arith.shli %shift_right_arithmetic3A_1330, %shift_left3A_1331 : i32
      %multiple_of3A_1333 = tpu.assume_multiple %shift_left3A_1332, 128 : i32
      %dma_start3A_1334 = arith.constant 0 : i32
      %dma_start3A_1335 = arith.constant 0 : i32
      %dma_start3A_1336 = arith.constant 0 : i32
      %dma_start3A_1337 = tpu.memref_slice %arg8[%dma_start3A_1334, %dma_start3A_1335, %dma_start3A_1336] : memref<4x32x128xf32, #tpu.memory_space<vmem>> -> memref<1x32x128xf32, #tpu.memory_space<vmem>>
      %dma_start3A_1338 = tpu.memref_squeeze %dma_start3A_1337 : memref<1x32x128xf32, #tpu.memory_space<vmem>> -> memref<32x128xf32, #tpu.memory_space<vmem>>
      %dma_start3A_1339 = arith.constant 0 : i32
      %dma_start3A_1340 = tpu.memref_slice %arg3[%dma_start3A_1339, %multiple_of3A_1328] : memref<32x1000000xf32, #tpu.memory_space<hbm>> -> memref<32x128xf32, #tpu.memory_space<hbm>>
      %dma_start3A_1341 = arith.constant 0 : i32
      %dma_start3A_1342 = arith.constant 0 : i32
      %dma_start3A_1343 = tpu.memref_slice %arg8[%dma_start3A_1334, %dma_start3A_1341, %dma_start3A_1342] : memref<4x32x128xf32, #tpu.memory_space<vmem>> -> memref<1x32x128xf32, #tpu.memory_space<vmem>>
      %dma_start3A_1344 = tpu.memref_squeeze %dma_start3A_1343 : memref<1x32x128xf32, #tpu.memory_space<vmem>> -> memref<32x128xf32, #tpu.memory_space<vmem>>
      %dma_start3A_1345 = arith.constant 0 : i32
      %dma_start3A_1346 = tpu.memref_slice %arg3[%dma_start3A_1345, %multiple_of3A_1328] : memref<32x1000000xf32, #tpu.memory_space<hbm>> -> memref<32x128xf32, #tpu.memory_space<hbm>>
      tpu.enqueue_dma source(%dma_start3A_1346 : memref<32x128xf32, #tpu.memory_space<hbm>>) target(%dma_start3A_1344 : memref<32x128xf32, #tpu.memory_space<vmem>>) target_semaphore(%arg11 : memref<!tpu.dma_semaphore, #tpu.memory_space<semaphore_mem>>)
      %dma_start3A_1347 = arith.constant 0 : i32
      %dma_start3A_1348 = arith.constant 0 : i32
      %dma_start3A_1349 = arith.constant 0 : i32
      %dma_start3A_1350 = tpu.memref_slice %arg9[%dma_start3A_1347, %dma_start3A_1348, %dma_start3A_1349] : memref<4x32x128xf32, #tpu.memory_space<vmem>> -> memref<1x32x128xf32, #tpu.memory_space<vmem>>
      %dma_start3A_1351 = tpu.memref_squeeze %dma_start3A_1350 : memref<1x32x128xf32, #tpu.memory_space<vmem>> -> memref<32x128xf32, #tpu.memory_space<vmem>>
      %dma_start3A_1352 = arith.constant 0 : i32
      %dma_start3A_1353 = tpu.memref_slice %arg4[%dma_start3A_1352, %multiple_of3A_1333] : memref<32x1000000xf32, #tpu.memory_space<hbm>> -> memref<32x128xf32, #tpu.memory_space<hbm>>
      %dma_start3A_1354 = arith.constant 0 : i32
      %dma_start3A_1355 = arith.constant 0 : i32
      %dma_start3A_1356 = tpu.memref_slice %arg9[%dma_start3A_1347, %dma_start3A_1354, %dma_start3A_1355] : memref<4x32x128xf32, #tpu.memory_space<vmem>> -> memref<1x32x128xf32, #tpu.memory_space<vmem>>
      %dma_start3A_1357 = tpu.memref_squeeze %dma_start3A_1356 : memref<1x32x128xf32, #tpu.memory_space<vmem>> -> memref<32x128xf32, #tpu.memory_space<vmem>>
      %dma_start3A_1358 = arith.constant 0 : i32
      %dma_start3A_1359 = tpu.memref_slice %arg4[%dma_start3A_1358, %multiple_of3A_1333] : memref<32x1000000xf32, #tpu.memory_space<hbm>> -> memref<32x128xf32, #tpu.memory_space<hbm>>
      tpu.enqueue_dma source(%dma_start3A_1359 : memref<32x128xf32, #tpu.memory_space<hbm>>) target(%dma_start3A_1357 : memref<32x128xf32, #tpu.memory_space<vmem>>) target_semaphore(%arg15 : memref<!tpu.dma_semaphore, #tpu.memory_space<semaphore_mem>>)
      %dma_wait3A_1360 = arith.constant 1 : i32
      %dma_wait3A_1361 = arith.constant 0 : i32
      %dma_wait3A_1362 = arith.constant 0 : i32
      %dma_wait3A_1363 = tpu.memref_slice %arg8[%dma_wait3A_1360, %dma_wait3A_1361, %dma_wait3A_1362] : memref<4x32x128xf32, #tpu.memory_space<vmem>> -> memref<1x32x128xf32, #tpu.memory_space<vmem>>
      %dma_wait3A_1364 = tpu.memref_squeeze %dma_wait3A_1363 : memref<1x32x128xf32, #tpu.memory_space<vmem>> -> memref<32x128xf32, #tpu.memory_space<vmem>>
      %dma_wait3A_1365 = arith.constant 0 : i32
      %dma_wait3A_1366 = arith.constant 0 : i32
      %dma_wait3A_1367 = tpu.memref_slice %arg3[%dma_wait3A_1365, %dma_wait3A_1366] : memref<32x1000000xf32, #tpu.memory_space<hbm>> -> memref<32x128xf32, #tpu.memory_space<hbm>>
      %dma_wait3A_1368 = arith.constant 0 : i32
      %dma_wait3A_1369 = arith.constant 0 : i32
      %dma_wait3A_1370 = tpu.memref_slice %arg8[%dma_wait3A_1360, %dma_wait3A_1368, %dma_wait3A_1369] : memref<4x32x128xf32, #tpu.memory_space<vmem>> -> memref<1x32x128xf32, #tpu.memory_space<vmem>>
      %dma_wait3A_1371 = tpu.memref_squeeze %dma_wait3A_1370 : memref<1x32x128xf32, #tpu.memory_space<vmem>> -> memref<32x128xf32, #tpu.memory_space<vmem>>
      %dma_wait3A_1372 = arith.constant 0 : i32
      %dma_wait3A_1373 = arith.constant 0 : i32
      %dma_wait3A_1374 = tpu.memref_slice %arg3[%dma_wait3A_1372, %dma_wait3A_1373] : memref<32x1000000xf32, #tpu.memory_space<hbm>> -> memref<32x128xf32, #tpu.memory_space<hbm>>
      tpu.wait_dma2 semaphore(%arg12 : memref<!tpu.dma_semaphore, #tpu.memory_space<semaphore_mem>>) src(%dma_wait3A_1374 : memref<32x128xf32, #tpu.memory_space<hbm>>) dst(%dma_wait3A_1371 : memref<32x128xf32, #tpu.memory_space<vmem>>)
      %dma_wait3A_1375 = arith.constant 1 : i32
      %dma_wait3A_1376 = arith.constant 0 : i32
      %dma_wait3A_1377 = arith.constant 0 : i32
      %dma_wait3A_1378 = tpu.memref_slice %arg9[%dma_wait3A_1375, %dma_wait3A_1376, %dma_wait3A_1377] : memref<4x32x128xf32, #tpu.memory_space<vmem>> -> memref<1x32x128xf32, #tpu.memory_space<vmem>>
      %dma_wait3A_1379 = tpu.memref_squeeze %dma_wait3A_1378 : memref<1x32x128xf32, #tpu.memory_space<vmem>> -> memref<32x128xf32, #tpu.memory_space<vmem>>
      %dma_wait3A_1380 = arith.constant 0 : i32
      %dma_wait3A_1381 = arith.constant 0 : i32
      %dma_wait3A_1382 = tpu.memref_slice %arg4[%dma_wait3A_1380, %dma_wait3A_1381] : memref<32x1000000xf32, #tpu.memory_space<hbm>> -> memref<32x128xf32, #tpu.memory_space<hbm>>
      %dma_wait3A_1383 = arith.constant 0 : i32
      %dma_wait3A_1384 = arith.constant 0 : i32
      %dma_wait3A_1385 = tpu.memref_slice %arg9[%dma_wait3A_1375, %dma_wait3A_1383, %dma_wait3A_1384] : memref<4x32x128xf32, #tpu.memory_space<vmem>> -> memref<1x32x128xf32, #tpu.memory_space<vmem>>
      %dma_wait3A_1386 = tpu.memref_squeeze %dma_wait3A_1385 : memref<1x32x128xf32, #tpu.memory_space<vmem>> -> memref<32x128xf32, #tpu.memory_space<vmem>>
      %dma_wait3A_1387 = arith.constant 0 : i32
      %dma_wait3A_1388 = arith.constant 0 : i32
      %dma_wait3A_1389 = tpu.memref_slice %arg4[%dma_wait3A_1387, %dma_wait3A_1388] : memref<32x1000000xf32, #tpu.memory_space<hbm>> -> memref<32x128xf32, #tpu.memory_space<hbm>>
      tpu.wait_dma2 semaphore(%arg16 : memref<!tpu.dma_semaphore, #tpu.memory_space<semaphore_mem>>) src(%dma_wait3A_1389 : memref<32x128xf32, #tpu.memory_space<hbm>>) dst(%dma_wait3A_1386 : memref<32x128xf32, #tpu.memory_space<vmem>>)
      %slice3A_1390 = vector.extract_strided_slice %scan3A_223 {offsets = [9], sizes = [1], strides = [1]} : vector<16xi32> to vector<1xi32>
      %squeeze3A_1391 = vector.extract %slice3A_1390[0] : i32 from vector<1xi32>
      %and3A_1392 = arith.constant 127 : i32
      %and3A_1393 = arith.andi %squeeze3A_1391, %and3A_1392 : i32
      %broadcast_in_dim3A_1394 = vector.broadcast %and3A_1393 : i32 to vector<16xi32>
      %slice3A_1395 = vector.extract_strided_slice %scan3A_224 {offsets = [9], sizes = [1], strides = [1]} : vector<16xi32> to vector<1xi32>
      %squeeze3A_1396 = vector.extract %slice3A_1395[0] : i32 from vector<1xi32>
      %and3A_1397 = arith.constant 127 : i32
      %and3A_1398 = arith.andi %squeeze3A_1396, %and3A_1397 : i32
      %broadcast_in_dim3A_1399 = vector.broadcast %and3A_1398 : i32 to vector<16xi32>
      %gather3A_1400 = arith.constant 1 : i32
      %gather3A_1401 = arith.constant 0 : i32
      %gather3A_1402 = arith.constant 0 : i32
      %gather3A_1403 = tpu.memref_slice %arg8[%gather3A_1400, %gather3A_1401, %gather3A_1402] : memref<4x32x128xf32, #tpu.memory_space<vmem>> -> memref<1x32x128xf32, #tpu.memory_space<vmem>>
      %gather3A_1404 = tpu.memref_squeeze %gather3A_1403 : memref<1x32x128xf32, #tpu.memory_space<vmem>> -> memref<32x128xf32, #tpu.memory_space<vmem>>
      %gather3A_1405 = tpu.vector_load_idx %gather3A_1404[%iota3A, %broadcast_in_dim3A_1394] : memref<32x128xf32, #tpu.memory_space<vmem>>[vector<16xi32>, vector<16xi32>], vector<16xf32>,
      %add3A_1406 = arith.constant 16 : i32
      %add3A_1407 = vector.broadcast %add3A_1406 : i32 to vector<16xi32>
      %add3A_1408 = arith.addi %iota3A, %add3A_1407 : vector<16xi32>
      %gather3A_1409 = arith.constant 1 : i32
      %gather3A_1410 = arith.constant 0 : i32
      %gather3A_1411 = arith.constant 0 : i32
      %gather3A_1412 = tpu.memref_slice %arg8[%gather3A_1409, %gather3A_1410, %gather3A_1411] : memref<4x32x128xf32, #tpu.memory_space<vmem>> -> memref<1x32x128xf32, #tpu.memory_space<vmem>>
      %gather3A_1413 = tpu.memref_squeeze %gather3A_1412 : memref<1x32x128xf32, #tpu.memory_space<vmem>> -> memref<32x128xf32, #tpu.memory_space<vmem>>
      %gather3A_1414 = tpu.vector_load_idx %gather3A_1413[%add3A_1408, %broadcast_in_dim3A_1394] : memref<32x128xf32, #tpu.memory_space<vmem>>[vector<16xi32>, vector<16xi32>], vector<16xf32>,
      %gather3A_1415 = arith.constant 1 : i32
      %gather3A_1416 = arith.constant 0 : i32
      %gather3A_1417 = arith.constant 0 : i32
      %gather3A_1418 = tpu.memref_slice %arg9[%gather3A_1415, %gather3A_1416, %gather3A_1417] : memref<4x32x128xf32, #tpu.memory_space<vmem>> -> memref<1x32x128xf32, #tpu.memory_space<vmem>>
      %gather3A_1419 = tpu.memref_squeeze %gather3A_1418 : memref<1x32x128xf32, #tpu.memory_space<vmem>> -> memref<32x128xf32, #tpu.memory_space<vmem>>
      %gather3A_1420 = tpu.vector_load_idx %gather3A_1419[%iota3A, %broadcast_in_dim3A_1399] : memref<32x128xf32, #tpu.memory_space<vmem>>[vector<16xi32>, vector<16xi32>], vector<16xf32>,
      %add3A_1421 = arith.constant 16 : i32
      %add3A_1422 = vector.broadcast %add3A_1421 : i32 to vector<16xi32>
      %add3A_1423 = arith.addi %iota3A, %add3A_1422 : vector<16xi32>
      %gather3A_1424 = arith.constant 1 : i32
      %gather3A_1425 = arith.constant 0 : i32
      %gather3A_1426 = arith.constant 0 : i32
      %gather3A_1427 = tpu.memref_slice %arg9[%gather3A_1424, %gather3A_1425, %gather3A_1426] : memref<4x32x128xf32, #tpu.memory_space<vmem>> -> memref<1x32x128xf32, #tpu.memory_space<vmem>>
      %gather3A_1428 = tpu.memref_squeeze %gather3A_1427 : memref<1x32x128xf32, #tpu.memory_space<vmem>> -> memref<32x128xf32, #tpu.memory_space<vmem>>
      %gather3A_1429 = tpu.vector_load_idx %gather3A_1428[%add3A_1423, %broadcast_in_dim3A_1399] : memref<32x128xf32, #tpu.memory_space<vmem>>[vector<16xi32>, vector<16xi32>], vector<16xf32>,
      %mul3A_1430 = arith.mulf %gather3A_1405, %gather3A_1420 : vector<16xf32>
      %mul3A_1431 = arith.mulf %gather3A_1414, %gather3A_1429 : vector<16xf32>
      %add3A_1432 = arith.addf %mul3A_1430, %mul3A_1431 : vector<16xf32>
      %reduce_sum3A_1433 = arith.constant true
      %reduce_sum3A_1434 = vector.broadcast %reduce_sum3A_1433 : i1 to vector<16xi1>
      %reduce_sum3A_1435 = tpu.scan <sum>, %add3A_1432 masked %reduce_sum3A_1434 : vector<16xf32>, vector<16xi1> -> vector<16xf32>
      %reduce_sum3A_1436 = vector.extract %reduce_sum3A_1435[15] : f32 from vector<16xf32>
      %eq3A_1437 = arith.constant 9 : i32
      %eq3A_1438 = vector.broadcast %eq3A_1437 : i32 to vector<16xi32>
      %eq3A_1439 = arith.cmpi eq, %iota3A, %eq3A_1438 : vector<16xi32>
      %broadcast_in_dim3A_1440 = vector.broadcast %reduce_sum3A_1436 : f32 to vector<16xf32>
      %select_n3A_1441 = arith.select %eq3A_1439, %broadcast_in_dim3A_1440, %select_n3A_1319 : vector<16xi1>, vector<16xf32>
      %slice3A_1442 = vector.extract_strided_slice %scan3A_223 {offsets = [13], sizes = [1], strides = [1]} : vector<16xi32> to vector<1xi32>
      %squeeze3A_1443 = vector.extract %slice3A_1442[0] : i32 from vector<1xi32>
      %slice3A_1444 = vector.extract_strided_slice %scan3A_224 {offsets = [13], sizes = [1], strides = [1]} : vector<16xi32> to vector<1xi32>
      %squeeze3A_1445 = vector.extract %slice3A_1444[0] : i32 from vector<1xi32>
      %shift_right_arithmetic3A_1446 = arith.constant 7 : i32
      %shift_right_arithmetic3A_1447 = arith.shrsi %squeeze3A_1443, %shift_right_arithmetic3A_1446 : i32
      %shift_left3A_1448 = arith.constant 7 : i32
      %shift_left3A_1449 = arith.shli %shift_right_arithmetic3A_1447, %shift_left3A_1448 : i32
      %multiple_of3A_1450 = tpu.assume_multiple %shift_left3A_1449, 128 : i32
      %shift_right_arithmetic3A_1451 = arith.constant 7 : i32
      %shift_right_arithmetic3A_1452 = arith.shrsi %squeeze3A_1445, %shift_right_arithmetic3A_1451 : i32
      %shift_left3A_1453 = arith.constant 7 : i32
      %shift_left3A_1454 = arith.shli %shift_right_arithmetic3A_1452, %shift_left3A_1453 : i32
      %multiple_of3A_1455 = tpu.assume_multiple %shift_left3A_1454, 128 : i32
      %dma_start3A_1456 = arith.constant 1 : i32
      %dma_start3A_1457 = arith.constant 0 : i32
      %dma_start3A_1458 = arith.constant 0 : i32
      %dma_start3A_1459 = tpu.memref_slice %arg8[%dma_start3A_1456, %dma_start3A_1457, %dma_start3A_1458] : memref<4x32x128xf32, #tpu.memory_space<vmem>> -> memref<1x32x128xf32, #tpu.memory_space<vmem>>
      %dma_start3A_1460 = tpu.memref_squeeze %dma_start3A_1459 : memref<1x32x128xf32, #tpu.memory_space<vmem>> -> memref<32x128xf32, #tpu.memory_space<vmem>>
      %dma_start3A_1461 = arith.constant 0 : i32
      %dma_start3A_1462 = tpu.memref_slice %arg3[%dma_start3A_1461, %multiple_of3A_1450] : memref<32x1000000xf32, #tpu.memory_space<hbm>> -> memref<32x128xf32, #tpu.memory_space<hbm>>
      %dma_start3A_1463 = arith.constant 0 : i32
      %dma_start3A_1464 = arith.constant 0 : i32
      %dma_start3A_1465 = tpu.memref_slice %arg8[%dma_start3A_1456, %dma_start3A_1463, %dma_start3A_1464] : memref<4x32x128xf32, #tpu.memory_space<vmem>> -> memref<1x32x128xf32, #tpu.memory_space<vmem>>
      %dma_start3A_1466 = tpu.memref_squeeze %dma_start3A_1465 : memref<1x32x128xf32, #tpu.memory_space<vmem>> -> memref<32x128xf32, #tpu.memory_space<vmem>>
      %dma_start3A_1467 = arith.constant 0 : i32
      %dma_start3A_1468 = tpu.memref_slice %arg3[%dma_start3A_1467, %multiple_of3A_1450] : memref<32x1000000xf32, #tpu.memory_space<hbm>> -> memref<32x128xf32, #tpu.memory_space<hbm>>
      tpu.enqueue_dma source(%dma_start3A_1468 : memref<32x128xf32, #tpu.memory_space<hbm>>) target(%dma_start3A_1466 : memref<32x128xf32, #tpu.memory_space<vmem>>) target_semaphore(%arg12 : memref<!tpu.dma_semaphore, #tpu.memory_space<semaphore_mem>>)
      %dma_start3A_1469 = arith.constant 1 : i32
      %dma_start3A_1470 = arith.constant 0 : i32
      %dma_start3A_1471 = arith.constant 0 : i32
      %dma_start3A_1472 = tpu.memref_slice %arg9[%dma_start3A_1469, %dma_start3A_1470, %dma_start3A_1471] : memref<4x32x128xf32, #tpu.memory_space<vmem>> -> memref<1x32x128xf32, #tpu.memory_space<vmem>>
      %dma_start3A_1473 = tpu.memref_squeeze %dma_start3A_1472 : memref<1x32x128xf32, #tpu.memory_space<vmem>> -> memref<32x128xf32, #tpu.memory_space<vmem>>
      %dma_start3A_1474 = arith.constant 0 : i32
      %dma_start3A_1475 = tpu.memref_slice %arg4[%dma_start3A_1474, %multiple_of3A_1455] : memref<32x1000000xf32, #tpu.memory_space<hbm>> -> memref<32x128xf32, #tpu.memory_space<hbm>>
      %dma_start3A_1476 = arith.constant 0 : i32
      %dma_start3A_1477 = arith.constant 0 : i32
      %dma_start3A_1478 = tpu.memref_slice %arg9[%dma_start3A_1469, %dma_start3A_1476, %dma_start3A_1477] : memref<4x32x128xf32, #tpu.memory_space<vmem>> -> memref<1x32x128xf32, #tpu.memory_space<vmem>>
      %dma_start3A_1479 = tpu.memref_squeeze %dma_start3A_1478 : memref<1x32x128xf32, #tpu.memory_space<vmem>> -> memref<32x128xf32, #tpu.memory_space<vmem>>
      %dma_start3A_1480 = arith.constant 0 : i32
      %dma_start3A_1481 = tpu.memref_slice %arg4[%dma_start3A_1480, %multiple_of3A_1455] : memref<32x1000000xf32, #tpu.memory_space<hbm>> -> memref<32x128xf32, #tpu.memory_space<hbm>>
      tpu.enqueue_dma source(%dma_start3A_1481 : memref<32x128xf32, #tpu.memory_space<hbm>>) target(%dma_start3A_1479 : memref<32x128xf32, #tpu.memory_space<vmem>>) target_semaphore(%arg16 : memref<!tpu.dma_semaphore, #tpu.memory_space<semaphore_mem>>)
      %dma_wait3A_1482 = arith.constant 2 : i32
      %dma_wait3A_1483 = arith.constant 0 : i32
      %dma_wait3A_1484 = arith.constant 0 : i32
      %dma_wait3A_1485 = tpu.memref_slice %arg8[%dma_wait3A_1482, %dma_wait3A_1483, %dma_wait3A_1484] : memref<4x32x128xf32, #tpu.memory_space<vmem>> -> memref<1x32x128xf32, #tpu.memory_space<vmem>>
      %dma_wait3A_1486 = tpu.memref_squeeze %dma_wait3A_1485 : memref<1x32x128xf32, #tpu.memory_space<vmem>> -> memref<32x128xf32, #tpu.memory_space<vmem>>
      %dma_wait3A_1487 = arith.constant 0 : i32
      %dma_wait3A_1488 = arith.constant 0 : i32
      %dma_wait3A_1489 = tpu.memref_slice %arg3[%dma_wait3A_1487, %dma_wait3A_1488] : memref<32x1000000xf32, #tpu.memory_space<hbm>> -> memref<32x128xf32, #tpu.memory_space<hbm>>
      %dma_wait3A_1490 = arith.constant 0 : i32
      %dma_wait3A_1491 = arith.constant 0 : i32
      %dma_wait3A_1492 = tpu.memref_slice %arg8[%dma_wait3A_1482, %dma_wait3A_1490, %dma_wait3A_1491] : memref<4x32x128xf32, #tpu.memory_space<vmem>> -> memref<1x32x128xf32, #tpu.memory_space<vmem>>
      %dma_wait3A_1493 = tpu.memref_squeeze %dma_wait3A_1492 : memref<1x32x128xf32, #tpu.memory_space<vmem>> -> memref<32x128xf32, #tpu.memory_space<vmem>>
      %dma_wait3A_1494 = arith.constant 0 : i32
      %dma_wait3A_1495 = arith.constant 0 : i32
      %dma_wait3A_1496 = tpu.memref_slice %arg3[%dma_wait3A_1494, %dma_wait3A_1495] : memref<32x1000000xf32, #tpu.memory_space<hbm>> -> memref<32x128xf32, #tpu.memory_space<hbm>>
      tpu.wait_dma2 semaphore(%arg13 : memref<!tpu.dma_semaphore, #tpu.memory_space<semaphore_mem>>) src(%dma_wait3A_1496 : memref<32x128xf32, #tpu.memory_space<hbm>>) dst(%dma_wait3A_1493 : memref<32x128xf32, #tpu.memory_space<vmem>>)
      %dma_wait3A_1497 = arith.constant 2 : i32
      %dma_wait3A_1498 = arith.constant 0 : i32
      %dma_wait3A_1499 = arith.constant 0 : i32
      %dma_wait3A_1500 = tpu.memref_slice %arg9[%dma_wait3A_1497, %dma_wait3A_1498, %dma_wait3A_1499] : memref<4x32x128xf32, #tpu.memory_space<vmem>> -> memref<1x32x128xf32, #tpu.memory_space<vmem>>
      %dma_wait3A_1501 = tpu.memref_squeeze %dma_wait3A_1500 : memref<1x32x128xf32, #tpu.memory_space<vmem>> -> memref<32x128xf32, #tpu.memory_space<vmem>>
      %dma_wait3A_1502 = arith.constant 0 : i32
      %dma_wait3A_1503 = arith.constant 0 : i32
      %dma_wait3A_1504 = tpu.memref_slice %arg4[%dma_wait3A_1502, %dma_wait3A_1503] : memref<32x1000000xf32, #tpu.memory_space<hbm>> -> memref<32x128xf32, #tpu.memory_space<hbm>>
      %dma_wait3A_1505 = arith.constant 0 : i32
      %dma_wait3A_1506 = arith.constant 0 : i32
      %dma_wait3A_1507 = tpu.memref_slice %arg9[%dma_wait3A_1497, %dma_wait3A_1505, %dma_wait3A_1506] : memref<4x32x128xf32, #tpu.memory_space<vmem>> -> memref<1x32x128xf32, #tpu.memory_space<vmem>>
      %dma_wait3A_1508 = tpu.memref_squeeze %dma_wait3A_1507 : memref<1x32x128xf32, #tpu.memory_space<vmem>> -> memref<32x128xf32, #tpu.memory_space<vmem>>
      %dma_wait3A_1509 = arith.constant 0 : i32
      %dma_wait3A_1510 = arith.constant 0 : i32
      %dma_wait3A_1511 = tpu.memref_slice %arg4[%dma_wait3A_1509, %dma_wait3A_1510] : memref<32x1000000xf32, #tpu.memory_space<hbm>> -> memref<32x128xf32, #tpu.memory_space<hbm>>
      tpu.wait_dma2 semaphore(%arg17 : memref<!tpu.dma_semaphore, #tpu.memory_space<semaphore_mem>>) src(%dma_wait3A_1511 : memref<32x128xf32, #tpu.memory_space<hbm>>) dst(%dma_wait3A_1508 : memref<32x128xf32, #tpu.memory_space<vmem>>)
      %slice3A_1512 = vector.extract_strided_slice %scan3A_223 {offsets = [10], sizes = [1], strides = [1]} : vector<16xi32> to vector<1xi32>
      %squeeze3A_1513 = vector.extract %slice3A_1512[0] : i32 from vector<1xi32>
      %and3A_1514 = arith.constant 127 : i32
      %and3A_1515 = arith.andi %squeeze3A_1513, %and3A_1514 : i32
      %broadcast_in_dim3A_1516 = vector.broadcast %and3A_1515 : i32 to vector<16xi32>
      %slice3A_1517 = vector.extract_strided_slice %scan3A_224 {offsets = [10], sizes = [1], strides = [1]} : vector<16xi32> to vector<1xi32>
      %squeeze3A_1518 = vector.extract %slice3A_1517[0] : i32 from vector<1xi32>
      %and3A_1519 = arith.constant 127 : i32
      %and3A_1520 = arith.andi %squeeze3A_1518, %and3A_1519 : i32
      %broadcast_in_dim3A_1521 = vector.broadcast %and3A_1520 : i32 to vector<16xi32>
      %gather3A_1522 = arith.constant 2 : i32
      %gather3A_1523 = arith.constant 0 : i32
      %gather3A_1524 = arith.constant 0 : i32
      %gather3A_1525 = tpu.memref_slice %arg8[%gather3A_1522, %gather3A_1523, %gather3A_1524] : memref<4x32x128xf32, #tpu.memory_space<vmem>> -> memref<1x32x128xf32, #tpu.memory_space<vmem>>
      %gather3A_1526 = tpu.memref_squeeze %gather3A_1525 : memref<1x32x128xf32, #tpu.memory_space<vmem>> -> memref<32x128xf32, #tpu.memory_space<vmem>>
      %gather3A_1527 = tpu.vector_load_idx %gather3A_1526[%iota3A, %broadcast_in_dim3A_1516] : memref<32x128xf32, #tpu.memory_space<vmem>>[vector<16xi32>, vector<16xi32>], vector<16xf32>,
      %add3A_1528 = arith.constant 16 : i32
      %add3A_1529 = vector.broadcast %add3A_1528 : i32 to vector<16xi32>
      %add3A_1530 = arith.addi %iota3A, %add3A_1529 : vector<16xi32>
      %gather3A_1531 = arith.constant 2 : i32
      %gather3A_1532 = arith.constant 0 : i32
      %gather3A_1533 = arith.constant 0 : i32
      %gather3A_1534 = tpu.memref_slice %arg8[%gather3A_1531, %gather3A_1532, %gather3A_1533] : memref<4x32x128xf32, #tpu.memory_space<vmem>> -> memref<1x32x128xf32, #tpu.memory_space<vmem>>
      %gather3A_1535 = tpu.memref_squeeze %gather3A_1534 : memref<1x32x128xf32, #tpu.memory_space<vmem>> -> memref<32x128xf32, #tpu.memory_space<vmem>>
      %gather3A_1536 = tpu.vector_load_idx %gather3A_1535[%add3A_1530, %broadcast_in_dim3A_1516] : memref<32x128xf32, #tpu.memory_space<vmem>>[vector<16xi32>, vector<16xi32>], vector<16xf32>,
      %gather3A_1537 = arith.constant 2 : i32
      %gather3A_1538 = arith.constant 0 : i32
      %gather3A_1539 = arith.constant 0 : i32
      %gather3A_1540 = tpu.memref_slice %arg9[%gather3A_1537, %gather3A_1538, %gather3A_1539] : memref<4x32x128xf32, #tpu.memory_space<vmem>> -> memref<1x32x128xf32, #tpu.memory_space<vmem>>
      %gather3A_1541 = tpu.memref_squeeze %gather3A_1540 : memref<1x32x128xf32, #tpu.memory_space<vmem>> -> memref<32x128xf32, #tpu.memory_space<vmem>>
      %gather3A_1542 = tpu.vector_load_idx %gather3A_1541[%iota3A, %broadcast_in_dim3A_1521] : memref<32x128xf32, #tpu.memory_space<vmem>>[vector<16xi32>, vector<16xi32>], vector<16xf32>,
      %add3A_1543 = arith.constant 16 : i32
      %add3A_1544 = vector.broadcast %add3A_1543 : i32 to vector<16xi32>
      %add3A_1545 = arith.addi %iota3A, %add3A_1544 : vector<16xi32>
      %gather3A_1546 = arith.constant 2 : i32
      %gather3A_1547 = arith.constant 0 : i32
      %gather3A_1548 = arith.constant 0 : i32
      %gather3A_1549 = tpu.memref_slice %arg9[%gather3A_1546, %gather3A_1547, %gather3A_1548] : memref<4x32x128xf32, #tpu.memory_space<vmem>> -> memref<1x32x128xf32, #tpu.memory_space<vmem>>
      %gather3A_1550 = tpu.memref_squeeze %gather3A_1549 : memref<1x32x128xf32, #tpu.memory_space<vmem>> -> memref<32x128xf32, #tpu.memory_space<vmem>>
      %gather3A_1551 = tpu.vector_load_idx %gather3A_1550[%add3A_1545, %broadcast_in_dim3A_1521] : memref<32x128xf32, #tpu.memory_space<vmem>>[vector<16xi32>, vector<16xi32>], vector<16xf32>,
      %mul3A_1552 = arith.mulf %gather3A_1527, %gather3A_1542 : vector<16xf32>
      %mul3A_1553 = arith.mulf %gather3A_1536, %gather3A_1551 : vector<16xf32>
      %add3A_1554 = arith.addf %mul3A_1552, %mul3A_1553 : vector<16xf32>
      %reduce_sum3A_1555 = arith.constant true
      %reduce_sum3A_1556 = vector.broadcast %reduce_sum3A_1555 : i1 to vector<16xi1>
      %reduce_sum3A_1557 = tpu.scan <sum>, %add3A_1554 masked %reduce_sum3A_1556 : vector<16xf32>, vector<16xi1> -> vector<16xf32>
      %reduce_sum3A_1558 = vector.extract %reduce_sum3A_1557[15] : f32 from vector<16xf32>
      %eq3A_1559 = arith.constant 10 : i32
      %eq3A_1560 = vector.broadcast %eq3A_1559 : i32 to vector<16xi32>
      %eq3A_1561 = arith.cmpi eq, %iota3A, %eq3A_1560 : vector<16xi32>
      %broadcast_in_dim3A_1562 = vector.broadcast %reduce_sum3A_1558 : f32 to vector<16xf32>
      %select_n3A_1563 = arith.select %eq3A_1561, %broadcast_in_dim3A_1562, %select_n3A_1441 : vector<16xi1>, vector<16xf32>
      %slice3A_1564 = vector.extract_strided_slice %scan3A_223 {offsets = [14], sizes = [1], strides = [1]} : vector<16xi32> to vector<1xi32>
      %squeeze3A_1565 = vector.extract %slice3A_1564[0] : i32 from vector<1xi32>
      %slice3A_1566 = vector.extract_strided_slice %scan3A_224 {offsets = [14], sizes = [1], strides = [1]} : vector<16xi32> to vector<1xi32>
      %squeeze3A_1567 = vector.extract %slice3A_1566[0] : i32 from vector<1xi32>
      %shift_right_arithmetic3A_1568 = arith.constant 7 : i32
      %shift_right_arithmetic3A_1569 = arith.shrsi %squeeze3A_1565, %shift_right_arithmetic3A_1568 : i32
      %shift_left3A_1570 = arith.constant 7 : i32
      %shift_left3A_1571 = arith.shli %shift_right_arithmetic3A_1569, %shift_left3A_1570 : i32
      %multiple_of3A_1572 = tpu.assume_multiple %shift_left3A_1571, 128 : i32
      %shift_right_arithmetic3A_1573 = arith.constant 7 : i32
      %shift_right_arithmetic3A_1574 = arith.shrsi %squeeze3A_1567, %shift_right_arithmetic3A_1573 : i32
      %shift_left3A_1575 = arith.constant 7 : i32
      %shift_left3A_1576 = arith.shli %shift_right_arithmetic3A_1574, %shift_left3A_1575 : i32
      %multiple_of3A_1577 = tpu.assume_multiple %shift_left3A_1576, 128 : i32
      %dma_start3A_1578 = arith.constant 2 : i32
      %dma_start3A_1579 = arith.constant 0 : i32
      %dma_start3A_1580 = arith.constant 0 : i32
      %dma_start3A_1581 = tpu.memref_slice %arg8[%dma_start3A_1578, %dma_start3A_1579, %dma_start3A_1580] : memref<4x32x128xf32, #tpu.memory_space<vmem>> -> memref<1x32x128xf32, #tpu.memory_space<vmem>>
      %dma_start3A_1582 = tpu.memref_squeeze %dma_start3A_1581 : memref<1x32x128xf32, #tpu.memory_space<vmem>> -> memref<32x128xf32, #tpu.memory_space<vmem>>
      %dma_start3A_1583 = arith.constant 0 : i32
      %dma_start3A_1584 = tpu.memref_slice %arg3[%dma_start3A_1583, %multiple_of3A_1572] : memref<32x1000000xf32, #tpu.memory_space<hbm>> -> memref<32x128xf32, #tpu.memory_space<hbm>>
      %dma_start3A_1585 = arith.constant 0 : i32
      %dma_start3A_1586 = arith.constant 0 : i32
      %dma_start3A_1587 = tpu.memref_slice %arg8[%dma_start3A_1578, %dma_start3A_1585, %dma_start3A_1586] : memref<4x32x128xf32, #tpu.memory_space<vmem>> -> memref<1x32x128xf32, #tpu.memory_space<vmem>>
      %dma_start3A_1588 = tpu.memref_squeeze %dma_start3A_1587 : memref<1x32x128xf32, #tpu.memory_space<vmem>> -> memref<32x128xf32, #tpu.memory_space<vmem>>
      %dma_start3A_1589 = arith.constant 0 : i32
      %dma_start3A_1590 = tpu.memref_slice %arg3[%dma_start3A_1589, %multiple_of3A_1572] : memref<32x1000000xf32, #tpu.memory_space<hbm>> -> memref<32x128xf32, #tpu.memory_space<hbm>>
      tpu.enqueue_dma source(%dma_start3A_1590 : memref<32x128xf32, #tpu.memory_space<hbm>>) target(%dma_start3A_1588 : memref<32x128xf32, #tpu.memory_space<vmem>>) target_semaphore(%arg13 : memref<!tpu.dma_semaphore, #tpu.memory_space<semaphore_mem>>)
      %dma_start3A_1591 = arith.constant 2 : i32
      %dma_start3A_1592 = arith.constant 0 : i32
      %dma_start3A_1593 = arith.constant 0 : i32
      %dma_start3A_1594 = tpu.memref_slice %arg9[%dma_start3A_1591, %dma_start3A_1592, %dma_start3A_1593] : memref<4x32x128xf32, #tpu.memory_space<vmem>> -> memref<1x32x128xf32, #tpu.memory_space<vmem>>
      %dma_start3A_1595 = tpu.memref_squeeze %dma_start3A_1594 : memref<1x32x128xf32, #tpu.memory_space<vmem>> -> memref<32x128xf32, #tpu.memory_space<vmem>>
      %dma_start3A_1596 = arith.constant 0 : i32
      %dma_start3A_1597 = tpu.memref_slice %arg4[%dma_start3A_1596, %multiple_of3A_1577] : memref<32x1000000xf32, #tpu.memory_space<hbm>> -> memref<32x128xf32, #tpu.memory_space<hbm>>
      %dma_start3A_1598 = arith.constant 0 : i32
      %dma_start3A_1599 = arith.constant 0 : i32
      %dma_start3A_1600 = tpu.memref_slice %arg9[%dma_start3A_1591, %dma_start3A_1598, %dma_start3A_1599] : memref<4x32x128xf32, #tpu.memory_space<vmem>> -> memref<1x32x128xf32, #tpu.memory_space<vmem>>
      %dma_start3A_1601 = tpu.memref_squeeze %dma_start3A_1600 : memref<1x32x128xf32, #tpu.memory_space<vmem>> -> memref<32x128xf32, #tpu.memory_space<vmem>>
      %dma_start3A_1602 = arith.constant 0 : i32
      %dma_start3A_1603 = tpu.memref_slice %arg4[%dma_start3A_1602, %multiple_of3A_1577] : memref<32x1000000xf32, #tpu.memory_space<hbm>> -> memref<32x128xf32, #tpu.memory_space<hbm>>
      tpu.enqueue_dma source(%dma_start3A_1603 : memref<32x128xf32, #tpu.memory_space<hbm>>) target(%dma_start3A_1601 : memref<32x128xf32, #tpu.memory_space<vmem>>) target_semaphore(%arg17 : memref<!tpu.dma_semaphore, #tpu.memory_space<semaphore_mem>>)
      %dma_wait3A_1604 = arith.constant 3 : i32
      %dma_wait3A_1605 = arith.constant 0 : i32
      %dma_wait3A_1606 = arith.constant 0 : i32
      %dma_wait3A_1607 = tpu.memref_slice %arg8[%dma_wait3A_1604, %dma_wait3A_1605, %dma_wait3A_1606] : memref<4x32x128xf32, #tpu.memory_space<vmem>> -> memref<1x32x128xf32, #tpu.memory_space<vmem>>
      %dma_wait3A_1608 = tpu.memref_squeeze %dma_wait3A_1607 : memref<1x32x128xf32, #tpu.memory_space<vmem>> -> memref<32x128xf32, #tpu.memory_space<vmem>>
      %dma_wait3A_1609 = arith.constant 0 : i32
      %dma_wait3A_1610 = arith.constant 0 : i32
      %dma_wait3A_1611 = tpu.memref_slice %arg3[%dma_wait3A_1609, %dma_wait3A_1610] : memref<32x1000000xf32, #tpu.memory_space<hbm>> -> memref<32x128xf32, #tpu.memory_space<hbm>>
      %dma_wait3A_1612 = arith.constant 0 : i32
      %dma_wait3A_1613 = arith.constant 0 : i32
      %dma_wait3A_1614 = tpu.memref_slice %arg8[%dma_wait3A_1604, %dma_wait3A_1612, %dma_wait3A_1613] : memref<4x32x128xf32, #tpu.memory_space<vmem>> -> memref<1x32x128xf32, #tpu.memory_space<vmem>>
      %dma_wait3A_1615 = tpu.memref_squeeze %dma_wait3A_1614 : memref<1x32x128xf32, #tpu.memory_space<vmem>> -> memref<32x128xf32, #tpu.memory_space<vmem>>
      %dma_wait3A_1616 = arith.constant 0 : i32
      %dma_wait3A_1617 = arith.constant 0 : i32
      %dma_wait3A_1618 = tpu.memref_slice %arg3[%dma_wait3A_1616, %dma_wait3A_1617] : memref<32x1000000xf32, #tpu.memory_space<hbm>> -> memref<32x128xf32, #tpu.memory_space<hbm>>
      tpu.wait_dma2 semaphore(%arg14 : memref<!tpu.dma_semaphore, #tpu.memory_space<semaphore_mem>>) src(%dma_wait3A_1618 : memref<32x128xf32, #tpu.memory_space<hbm>>) dst(%dma_wait3A_1615 : memref<32x128xf32, #tpu.memory_space<vmem>>)
      %dma_wait3A_1619 = arith.constant 3 : i32
      %dma_wait3A_1620 = arith.constant 0 : i32
      %dma_wait3A_1621 = arith.constant 0 : i32
      %dma_wait3A_1622 = tpu.memref_slice %arg9[%dma_wait3A_1619, %dma_wait3A_1620, %dma_wait3A_1621] : memref<4x32x128xf32, #tpu.memory_space<vmem>> -> memref<1x32x128xf32, #tpu.memory_space<vmem>>
      %dma_wait3A_1623 = tpu.memref_squeeze %dma_wait3A_1622 : memref<1x32x128xf32, #tpu.memory_space<vmem>> -> memref<32x128xf32, #tpu.memory_space<vmem>>
      %dma_wait3A_1624 = arith.constant 0 : i32
      %dma_wait3A_1625 = arith.constant 0 : i32
      %dma_wait3A_1626 = tpu.memref_slice %arg4[%dma_wait3A_1624, %dma_wait3A_1625] : memref<32x1000000xf32, #tpu.memory_space<hbm>> -> memref<32x128xf32, #tpu.memory_space<hbm>>
      %dma_wait3A_1627 = arith.constant 0 : i32
      %dma_wait3A_1628 = arith.constant 0 : i32
      %dma_wait3A_1629 = tpu.memref_slice %arg9[%dma_wait3A_1619, %dma_wait3A_1627, %dma_wait3A_1628] : memref<4x32x128xf32, #tpu.memory_space<vmem>> -> memref<1x32x128xf32, #tpu.memory_space<vmem>>
      %dma_wait3A_1630 = tpu.memref_squeeze %dma_wait3A_1629 : memref<1x32x128xf32, #tpu.memory_space<vmem>> -> memref<32x128xf32, #tpu.memory_space<vmem>>
      %dma_wait3A_1631 = arith.constant 0 : i32
      %dma_wait3A_1632 = arith.constant 0 : i32
      %dma_wait3A_1633 = tpu.memref_slice %arg4[%dma_wait3A_1631, %dma_wait3A_1632] : memref<32x1000000xf32, #tpu.memory_space<hbm>> -> memref<32x128xf32, #tpu.memory_space<hbm>>
      tpu.wait_dma2 semaphore(%arg18 : memref<!tpu.dma_semaphore, #tpu.memory_space<semaphore_mem>>) src(%dma_wait3A_1633 : memref<32x128xf32, #tpu.memory_space<hbm>>) dst(%dma_wait3A_1630 : memref<32x128xf32, #tpu.memory_space<vmem>>)
      %slice3A_1634 = vector.extract_strided_slice %scan3A_223 {offsets = [11], sizes = [1], strides = [1]} : vector<16xi32> to vector<1xi32>
      %squeeze3A_1635 = vector.extract %slice3A_1634[0] : i32 from vector<1xi32>
      %and3A_1636 = arith.constant 127 : i32
      %and3A_1637 = arith.andi %squeeze3A_1635, %and3A_1636 : i32
      %broadcast_in_dim3A_1638 = vector.broadcast %and3A_1637 : i32 to vector<16xi32>
      %slice3A_1639 = vector.extract_strided_slice %scan3A_224 {offsets = [11], sizes = [1], strides = [1]} : vector<16xi32> to vector<1xi32>
      %squeeze3A_1640 = vector.extract %slice3A_1639[0] : i32 from vector<1xi32>
      %and3A_1641 = arith.constant 127 : i32
      %and3A_1642 = arith.andi %squeeze3A_1640, %and3A_1641 : i32
      %broadcast_in_dim3A_1643 = vector.broadcast %and3A_1642 : i32 to vector<16xi32>
      %gather3A_1644 = arith.constant 3 : i32
      %gather3A_1645 = arith.constant 0 : i32
      %gather3A_1646 = arith.constant 0 : i32
      %gather3A_1647 = tpu.memref_slice %arg8[%gather3A_1644, %gather3A_1645, %gather3A_1646] : memref<4x32x128xf32, #tpu.memory_space<vmem>> -> memref<1x32x128xf32, #tpu.memory_space<vmem>>
      %gather3A_1648 = tpu.memref_squeeze %gather3A_1647 : memref<1x32x128xf32, #tpu.memory_space<vmem>> -> memref<32x128xf32, #tpu.memory_space<vmem>>
      %gather3A_1649 = tpu.vector_load_idx %gather3A_1648[%iota3A, %broadcast_in_dim3A_1638] : memref<32x128xf32, #tpu.memory_space<vmem>>[vector<16xi32>, vector<16xi32>], vector<16xf32>,
      %add3A_1650 = arith.constant 16 : i32
      %add3A_1651 = vector.broadcast %add3A_1650 : i32 to vector<16xi32>
      %add3A_1652 = arith.addi %iota3A, %add3A_1651 : vector<16xi32>
      %gather3A_1653 = arith.constant 3 : i32
      %gather3A_1654 = arith.constant 0 : i32
      %gather3A_1655 = arith.constant 0 : i32
      %gather3A_1656 = tpu.memref_slice %arg8[%gather3A_1653, %gather3A_1654, %gather3A_1655] : memref<4x32x128xf32, #tpu.memory_space<vmem>> -> memref<1x32x128xf32, #tpu.memory_space<vmem>>
      %gather3A_1657 = tpu.memref_squeeze %gather3A_1656 : memref<1x32x128xf32, #tpu.memory_space<vmem>> -> memref<32x128xf32, #tpu.memory_space<vmem>>
      %gather3A_1658 = tpu.vector_load_idx %gather3A_1657[%add3A_1652, %broadcast_in_dim3A_1638] : memref<32x128xf32, #tpu.memory_space<vmem>>[vector<16xi32>, vector<16xi32>], vector<16xf32>,
      %gather3A_1659 = arith.constant 3 : i32
      %gather3A_1660 = arith.constant 0 : i32
      %gather3A_1661 = arith.constant 0 : i32
      %gather3A_1662 = tpu.memref_slice %arg9[%gather3A_1659, %gather3A_1660, %gather3A_1661] : memref<4x32x128xf32, #tpu.memory_space<vmem>> -> memref<1x32x128xf32, #tpu.memory_space<vmem>>
      %gather3A_1663 = tpu.memref_squeeze %gather3A_1662 : memref<1x32x128xf32, #tpu.memory_space<vmem>> -> memref<32x128xf32, #tpu.memory_space<vmem>>
      %gather3A_1664 = tpu.vector_load_idx %gather3A_1663[%iota3A, %broadcast_in_dim3A_1643] : memref<32x128xf32, #tpu.memory_space<vmem>>[vector<16xi32>, vector<16xi32>], vector<16xf32>,
      %add3A_1665 = arith.constant 16 : i32
      %add3A_1666 = vector.broadcast %add3A_1665 : i32 to vector<16xi32>
      %add3A_1667 = arith.addi %iota3A, %add3A_1666 : vector<16xi32>
      %gather3A_1668 = arith.constant 3 : i32
      %gather3A_1669 = arith.constant 0 : i32
      %gather3A_1670 = arith.constant 0 : i32
      %gather3A_1671 = tpu.memref_slice %arg9[%gather3A_1668, %gather3A_1669, %gather3A_1670] : memref<4x32x128xf32, #tpu.memory_space<vmem>> -> memref<1x32x128xf32, #tpu.memory_space<vmem>>
      %gather3A_1672 = tpu.memref_squeeze %gather3A_1671 : memref<1x32x128xf32, #tpu.memory_space<vmem>> -> memref<32x128xf32, #tpu.memory_space<vmem>>
      %gather3A_1673 = tpu.vector_load_idx %gather3A_1672[%add3A_1667, %broadcast_in_dim3A_1643] : memref<32x128xf32, #tpu.memory_space<vmem>>[vector<16xi32>, vector<16xi32>], vector<16xf32>,
      %mul3A_1674 = arith.mulf %gather3A_1649, %gather3A_1664 : vector<16xf32>
      %mul3A_1675 = arith.mulf %gather3A_1658, %gather3A_1673 : vector<16xf32>
      %add3A_1676 = arith.addf %mul3A_1674, %mul3A_1675 : vector<16xf32>
      %reduce_sum3A_1677 = arith.constant true
      %reduce_sum3A_1678 = vector.broadcast %reduce_sum3A_1677 : i1 to vector<16xi1>
      %reduce_sum3A_1679 = tpu.scan <sum>, %add3A_1676 masked %reduce_sum3A_1678 : vector<16xf32>, vector<16xi1> -> vector<16xf32>
      %reduce_sum3A_1680 = vector.extract %reduce_sum3A_1679[15] : f32 from vector<16xf32>
      %eq3A_1681 = arith.constant 11 : i32
      %eq3A_1682 = vector.broadcast %eq3A_1681 : i32 to vector<16xi32>
      %eq3A_1683 = arith.cmpi eq, %iota3A, %eq3A_1682 : vector<16xi32>
      %broadcast_in_dim3A_1684 = vector.broadcast %reduce_sum3A_1680 : f32 to vector<16xf32>
      %select_n3A_1685 = arith.select %eq3A_1683, %broadcast_in_dim3A_1684, %select_n3A_1563 : vector<16xi1>, vector<16xf32>
      %slice3A_1686 = vector.extract_strided_slice %scan3A_223 {offsets = [15], sizes = [1], strides = [1]} : vector<16xi32> to vector<1xi32>
      %squeeze3A_1687 = vector.extract %slice3A_1686[0] : i32 from vector<1xi32>
      %slice3A_1688 = vector.extract_strided_slice %scan3A_224 {offsets = [15], sizes = [1], strides = [1]} : vector<16xi32> to vector<1xi32>
      %squeeze3A_1689 = vector.extract %slice3A_1688[0] : i32 from vector<1xi32>
      %shift_right_arithmetic3A_1690 = arith.constant 7 : i32
      %shift_right_arithmetic3A_1691 = arith.shrsi %squeeze3A_1687, %shift_right_arithmetic3A_1690 : i32
      %shift_left3A_1692 = arith.constant 7 : i32
      %shift_left3A_1693 = arith.shli %shift_right_arithmetic3A_1691, %shift_left3A_1692 : i32
      %multiple_of3A_1694 = tpu.assume_multiple %shift_left3A_1693, 128 : i32
      %shift_right_arithmetic3A_1695 = arith.constant 7 : i32
      %shift_right_arithmetic3A_1696 = arith.shrsi %squeeze3A_1689, %shift_right_arithmetic3A_1695 : i32
      %shift_left3A_1697 = arith.constant 7 : i32
      %shift_left3A_1698 = arith.shli %shift_right_arithmetic3A_1696, %shift_left3A_1697 : i32
      %multiple_of3A_1699 = tpu.assume_multiple %shift_left3A_1698, 128 : i32
      %dma_start3A_1700 = arith.constant 3 : i32
      %dma_start3A_1701 = arith.constant 0 : i32
      %dma_start3A_1702 = arith.constant 0 : i32
      %dma_start3A_1703 = tpu.memref_slice %arg8[%dma_start3A_1700, %dma_start3A_1701, %dma_start3A_1702] : memref<4x32x128xf32, #tpu.memory_space<vmem>> -> memref<1x32x128xf32, #tpu.memory_space<vmem>>
      %dma_start3A_1704 = tpu.memref_squeeze %dma_start3A_1703 : memref<1x32x128xf32, #tpu.memory_space<vmem>> -> memref<32x128xf32, #tpu.memory_space<vmem>>
      %dma_start3A_1705 = arith.constant 0 : i32
      %dma_start3A_1706 = tpu.memref_slice %arg3[%dma_start3A_1705, %multiple_of3A_1694] : memref<32x1000000xf32, #tpu.memory_space<hbm>> -> memref<32x128xf32, #tpu.memory_space<hbm>>
      %dma_start3A_1707 = arith.constant 0 : i32
      %dma_start3A_1708 = arith.constant 0 : i32
      %dma_start3A_1709 = tpu.memref_slice %arg8[%dma_start3A_1700, %dma_start3A_1707, %dma_start3A_1708] : memref<4x32x128xf32, #tpu.memory_space<vmem>> -> memref<1x32x128xf32, #tpu.memory_space<vmem>>
      %dma_start3A_1710 = tpu.memref_squeeze %dma_start3A_1709 : memref<1x32x128xf32, #tpu.memory_space<vmem>> -> memref<32x128xf32, #tpu.memory_space<vmem>>
      %dma_start3A_1711 = arith.constant 0 : i32
      %dma_start3A_1712 = tpu.memref_slice %arg3[%dma_start3A_1711, %multiple_of3A_1694] : memref<32x1000000xf32, #tpu.memory_space<hbm>> -> memref<32x128xf32, #tpu.memory_space<hbm>>
      tpu.enqueue_dma source(%dma_start3A_1712 : memref<32x128xf32, #tpu.memory_space<hbm>>) target(%dma_start3A_1710 : memref<32x128xf32, #tpu.memory_space<vmem>>) target_semaphore(%arg14 : memref<!tpu.dma_semaphore, #tpu.memory_space<semaphore_mem>>)
      %dma_start3A_1713 = arith.constant 3 : i32
      %dma_start3A_1714 = arith.constant 0 : i32
      %dma_start3A_1715 = arith.constant 0 : i32
      %dma_start3A_1716 = tpu.memref_slice %arg9[%dma_start3A_1713, %dma_start3A_1714, %dma_start3A_1715] : memref<4x32x128xf32, #tpu.memory_space<vmem>> -> memref<1x32x128xf32, #tpu.memory_space<vmem>>
      %dma_start3A_1717 = tpu.memref_squeeze %dma_start3A_1716 : memref<1x32x128xf32, #tpu.memory_space<vmem>> -> memref<32x128xf32, #tpu.memory_space<vmem>>
      %dma_start3A_1718 = arith.constant 0 : i32
      %dma_start3A_1719 = tpu.memref_slice %arg4[%dma_start3A_1718, %multiple_of3A_1699] : memref<32x1000000xf32, #tpu.memory_space<hbm>> -> memref<32x128xf32, #tpu.memory_space<hbm>>
      %dma_start3A_1720 = arith.constant 0 : i32
      %dma_start3A_1721 = arith.constant 0 : i32
      %dma_start3A_1722 = tpu.memref_slice %arg9[%dma_start3A_1713, %dma_start3A_1720, %dma_start3A_1721] : memref<4x32x128xf32, #tpu.memory_space<vmem>> -> memref<1x32x128xf32, #tpu.memory_space<vmem>>
      %dma_start3A_1723 = tpu.memref_squeeze %dma_start3A_1722 : memref<1x32x128xf32, #tpu.memory_space<vmem>> -> memref<32x128xf32, #tpu.memory_space<vmem>>
      %dma_start3A_1724 = arith.constant 0 : i32
      %dma_start3A_1725 = tpu.memref_slice %arg4[%dma_start3A_1724, %multiple_of3A_1699] : memref<32x1000000xf32, #tpu.memory_space<hbm>> -> memref<32x128xf32, #tpu.memory_space<hbm>>
      tpu.enqueue_dma source(%dma_start3A_1725 : memref<32x128xf32, #tpu.memory_space<hbm>>) target(%dma_start3A_1723 : memref<32x128xf32, #tpu.memory_space<vmem>>) target_semaphore(%arg18 : memref<!tpu.dma_semaphore, #tpu.memory_space<semaphore_mem>>)
      %dma_wait3A_1726 = arith.constant 0 : i32
      %dma_wait3A_1727 = arith.constant 0 : i32
      %dma_wait3A_1728 = arith.constant 0 : i32
      %dma_wait3A_1729 = tpu.memref_slice %arg8[%dma_wait3A_1726, %dma_wait3A_1727, %dma_wait3A_1728] : memref<4x32x128xf32, #tpu.memory_space<vmem>> -> memref<1x32x128xf32, #tpu.memory_space<vmem>>
      %dma_wait3A_1730 = tpu.memref_squeeze %dma_wait3A_1729 : memref<1x32x128xf32, #tpu.memory_space<vmem>> -> memref<32x128xf32, #tpu.memory_space<vmem>>
      %dma_wait3A_1731 = arith.constant 0 : i32
      %dma_wait3A_1732 = arith.constant 0 : i32
      %dma_wait3A_1733 = tpu.memref_slice %arg3[%dma_wait3A_1731, %dma_wait3A_1732] : memref<32x1000000xf32, #tpu.memory_space<hbm>> -> memref<32x128xf32, #tpu.memory_space<hbm>>
      %dma_wait3A_1734 = arith.constant 0 : i32
      %dma_wait3A_1735 = arith.constant 0 : i32
      %dma_wait3A_1736 = tpu.memref_slice %arg8[%dma_wait3A_1726, %dma_wait3A_1734, %dma_wait3A_1735] : memref<4x32x128xf32, #tpu.memory_space<vmem>> -> memref<1x32x128xf32, #tpu.memory_space<vmem>>
      %dma_wait3A_1737 = tpu.memref_squeeze %dma_wait3A_1736 : memref<1x32x128xf32, #tpu.memory_space<vmem>> -> memref<32x128xf32, #tpu.memory_space<vmem>>
      %dma_wait3A_1738 = arith.constant 0 : i32
      %dma_wait3A_1739 = arith.constant 0 : i32
      %dma_wait3A_1740 = tpu.memref_slice %arg3[%dma_wait3A_1738, %dma_wait3A_1739] : memref<32x1000000xf32, #tpu.memory_space<hbm>> -> memref<32x128xf32, #tpu.memory_space<hbm>>
      tpu.wait_dma2 semaphore(%arg11 : memref<!tpu.dma_semaphore, #tpu.memory_space<semaphore_mem>>) src(%dma_wait3A_1740 : memref<32x128xf32, #tpu.memory_space<hbm>>) dst(%dma_wait3A_1737 : memref<32x128xf32, #tpu.memory_space<vmem>>)
      %dma_wait3A_1741 = arith.constant 0 : i32
      %dma_wait3A_1742 = arith.constant 0 : i32
      %dma_wait3A_1743 = arith.constant 0 : i32
      %dma_wait3A_1744 = tpu.memref_slice %arg9[%dma_wait3A_1741, %dma_wait3A_1742, %dma_wait3A_1743] : memref<4x32x128xf32, #tpu.memory_space<vmem>> -> memref<1x32x128xf32, #tpu.memory_space<vmem>>
      %dma_wait3A_1745 = tpu.memref_squeeze %dma_wait3A_1744 : memref<1x32x128xf32, #tpu.memory_space<vmem>> -> memref<32x128xf32, #tpu.memory_space<vmem>>
      %dma_wait3A_1746 = arith.constant 0 : i32
      %dma_wait3A_1747 = arith.constant 0 : i32
      %dma_wait3A_1748 = tpu.memref_slice %arg4[%dma_wait3A_1746, %dma_wait3A_1747] : memref<32x1000000xf32, #tpu.memory_space<hbm>> -> memref<32x128xf32, #tpu.memory_space<hbm>>
      %dma_wait3A_1749 = arith.constant 0 : i32
      %dma_wait3A_1750 = arith.constant 0 : i32
      %dma_wait3A_1751 = tpu.memref_slice %arg9[%dma_wait3A_1741, %dma_wait3A_1749, %dma_wait3A_1750] : memref<4x32x128xf32, #tpu.memory_space<vmem>> -> memref<1x32x128xf32, #tpu.memory_space<vmem>>
      %dma_wait3A_1752 = tpu.memref_squeeze %dma_wait3A_1751 : memref<1x32x128xf32, #tpu.memory_space<vmem>> -> memref<32x128xf32, #tpu.memory_space<vmem>>
      %dma_wait3A_1753 = arith.constant 0 : i32
      %dma_wait3A_1754 = arith.constant 0 : i32
      %dma_wait3A_1755 = tpu.memref_slice %arg4[%dma_wait3A_1753, %dma_wait3A_1754] : memref<32x1000000xf32, #tpu.memory_space<hbm>> -> memref<32x128xf32, #tpu.memory_space<hbm>>
      tpu.wait_dma2 semaphore(%arg15 : memref<!tpu.dma_semaphore, #tpu.memory_space<semaphore_mem>>) src(%dma_wait3A_1755 : memref<32x128xf32, #tpu.memory_space<hbm>>) dst(%dma_wait3A_1752 : memref<32x128xf32, #tpu.memory_space<vmem>>)
      %slice3A_1756 = vector.extract_strided_slice %scan3A_223 {offsets = [12], sizes = [1], strides = [1]} : vector<16xi32> to vector<1xi32>
      %squeeze3A_1757 = vector.extract %slice3A_1756[0] : i32 from vector<1xi32>
      %and3A_1758 = arith.constant 127 : i32
      %and3A_1759 = arith.andi %squeeze3A_1757, %and3A_1758 : i32
      %broadcast_in_dim3A_1760 = vector.broadcast %and3A_1759 : i32 to vector<16xi32>
      %slice3A_1761 = vector.extract_strided_slice %scan3A_224 {offsets = [12], sizes = [1], strides = [1]} : vector<16xi32> to vector<1xi32>
      %squeeze3A_1762 = vector.extract %slice3A_1761[0] : i32 from vector<1xi32>
      %and3A_1763 = arith.constant 127 : i32
      %and3A_1764 = arith.andi %squeeze3A_1762, %and3A_1763 : i32
      %broadcast_in_dim3A_1765 = vector.broadcast %and3A_1764 : i32 to vector<16xi32>
      %gather3A_1766 = arith.constant 0 : i32
      %gather3A_1767 = arith.constant 0 : i32
      %gather3A_1768 = arith.constant 0 : i32
      %gather3A_1769 = tpu.memref_slice %arg8[%gather3A_1766, %gather3A_1767, %gather3A_1768] : memref<4x32x128xf32, #tpu.memory_space<vmem>> -> memref<1x32x128xf32, #tpu.memory_space<vmem>>
      %gather3A_1770 = tpu.memref_squeeze %gather3A_1769 : memref<1x32x128xf32, #tpu.memory_space<vmem>> -> memref<32x128xf32, #tpu.memory_space<vmem>>
      %gather3A_1771 = tpu.vector_load_idx %gather3A_1770[%iota3A, %broadcast_in_dim3A_1760] : memref<32x128xf32, #tpu.memory_space<vmem>>[vector<16xi32>, vector<16xi32>], vector<16xf32>,
      %add3A_1772 = arith.constant 16 : i32
      %add3A_1773 = vector.broadcast %add3A_1772 : i32 to vector<16xi32>
      %add3A_1774 = arith.addi %iota3A, %add3A_1773 : vector<16xi32>
      %gather3A_1775 = arith.constant 0 : i32
      %gather3A_1776 = arith.constant 0 : i32
      %gather3A_1777 = arith.constant 0 : i32
      %gather3A_1778 = tpu.memref_slice %arg8[%gather3A_1775, %gather3A_1776, %gather3A_1777] : memref<4x32x128xf32, #tpu.memory_space<vmem>> -> memref<1x32x128xf32, #tpu.memory_space<vmem>>
      %gather3A_1779 = tpu.memref_squeeze %gather3A_1778 : memref<1x32x128xf32, #tpu.memory_space<vmem>> -> memref<32x128xf32, #tpu.memory_space<vmem>>
      %gather3A_1780 = tpu.vector_load_idx %gather3A_1779[%add3A_1774, %broadcast_in_dim3A_1760] : memref<32x128xf32, #tpu.memory_space<vmem>>[vector<16xi32>, vector<16xi32>], vector<16xf32>,
      %gather3A_1781 = arith.constant 0 : i32
      %gather3A_1782 = arith.constant 0 : i32
      %gather3A_1783 = arith.constant 0 : i32
      %gather3A_1784 = tpu.memref_slice %arg9[%gather3A_1781, %gather3A_1782, %gather3A_1783] : memref<4x32x128xf32, #tpu.memory_space<vmem>> -> memref<1x32x128xf32, #tpu.memory_space<vmem>>
      %gather3A_1785 = tpu.memref_squeeze %gather3A_1784 : memref<1x32x128xf32, #tpu.memory_space<vmem>> -> memref<32x128xf32, #tpu.memory_space<vmem>>
      %gather3A_1786 = tpu.vector_load_idx %gather3A_1785[%iota3A, %broadcast_in_dim3A_1765] : memref<32x128xf32, #tpu.memory_space<vmem>>[vector<16xi32>, vector<16xi32>], vector<16xf32>,
      %add3A_1787 = arith.constant 16 : i32
      %add3A_1788 = vector.broadcast %add3A_1787 : i32 to vector<16xi32>
      %add3A_1789 = arith.addi %iota3A, %add3A_1788 : vector<16xi32>
      %gather3A_1790 = arith.constant 0 : i32
      %gather3A_1791 = arith.constant 0 : i32
      %gather3A_1792 = arith.constant 0 : i32
      %gather3A_1793 = tpu.memref_slice %arg9[%gather3A_1790, %gather3A_1791, %gather3A_1792] : memref<4x32x128xf32, #tpu.memory_space<vmem>> -> memref<1x32x128xf32, #tpu.memory_space<vmem>>
      %gather3A_1794 = tpu.memref_squeeze %gather3A_1793 : memref<1x32x128xf32, #tpu.memory_space<vmem>> -> memref<32x128xf32, #tpu.memory_space<vmem>>
      %gather3A_1795 = tpu.vector_load_idx %gather3A_1794[%add3A_1789, %broadcast_in_dim3A_1765] : memref<32x128xf32, #tpu.memory_space<vmem>>[vector<16xi32>, vector<16xi32>], vector<16xf32>,
      %mul3A_1796 = arith.mulf %gather3A_1771, %gather3A_1786 : vector<16xf32>
      %mul3A_1797 = arith.mulf %gather3A_1780, %gather3A_1795 : vector<16xf32>
      %add3A_1798 = arith.addf %mul3A_1796, %mul3A_1797 : vector<16xf32>
      %reduce_sum3A_1799 = arith.constant true
      %reduce_sum3A_1800 = vector.broadcast %reduce_sum3A_1799 : i1 to vector<16xi1>
      %reduce_sum3A_1801 = tpu.scan <sum>, %add3A_1798 masked %reduce_sum3A_1800 : vector<16xf32>, vector<16xi1> -> vector<16xf32>
      %reduce_sum3A_1802 = vector.extract %reduce_sum3A_1801[15] : f32 from vector<16xf32>
      %eq3A_1803 = arith.constant 12 : i32
      %eq3A_1804 = vector.broadcast %eq3A_1803 : i32 to vector<16xi32>
      %eq3A_1805 = arith.cmpi eq, %iota3A, %eq3A_1804 : vector<16xi32>
      %broadcast_in_dim3A_1806 = vector.broadcast %reduce_sum3A_1802 : f32 to vector<16xf32>
      %select_n3A_1807 = arith.select %eq3A_1805, %broadcast_in_dim3A_1806, %select_n3A_1685 : vector<16xi1>, vector<16xf32>
      %add3A_1808 = arith.constant 1 : i32
      %add3A_1809 = arith.addi %scan3A_222, %add3A_1808 : i32
      %mul3A_1810 = arith.constant 16 : i32
      %mul3A_1811 = arith.muli %add3A_1809, %mul3A_1810 : i32
      %get3A_1812 = arith.index_cast %mul3A_1811 : i32 to index
      %get3A_1813 = tpu.vector_load %arg6[%get3A_1812] {strides = array<i32>} : memref<528xi32, #tpu.memory_space<vmem>>, vector<16xi32>,
      %add3A_1814 = arith.constant 1 : i32
      %add3A_1815 = arith.addi %scan3A_222, %add3A_1814 : i32
      %mul3A_1816 = arith.constant 16 : i32
      %mul3A_1817 = arith.muli %add3A_1815, %mul3A_1816 : i32
      %get3A_1818 = arith.index_cast %mul3A_1817 : i32 to index
      %get3A_1819 = tpu.vector_load %arg7[%get3A_1818] {strides = array<i32>} : memref<528xi32, #tpu.memory_space<vmem>>, vector<16xi32>,
      %slice3A_1820 = vector.extract_strided_slice %get3A_1813 {offsets = [0], sizes = [1], strides = [1]} : vector<16xi32> to vector<1xi32>
      %squeeze3A_1821 = vector.extract %slice3A_1820[0] : i32 from vector<1xi32>
      %slice3A_1822 = vector.extract_strided_slice %get3A_1819 {offsets = [0], sizes = [1], strides = [1]} : vector<16xi32> to vector<1xi32>
      %squeeze3A_1823 = vector.extract %slice3A_1822[0] : i32 from vector<1xi32>
      %shift_right_arithmetic3A_1824 = arith.constant 7 : i32
      %shift_right_arithmetic3A_1825 = arith.shrsi %squeeze3A_1821, %shift_right_arithmetic3A_1824 : i32
      %shift_left3A_1826 = arith.constant 7 : i32
      %shift_left3A_1827 = arith.shli %shift_right_arithmetic3A_1825, %shift_left3A_1826 : i32
      %multiple_of3A_1828 = tpu.assume_multiple %shift_left3A_1827, 128 : i32
      %shift_right_arithmetic3A_1829 = arith.constant 7 : i32
      %shift_right_arithmetic3A_1830 = arith.shrsi %squeeze3A_1823, %shift_right_arithmetic3A_1829 : i32
      %shift_left3A_1831 = arith.constant 7 : i32
      %shift_left3A_1832 = arith.shli %shift_right_arithmetic3A_1830, %shift_left3A_1831 : i32
      %multiple_of3A_1833 = tpu.assume_multiple %shift_left3A_1832, 128 : i32
      %dma_start3A_1834 = arith.constant 0 : i32
      %dma_start3A_1835 = arith.constant 0 : i32
      %dma_start3A_1836 = arith.constant 0 : i32
      %dma_start3A_1837 = tpu.memref_slice %arg8[%dma_start3A_1834, %dma_start3A_1835, %dma_start3A_1836] : memref<4x32x128xf32, #tpu.memory_space<vmem>> -> memref<1x32x128xf32, #tpu.memory_space<vmem>>
      %dma_start3A_1838 = tpu.memref_squeeze %dma_start3A_1837 : memref<1x32x128xf32, #tpu.memory_space<vmem>> -> memref<32x128xf32, #tpu.memory_space<vmem>>
      %dma_start3A_1839 = arith.constant 0 : i32
      %dma_start3A_1840 = tpu.memref_slice %arg3[%dma_start3A_1839, %multiple_of3A_1828] : memref<32x1000000xf32, #tpu.memory_space<hbm>> -> memref<32x128xf32, #tpu.memory_space<hbm>>
      %dma_start3A_1841 = arith.constant 0 : i32
      %dma_start3A_1842 = arith.constant 0 : i32
      %dma_start3A_1843 = tpu.memref_slice %arg8[%dma_start3A_1834, %dma_start3A_1841, %dma_start3A_1842] : memref<4x32x128xf32, #tpu.memory_space<vmem>> -> memref<1x32x128xf32, #tpu.memory_space<vmem>>
      %dma_start3A_1844 = tpu.memref_squeeze %dma_start3A_1843 : memref<1x32x128xf32, #tpu.memory_space<vmem>> -> memref<32x128xf32, #tpu.memory_space<vmem>>
      %dma_start3A_1845 = arith.constant 0 : i32
      %dma_start3A_1846 = tpu.memref_slice %arg3[%dma_start3A_1845, %multiple_of3A_1828] : memref<32x1000000xf32, #tpu.memory_space<hbm>> -> memref<32x128xf32, #tpu.memory_space<hbm>>
      tpu.enqueue_dma source(%dma_start3A_1846 : memref<32x128xf32, #tpu.memory_space<hbm>>) target(%dma_start3A_1844 : memref<32x128xf32, #tpu.memory_space<vmem>>) target_semaphore(%arg11 : memref<!tpu.dma_semaphore, #tpu.memory_space<semaphore_mem>>)
      %dma_start3A_1847 = arith.constant 0 : i32
      %dma_start3A_1848 = arith.constant 0 : i32
      %dma_start3A_1849 = arith.constant 0 : i32
      %dma_start3A_1850 = tpu.memref_slice %arg9[%dma_start3A_1847, %dma_start3A_1848, %dma_start3A_1849] : memref<4x32x128xf32, #tpu.memory_space<vmem>> -> memref<1x32x128xf32, #tpu.memory_space<vmem>>
      %dma_start3A_1851 = tpu.memref_squeeze %dma_start3A_1850 : memref<1x32x128xf32, #tpu.memory_space<vmem>> -> memref<32x128xf32, #tpu.memory_space<vmem>>
      %dma_start3A_1852 = arith.constant 0 : i32
      %dma_start3A_1853 = tpu.memref_slice %arg4[%dma_start3A_1852, %multiple_of3A_1833] : memref<32x1000000xf32, #tpu.memory_space<hbm>> -> memref<32x128xf32, #tpu.memory_space<hbm>>
      %dma_start3A_1854 = arith.constant 0 : i32
      %dma_start3A_1855 = arith.constant 0 : i32
      %dma_start3A_1856 = tpu.memref_slice %arg9[%dma_start3A_1847, %dma_start3A_1854, %dma_start3A_1855] : memref<4x32x128xf32, #tpu.memory_space<vmem>> -> memref<1x32x128xf32, #tpu.memory_space<vmem>>
      %dma_start3A_1857 = tpu.memref_squeeze %dma_start3A_1856 : memref<1x32x128xf32, #tpu.memory_space<vmem>> -> memref<32x128xf32, #tpu.memory_space<vmem>>
      %dma_start3A_1858 = arith.constant 0 : i32
      %dma_start3A_1859 = tpu.memref_slice %arg4[%dma_start3A_1858, %multiple_of3A_1833] : memref<32x1000000xf32, #tpu.memory_space<hbm>> -> memref<32x128xf32, #tpu.memory_space<hbm>>
      tpu.enqueue_dma source(%dma_start3A_1859 : memref<32x128xf32, #tpu.memory_space<hbm>>) target(%dma_start3A_1857 : memref<32x128xf32, #tpu.memory_space<vmem>>) target_semaphore(%arg15 : memref<!tpu.dma_semaphore, #tpu.memory_space<semaphore_mem>>)
      %dma_wait3A_1860 = arith.constant 1 : i32
      %dma_wait3A_1861 = arith.constant 0 : i32
      %dma_wait3A_1862 = arith.constant 0 : i32
      %dma_wait3A_1863 = tpu.memref_slice %arg8[%dma_wait3A_1860, %dma_wait3A_1861, %dma_wait3A_1862] : memref<4x32x128xf32, #tpu.memory_space<vmem>> -> memref<1x32x128xf32, #tpu.memory_space<vmem>>
      %dma_wait3A_1864 = tpu.memref_squeeze %dma_wait3A_1863 : memref<1x32x128xf32, #tpu.memory_space<vmem>> -> memref<32x128xf32, #tpu.memory_space<vmem>>
      %dma_wait3A_1865 = arith.constant 0 : i32
      %dma_wait3A_1866 = arith.constant 0 : i32
      %dma_wait3A_1867 = tpu.memref_slice %arg3[%dma_wait3A_1865, %dma_wait3A_1866] : memref<32x1000000xf32, #tpu.memory_space<hbm>> -> memref<32x128xf32, #tpu.memory_space<hbm>>
      %dma_wait3A_1868 = arith.constant 0 : i32
      %dma_wait3A_1869 = arith.constant 0 : i32
      %dma_wait3A_1870 = tpu.memref_slice %arg8[%dma_wait3A_1860, %dma_wait3A_1868, %dma_wait3A_1869] : memref<4x32x128xf32, #tpu.memory_space<vmem>> -> memref<1x32x128xf32, #tpu.memory_space<vmem>>
      %dma_wait3A_1871 = tpu.memref_squeeze %dma_wait3A_1870 : memref<1x32x128xf32, #tpu.memory_space<vmem>> -> memref<32x128xf32, #tpu.memory_space<vmem>>
      %dma_wait3A_1872 = arith.constant 0 : i32
      %dma_wait3A_1873 = arith.constant 0 : i32
      %dma_wait3A_1874 = tpu.memref_slice %arg3[%dma_wait3A_1872, %dma_wait3A_1873] : memref<32x1000000xf32, #tpu.memory_space<hbm>> -> memref<32x128xf32, #tpu.memory_space<hbm>>
      tpu.wait_dma2 semaphore(%arg12 : memref<!tpu.dma_semaphore, #tpu.memory_space<semaphore_mem>>) src(%dma_wait3A_1874 : memref<32x128xf32, #tpu.memory_space<hbm>>) dst(%dma_wait3A_1871 : memref<32x128xf32, #tpu.memory_space<vmem>>)
      %dma_wait3A_1875 = arith.constant 1 : i32
      %dma_wait3A_1876 = arith.constant 0 : i32
      %dma_wait3A_1877 = arith.constant 0 : i32
      %dma_wait3A_1878 = tpu.memref_slice %arg9[%dma_wait3A_1875, %dma_wait3A_1876, %dma_wait3A_1877] : memref<4x32x128xf32, #tpu.memory_space<vmem>> -> memref<1x32x128xf32, #tpu.memory_space<vmem>>
      %dma_wait3A_1879 = tpu.memref_squeeze %dma_wait3A_1878 : memref<1x32x128xf32, #tpu.memory_space<vmem>> -> memref<32x128xf32, #tpu.memory_space<vmem>>
      %dma_wait3A_1880 = arith.constant 0 : i32
      %dma_wait3A_1881 = arith.constant 0 : i32
      %dma_wait3A_1882 = tpu.memref_slice %arg4[%dma_wait3A_1880, %dma_wait3A_1881] : memref<32x1000000xf32, #tpu.memory_space<hbm>> -> memref<32x128xf32, #tpu.memory_space<hbm>>
      %dma_wait3A_1883 = arith.constant 0 : i32
      %dma_wait3A_1884 = arith.constant 0 : i32
      %dma_wait3A_1885 = tpu.memref_slice %arg9[%dma_wait3A_1875, %dma_wait3A_1883, %dma_wait3A_1884] : memref<4x32x128xf32, #tpu.memory_space<vmem>> -> memref<1x32x128xf32, #tpu.memory_space<vmem>>
      %dma_wait3A_1886 = tpu.memref_squeeze %dma_wait3A_1885 : memref<1x32x128xf32, #tpu.memory_space<vmem>> -> memref<32x128xf32, #tpu.memory_space<vmem>>
      %dma_wait3A_1887 = arith.constant 0 : i32
      %dma_wait3A_1888 = arith.constant 0 : i32
      %dma_wait3A_1889 = tpu.memref_slice %arg4[%dma_wait3A_1887, %dma_wait3A_1888] : memref<32x1000000xf32, #tpu.memory_space<hbm>> -> memref<32x128xf32, #tpu.memory_space<hbm>>
      tpu.wait_dma2 semaphore(%arg16 : memref<!tpu.dma_semaphore, #tpu.memory_space<semaphore_mem>>) src(%dma_wait3A_1889 : memref<32x128xf32, #tpu.memory_space<hbm>>) dst(%dma_wait3A_1886 : memref<32x128xf32, #tpu.memory_space<vmem>>)
      %slice3A_1890 = vector.extract_strided_slice %scan3A_223 {offsets = [13], sizes = [1], strides = [1]} : vector<16xi32> to vector<1xi32>
      %squeeze3A_1891 = vector.extract %slice3A_1890[0] : i32 from vector<1xi32>
      %and3A_1892 = arith.constant 127 : i32
      %and3A_1893 = arith.andi %squeeze3A_1891, %and3A_1892 : i32
      %broadcast_in_dim3A_1894 = vector.broadcast %and3A_1893 : i32 to vector<16xi32>
      %slice3A_1895 = vector.extract_strided_slice %scan3A_224 {offsets = [13], sizes = [1], strides = [1]} : vector<16xi32> to vector<1xi32>
      %squeeze3A_1896 = vector.extract %slice3A_1895[0] : i32 from vector<1xi32>
      %and3A_1897 = arith.constant 127 : i32
      %and3A_1898 = arith.andi %squeeze3A_1896, %and3A_1897 : i32
      %broadcast_in_dim3A_1899 = vector.broadcast %and3A_1898 : i32 to vector<16xi32>
      %gather3A_1900 = arith.constant 1 : i32
      %gather3A_1901 = arith.constant 0 : i32
      %gather3A_1902 = arith.constant 0 : i32
      %gather3A_1903 = tpu.memref_slice %arg8[%gather3A_1900, %gather3A_1901, %gather3A_1902] : memref<4x32x128xf32, #tpu.memory_space<vmem>> -> memref<1x32x128xf32, #tpu.memory_space<vmem>>
      %gather3A_1904 = tpu.memref_squeeze %gather3A_1903 : memref<1x32x128xf32, #tpu.memory_space<vmem>> -> memref<32x128xf32, #tpu.memory_space<vmem>>
      %gather3A_1905 = tpu.vector_load_idx %gather3A_1904[%iota3A, %broadcast_in_dim3A_1894] : memref<32x128xf32, #tpu.memory_space<vmem>>[vector<16xi32>, vector<16xi32>], vector<16xf32>,
      %add3A_1906 = arith.constant 16 : i32
      %add3A_1907 = vector.broadcast %add3A_1906 : i32 to vector<16xi32>
      %add3A_1908 = arith.addi %iota3A, %add3A_1907 : vector<16xi32>
      %gather3A_1909 = arith.constant 1 : i32
      %gather3A_1910 = arith.constant 0 : i32
      %gather3A_1911 = arith.constant 0 : i32
      %gather3A_1912 = tpu.memref_slice %arg8[%gather3A_1909, %gather3A_1910, %gather3A_1911] : memref<4x32x128xf32, #tpu.memory_space<vmem>> -> memref<1x32x128xf32, #tpu.memory_space<vmem>>
      %gather3A_1913 = tpu.memref_squeeze %gather3A_1912 : memref<1x32x128xf32, #tpu.memory_space<vmem>> -> memref<32x128xf32, #tpu.memory_space<vmem>>
      %gather3A_1914 = tpu.vector_load_idx %gather3A_1913[%add3A_1908, %broadcast_in_dim3A_1894] : memref<32x128xf32, #tpu.memory_space<vmem>>[vector<16xi32>, vector<16xi32>], vector<16xf32>,
      %gather3A_1915 = arith.constant 1 : i32
      %gather3A_1916 = arith.constant 0 : i32
      %gather3A_1917 = arith.constant 0 : i32
      %gather3A_1918 = tpu.memref_slice %arg9[%gather3A_1915, %gather3A_1916, %gather3A_1917] : memref<4x32x128xf32, #tpu.memory_space<vmem>> -> memref<1x32x128xf32, #tpu.memory_space<vmem>>
      %gather3A_1919 = tpu.memref_squeeze %gather3A_1918 : memref<1x32x128xf32, #tpu.memory_space<vmem>> -> memref<32x128xf32, #tpu.memory_space<vmem>>
      %gather3A_1920 = tpu.vector_load_idx %gather3A_1919[%iota3A, %broadcast_in_dim3A_1899] : memref<32x128xf32, #tpu.memory_space<vmem>>[vector<16xi32>, vector<16xi32>], vector<16xf32>,
      %add3A_1921 = arith.constant 16 : i32
      %add3A_1922 = vector.broadcast %add3A_1921 : i32 to vector<16xi32>
      %add3A_1923 = arith.addi %iota3A, %add3A_1922 : vector<16xi32>
      %gather3A_1924 = arith.constant 1 : i32
      %gather3A_1925 = arith.constant 0 : i32
      %gather3A_1926 = arith.constant 0 : i32
      %gather3A_1927 = tpu.memref_slice %arg9[%gather3A_1924, %gather3A_1925, %gather3A_1926] : memref<4x32x128xf32, #tpu.memory_space<vmem>> -> memref<1x32x128xf32, #tpu.memory_space<vmem>>
      %gather3A_1928 = tpu.memref_squeeze %gather3A_1927 : memref<1x32x128xf32, #tpu.memory_space<vmem>> -> memref<32x128xf32, #tpu.memory_space<vmem>>
      %gather3A_1929 = tpu.vector_load_idx %gather3A_1928[%add3A_1923, %broadcast_in_dim3A_1899] : memref<32x128xf32, #tpu.memory_space<vmem>>[vector<16xi32>, vector<16xi32>], vector<16xf32>,
      %mul3A_1930 = arith.mulf %gather3A_1905, %gather3A_1920 : vector<16xf32>
      %mul3A_1931 = arith.mulf %gather3A_1914, %gather3A_1929 : vector<16xf32>
      %add3A_1932 = arith.addf %mul3A_1930, %mul3A_1931 : vector<16xf32>
      %reduce_sum3A_1933 = arith.constant true
      %reduce_sum3A_1934 = vector.broadcast %reduce_sum3A_1933 : i1 to vector<16xi1>
      %reduce_sum3A_1935 = tpu.scan <sum>, %add3A_1932 masked %reduce_sum3A_1934 : vector<16xf32>, vector<16xi1> -> vector<16xf32>
      %reduce_sum3A_1936 = vector.extract %reduce_sum3A_1935[15] : f32 from vector<16xf32>
      %eq3A_1937 = arith.constant 13 : i32
      %eq3A_1938 = vector.broadcast %eq3A_1937 : i32 to vector<16xi32>
      %eq3A_1939 = arith.cmpi eq, %iota3A, %eq3A_1938 : vector<16xi32>
      %broadcast_in_dim3A_1940 = vector.broadcast %reduce_sum3A_1936 : f32 to vector<16xf32>
      %select_n3A_1941 = arith.select %eq3A_1939, %broadcast_in_dim3A_1940, %select_n3A_1807 : vector<16xi1>, vector<16xf32>
      %slice3A_1942 = vector.extract_strided_slice %get3A_1813 {offsets = [1], sizes = [1], strides = [1]} : vector<16xi32> to vector<1xi32>
      %squeeze3A_1943 = vector.extract %slice3A_1942[0] : i32 from vector<1xi32>
      %slice3A_1944 = vector.extract_strided_slice %get3A_1819 {offsets = [1], sizes = [1], strides = [1]} : vector<16xi32> to vector<1xi32>
      %squeeze3A_1945 = vector.extract %slice3A_1944[0] : i32 from vector<1xi32>
      %shift_right_arithmetic3A_1946 = arith.constant 7 : i32
      %shift_right_arithmetic3A_1947 = arith.shrsi %squeeze3A_1943, %shift_right_arithmetic3A_1946 : i32
      %shift_left3A_1948 = arith.constant 7 : i32
      %shift_left3A_1949 = arith.shli %shift_right_arithmetic3A_1947, %shift_left3A_1948 : i32
      %multiple_of3A_1950 = tpu.assume_multiple %shift_left3A_1949, 128 : i32
      %shift_right_arithmetic3A_1951 = arith.constant 7 : i32
      %shift_right_arithmetic3A_1952 = arith.shrsi %squeeze3A_1945, %shift_right_arithmetic3A_1951 : i32
      %shift_left3A_1953 = arith.constant 7 : i32
      %shift_left3A_1954 = arith.shli %shift_right_arithmetic3A_1952, %shift_left3A_1953 : i32
      %multiple_of3A_1955 = tpu.assume_multiple %shift_left3A_1954, 128 : i32
      %dma_start3A_1956 = arith.constant 1 : i32
      %dma_start3A_1957 = arith.constant 0 : i32
      %dma_start3A_1958 = arith.constant 0 : i32
      %dma_start3A_1959 = tpu.memref_slice %arg8[%dma_start3A_1956, %dma_start3A_1957, %dma_start3A_1958] : memref<4x32x128xf32, #tpu.memory_space<vmem>> -> memref<1x32x128xf32, #tpu.memory_space<vmem>>
      %dma_start3A_1960 = tpu.memref_squeeze %dma_start3A_1959 : memref<1x32x128xf32, #tpu.memory_space<vmem>> -> memref<32x128xf32, #tpu.memory_space<vmem>>
      %dma_start3A_1961 = arith.constant 0 : i32
      %dma_start3A_1962 = tpu.memref_slice %arg3[%dma_start3A_1961, %multiple_of3A_1950] : memref<32x1000000xf32, #tpu.memory_space<hbm>> -> memref<32x128xf32, #tpu.memory_space<hbm>>
      %dma_start3A_1963 = arith.constant 0 : i32
      %dma_start3A_1964 = arith.constant 0 : i32
      %dma_start3A_1965 = tpu.memref_slice %arg8[%dma_start3A_1956, %dma_start3A_1963, %dma_start3A_1964] : memref<4x32x128xf32, #tpu.memory_space<vmem>> -> memref<1x32x128xf32, #tpu.memory_space<vmem>>
      %dma_start3A_1966 = tpu.memref_squeeze %dma_start3A_1965 : memref<1x32x128xf32, #tpu.memory_space<vmem>> -> memref<32x128xf32, #tpu.memory_space<vmem>>
      %dma_start3A_1967 = arith.constant 0 : i32
      %dma_start3A_1968 = tpu.memref_slice %arg3[%dma_start3A_1967, %multiple_of3A_1950] : memref<32x1000000xf32, #tpu.memory_space<hbm>> -> memref<32x128xf32, #tpu.memory_space<hbm>>
      tpu.enqueue_dma source(%dma_start3A_1968 : memref<32x128xf32, #tpu.memory_space<hbm>>) target(%dma_start3A_1966 : memref<32x128xf32, #tpu.memory_space<vmem>>) target_semaphore(%arg12 : memref<!tpu.dma_semaphore, #tpu.memory_space<semaphore_mem>>)
      %dma_start3A_1969 = arith.constant 1 : i32
      %dma_start3A_1970 = arith.constant 0 : i32
      %dma_start3A_1971 = arith.constant 0 : i32
      %dma_start3A_1972 = tpu.memref_slice %arg9[%dma_start3A_1969, %dma_start3A_1970, %dma_start3A_1971] : memref<4x32x128xf32, #tpu.memory_space<vmem>> -> memref<1x32x128xf32, #tpu.memory_space<vmem>>
      %dma_start3A_1973 = tpu.memref_squeeze %dma_start3A_1972 : memref<1x32x128xf32, #tpu.memory_space<vmem>> -> memref<32x128xf32, #tpu.memory_space<vmem>>
      %dma_start3A_1974 = arith.constant 0 : i32
      %dma_start3A_1975 = tpu.memref_slice %arg4[%dma_start3A_1974, %multiple_of3A_1955] : memref<32x1000000xf32, #tpu.memory_space<hbm>> -> memref<32x128xf32, #tpu.memory_space<hbm>>
      %dma_start3A_1976 = arith.constant 0 : i32
      %dma_start3A_1977 = arith.constant 0 : i32
      %dma_start3A_1978 = tpu.memref_slice %arg9[%dma_start3A_1969, %dma_start3A_1976, %dma_start3A_1977] : memref<4x32x128xf32, #tpu.memory_space<vmem>> -> memref<1x32x128xf32, #tpu.memory_space<vmem>>
      %dma_start3A_1979 = tpu.memref_squeeze %dma_start3A_1978 : memref<1x32x128xf32, #tpu.memory_space<vmem>> -> memref<32x128xf32, #tpu.memory_space<vmem>>
      %dma_start3A_1980 = arith.constant 0 : i32
      %dma_start3A_1981 = tpu.memref_slice %arg4[%dma_start3A_1980, %multiple_of3A_1955] : memref<32x1000000xf32, #tpu.memory_space<hbm>> -> memref<32x128xf32, #tpu.memory_space<hbm>>
      tpu.enqueue_dma source(%dma_start3A_1981 : memref<32x128xf32, #tpu.memory_space<hbm>>) target(%dma_start3A_1979 : memref<32x128xf32, #tpu.memory_space<vmem>>) target_semaphore(%arg16 : memref<!tpu.dma_semaphore, #tpu.memory_space<semaphore_mem>>)
      %dma_wait3A_1982 = arith.constant 2 : i32
      %dma_wait3A_1983 = arith.constant 0 : i32
      %dma_wait3A_1984 = arith.constant 0 : i32
      %dma_wait3A_1985 = tpu.memref_slice %arg8[%dma_wait3A_1982, %dma_wait3A_1983, %dma_wait3A_1984] : memref<4x32x128xf32, #tpu.memory_space<vmem>> -> memref<1x32x128xf32, #tpu.memory_space<vmem>>
      %dma_wait3A_1986 = tpu.memref_squeeze %dma_wait3A_1985 : memref<1x32x128xf32, #tpu.memory_space<vmem>> -> memref<32x128xf32, #tpu.memory_space<vmem>>
      %dma_wait3A_1987 = arith.constant 0 : i32
      %dma_wait3A_1988 = arith.constant 0 : i32
      %dma_wait3A_1989 = tpu.memref_slice %arg3[%dma_wait3A_1987, %dma_wait3A_1988] : memref<32x1000000xf32, #tpu.memory_space<hbm>> -> memref<32x128xf32, #tpu.memory_space<hbm>>
      %dma_wait3A_1990 = arith.constant 0 : i32
      %dma_wait3A_1991 = arith.constant 0 : i32
      %dma_wait3A_1992 = tpu.memref_slice %arg8[%dma_wait3A_1982, %dma_wait3A_1990, %dma_wait3A_1991] : memref<4x32x128xf32, #tpu.memory_space<vmem>> -> memref<1x32x128xf32, #tpu.memory_space<vmem>>
      %dma_wait3A_1993 = tpu.memref_squeeze %dma_wait3A_1992 : memref<1x32x128xf32, #tpu.memory_space<vmem>> -> memref<32x128xf32, #tpu.memory_space<vmem>>
      %dma_wait3A_1994 = arith.constant 0 : i32
      %dma_wait3A_1995 = arith.constant 0 : i32
      %dma_wait3A_1996 = tpu.memref_slice %arg3[%dma_wait3A_1994, %dma_wait3A_1995] : memref<32x1000000xf32, #tpu.memory_space<hbm>> -> memref<32x128xf32, #tpu.memory_space<hbm>>
      tpu.wait_dma2 semaphore(%arg13 : memref<!tpu.dma_semaphore, #tpu.memory_space<semaphore_mem>>) src(%dma_wait3A_1996 : memref<32x128xf32, #tpu.memory_space<hbm>>) dst(%dma_wait3A_1993 : memref<32x128xf32, #tpu.memory_space<vmem>>)
      %dma_wait3A_1997 = arith.constant 2 : i32
      %dma_wait3A_1998 = arith.constant 0 : i32
      %dma_wait3A_1999 = arith.constant 0 : i32
      %dma_wait3A_2000 = tpu.memref_slice %arg9[%dma_wait3A_1997, %dma_wait3A_1998, %dma_wait3A_1999] : memref<4x32x128xf32, #tpu.memory_space<vmem>> -> memref<1x32x128xf32, #tpu.memory_space<vmem>>
      %dma_wait3A_2001 = tpu.memref_squeeze %dma_wait3A_2000 : memref<1x32x128xf32, #tpu.memory_space<vmem>> -> memref<32x128xf32, #tpu.memory_space<vmem>>
      %dma_wait3A_2002 = arith.constant 0 : i32
      %dma_wait3A_2003 = arith.constant 0 : i32
      %dma_wait3A_2004 = tpu.memref_slice %arg4[%dma_wait3A_2002, %dma_wait3A_2003] : memref<32x1000000xf32, #tpu.memory_space<hbm>> -> memref<32x128xf32, #tpu.memory_space<hbm>>
      %dma_wait3A_2005 = arith.constant 0 : i32
      %dma_wait3A_2006 = arith.constant 0 : i32
      %dma_wait3A_2007 = tpu.memref_slice %arg9[%dma_wait3A_1997, %dma_wait3A_2005, %dma_wait3A_2006] : memref<4x32x128xf32, #tpu.memory_space<vmem>> -> memref<1x32x128xf32, #tpu.memory_space<vmem>>
      %dma_wait3A_2008 = tpu.memref_squeeze %dma_wait3A_2007 : memref<1x32x128xf32, #tpu.memory_space<vmem>> -> memref<32x128xf32, #tpu.memory_space<vmem>>
      %dma_wait3A_2009 = arith.constant 0 : i32
      %dma_wait3A_2010 = arith.constant 0 : i32
      %dma_wait3A_2011 = tpu.memref_slice %arg4[%dma_wait3A_2009, %dma_wait3A_2010] : memref<32x1000000xf32, #tpu.memory_space<hbm>> -> memref<32x128xf32, #tpu.memory_space<hbm>>
      tpu.wait_dma2 semaphore(%arg17 : memref<!tpu.dma_semaphore, #tpu.memory_space<semaphore_mem>>) src(%dma_wait3A_2011 : memref<32x128xf32, #tpu.memory_space<hbm>>) dst(%dma_wait3A_2008 : memref<32x128xf32, #tpu.memory_space<vmem>>)
      %slice3A_2012 = vector.extract_strided_slice %scan3A_223 {offsets = [14], sizes = [1], strides = [1]} : vector<16xi32> to vector<1xi32>
      %squeeze3A_2013 = vector.extract %slice3A_2012[0] : i32 from vector<1xi32>
      %and3A_2014 = arith.constant 127 : i32
      %and3A_2015 = arith.andi %squeeze3A_2013, %and3A_2014 : i32
      %broadcast_in_dim3A_2016 = vector.broadcast %and3A_2015 : i32 to vector<16xi32>
      %slice3A_2017 = vector.extract_strided_slice %scan3A_224 {offsets = [14], sizes = [1], strides = [1]} : vector<16xi32> to vector<1xi32>
      %squeeze3A_2018 = vector.extract %slice3A_2017[0] : i32 from vector<1xi32>
      %and3A_2019 = arith.constant 127 : i32
      %and3A_2020 = arith.andi %squeeze3A_2018, %and3A_2019 : i32
      %broadcast_in_dim3A_2021 = vector.broadcast %and3A_2020 : i32 to vector<16xi32>
      %gather3A_2022 = arith.constant 2 : i32
      %gather3A_2023 = arith.constant 0 : i32
      %gather3A_2024 = arith.constant 0 : i32
      %gather3A_2025 = tpu.memref_slice %arg8[%gather3A_2022, %gather3A_2023, %gather3A_2024] : memref<4x32x128xf32, #tpu.memory_space<vmem>> -> memref<1x32x128xf32, #tpu.memory_space<vmem>>
      %gather3A_2026 = tpu.memref_squeeze %gather3A_2025 : memref<1x32x128xf32, #tpu.memory_space<vmem>> -> memref<32x128xf32, #tpu.memory_space<vmem>>
      %gather3A_2027 = tpu.vector_load_idx %gather3A_2026[%iota3A, %broadcast_in_dim3A_2016] : memref<32x128xf32, #tpu.memory_space<vmem>>[vector<16xi32>, vector<16xi32>], vector<16xf32>,
      %add3A_2028 = arith.constant 16 : i32
      %add3A_2029 = vector.broadcast %add3A_2028 : i32 to vector<16xi32>
      %add3A_2030 = arith.addi %iota3A, %add3A_2029 : vector<16xi32>
      %gather3A_2031 = arith.constant 2 : i32
      %gather3A_2032 = arith.constant 0 : i32
      %gather3A_2033 = arith.constant 0 : i32
      %gather3A_2034 = tpu.memref_slice %arg8[%gather3A_2031, %gather3A_2032, %gather3A_2033] : memref<4x32x128xf32, #tpu.memory_space<vmem>> -> memref<1x32x128xf32, #tpu.memory_space<vmem>>
      %gather3A_2035 = tpu.memref_squeeze %gather3A_2034 : memref<1x32x128xf32, #tpu.memory_space<vmem>> -> memref<32x128xf32, #tpu.memory_space<vmem>>
      %gather3A_2036 = tpu.vector_load_idx %gather3A_2035[%add3A_2030, %broadcast_in_dim3A_2016] : memref<32x128xf32, #tpu.memory_space<vmem>>[vector<16xi32>, vector<16xi32>], vector<16xf32>,
      %gather3A_2037 = arith.constant 2 : i32
      %gather3A_2038 = arith.constant 0 : i32
      %gather3A_2039 = arith.constant 0 : i32
      %gather3A_2040 = tpu.memref_slice %arg9[%gather3A_2037, %gather3A_2038, %gather3A_2039] : memref<4x32x128xf32, #tpu.memory_space<vmem>> -> memref<1x32x128xf32, #tpu.memory_space<vmem>>
      %gather3A_2041 = tpu.memref_squeeze %gather3A_2040 : memref<1x32x128xf32, #tpu.memory_space<vmem>> -> memref<32x128xf32, #tpu.memory_space<vmem>>
      %gather3A_2042 = tpu.vector_load_idx %gather3A_2041[%iota3A, %broadcast_in_dim3A_2021] : memref<32x128xf32, #tpu.memory_space<vmem>>[vector<16xi32>, vector<16xi32>], vector<16xf32>,
      %add3A_2043 = arith.constant 16 : i32
      %add3A_2044 = vector.broadcast %add3A_2043 : i32 to vector<16xi32>
      %add3A_2045 = arith.addi %iota3A, %add3A_2044 : vector<16xi32>
      %gather3A_2046 = arith.constant 2 : i32
      %gather3A_2047 = arith.constant 0 : i32
      %gather3A_2048 = arith.constant 0 : i32
      %gather3A_2049 = tpu.memref_slice %arg9[%gather3A_2046, %gather3A_2047, %gather3A_2048] : memref<4x32x128xf32, #tpu.memory_space<vmem>> -> memref<1x32x128xf32, #tpu.memory_space<vmem>>
      %gather3A_2050 = tpu.memref_squeeze %gather3A_2049 : memref<1x32x128xf32, #tpu.memory_space<vmem>> -> memref<32x128xf32, #tpu.memory_space<vmem>>
      %gather3A_2051 = tpu.vector_load_idx %gather3A_2050[%add3A_2045, %broadcast_in_dim3A_2021] : memref<32x128xf32, #tpu.memory_space<vmem>>[vector<16xi32>, vector<16xi32>], vector<16xf32>,
      %mul3A_2052 = arith.mulf %gather3A_2027, %gather3A_2042 : vector<16xf32>
      %mul3A_2053 = arith.mulf %gather3A_2036, %gather3A_2051 : vector<16xf32>
      %add3A_2054 = arith.addf %mul3A_2052, %mul3A_2053 : vector<16xf32>
      %reduce_sum3A_2055 = arith.constant true
      %reduce_sum3A_2056 = vector.broadcast %reduce_sum3A_2055 : i1 to vector<16xi1>
      %reduce_sum3A_2057 = tpu.scan <sum>, %add3A_2054 masked %reduce_sum3A_2056 : vector<16xf32>, vector<16xi1> -> vector<16xf32>
      %reduce_sum3A_2058 = vector.extract %reduce_sum3A_2057[15] : f32 from vector<16xf32>
      %eq3A_2059 = arith.constant 14 : i32
      %eq3A_2060 = vector.broadcast %eq3A_2059 : i32 to vector<16xi32>
      %eq3A_2061 = arith.cmpi eq, %iota3A, %eq3A_2060 : vector<16xi32>
      %broadcast_in_dim3A_2062 = vector.broadcast %reduce_sum3A_2058 : f32 to vector<16xf32>
      %select_n3A_2063 = arith.select %eq3A_2061, %broadcast_in_dim3A_2062, %select_n3A_1941 : vector<16xi1>, vector<16xf32>
      %slice3A_2064 = vector.extract_strided_slice %get3A_1813 {offsets = [2], sizes = [1], strides = [1]} : vector<16xi32> to vector<1xi32>
      %squeeze3A_2065 = vector.extract %slice3A_2064[0] : i32 from vector<1xi32>
      %slice3A_2066 = vector.extract_strided_slice %get3A_1819 {offsets = [2], sizes = [1], strides = [1]} : vector<16xi32> to vector<1xi32>
      %squeeze3A_2067 = vector.extract %slice3A_2066[0] : i32 from vector<1xi32>
      %shift_right_arithmetic3A_2068 = arith.constant 7 : i32
      %shift_right_arithmetic3A_2069 = arith.shrsi %squeeze3A_2065, %shift_right_arithmetic3A_2068 : i32
      %shift_left3A_2070 = arith.constant 7 : i32
      %shift_left3A_2071 = arith.shli %shift_right_arithmetic3A_2069, %shift_left3A_2070 : i32
      %multiple_of3A_2072 = tpu.assume_multiple %shift_left3A_2071, 128 : i32
      %shift_right_arithmetic3A_2073 = arith.constant 7 : i32
      %shift_right_arithmetic3A_2074 = arith.shrsi %squeeze3A_2067, %shift_right_arithmetic3A_2073 : i32
      %shift_left3A_2075 = arith.constant 7 : i32
      %shift_left3A_2076 = arith.shli %shift_right_arithmetic3A_2074, %shift_left3A_2075 : i32
      %multiple_of3A_2077 = tpu.assume_multiple %shift_left3A_2076, 128 : i32
      %dma_start3A_2078 = arith.constant 2 : i32
      %dma_start3A_2079 = arith.constant 0 : i32
      %dma_start3A_2080 = arith.constant 0 : i32
      %dma_start3A_2081 = tpu.memref_slice %arg8[%dma_start3A_2078, %dma_start3A_2079, %dma_start3A_2080] : memref<4x32x128xf32, #tpu.memory_space<vmem>> -> memref<1x32x128xf32, #tpu.memory_space<vmem>>
      %dma_start3A_2082 = tpu.memref_squeeze %dma_start3A_2081 : memref<1x32x128xf32, #tpu.memory_space<vmem>> -> memref<32x128xf32, #tpu.memory_space<vmem>>
      %dma_start3A_2083 = arith.constant 0 : i32
      %dma_start3A_2084 = tpu.memref_slice %arg3[%dma_start3A_2083, %multiple_of3A_2072] : memref<32x1000000xf32, #tpu.memory_space<hbm>> -> memref<32x128xf32, #tpu.memory_space<hbm>>
      %dma_start3A_2085 = arith.constant 0 : i32
      %dma_start3A_2086 = arith.constant 0 : i32
      %dma_start3A_2087 = tpu.memref_slice %arg8[%dma_start3A_2078, %dma_start3A_2085, %dma_start3A_2086] : memref<4x32x128xf32, #tpu.memory_space<vmem>> -> memref<1x32x128xf32, #tpu.memory_space<vmem>>
      %dma_start3A_2088 = tpu.memref_squeeze %dma_start3A_2087 : memref<1x32x128xf32, #tpu.memory_space<vmem>> -> memref<32x128xf32, #tpu.memory_space<vmem>>
      %dma_start3A_2089 = arith.constant 0 : i32
      %dma_start3A_2090 = tpu.memref_slice %arg3[%dma_start3A_2089, %multiple_of3A_2072] : memref<32x1000000xf32, #tpu.memory_space<hbm>> -> memref<32x128xf32, #tpu.memory_space<hbm>>
      tpu.enqueue_dma source(%dma_start3A_2090 : memref<32x128xf32, #tpu.memory_space<hbm>>) target(%dma_start3A_2088 : memref<32x128xf32, #tpu.memory_space<vmem>>) target_semaphore(%arg13 : memref<!tpu.dma_semaphore, #tpu.memory_space<semaphore_mem>>)
      %dma_start3A_2091 = arith.constant 2 : i32
      %dma_start3A_2092 = arith.constant 0 : i32
      %dma_start3A_2093 = arith.constant 0 : i32
      %dma_start3A_2094 = tpu.memref_slice %arg9[%dma_start3A_2091, %dma_start3A_2092, %dma_start3A_2093] : memref<4x32x128xf32, #tpu.memory_space<vmem>> -> memref<1x32x128xf32, #tpu.memory_space<vmem>>
      %dma_start3A_2095 = tpu.memref_squeeze %dma_start3A_2094 : memref<1x32x128xf32, #tpu.memory_space<vmem>> -> memref<32x128xf32, #tpu.memory_space<vmem>>
      %dma_start3A_2096 = arith.constant 0 : i32
      %dma_start3A_2097 = tpu.memref_slice %arg4[%dma_start3A_2096, %multiple_of3A_2077] : memref<32x1000000xf32, #tpu.memory_space<hbm>> -> memref<32x128xf32, #tpu.memory_space<hbm>>
      %dma_start3A_2098 = arith.constant 0 : i32
      %dma_start3A_2099 = arith.constant 0 : i32
      %dma_start3A_2100 = tpu.memref_slice %arg9[%dma_start3A_2091, %dma_start3A_2098, %dma_start3A_2099] : memref<4x32x128xf32, #tpu.memory_space<vmem>> -> memref<1x32x128xf32, #tpu.memory_space<vmem>>
      %dma_start3A_2101 = tpu.memref_squeeze %dma_start3A_2100 : memref<1x32x128xf32, #tpu.memory_space<vmem>> -> memref<32x128xf32, #tpu.memory_space<vmem>>
      %dma_start3A_2102 = arith.constant 0 : i32
      %dma_start3A_2103 = tpu.memref_slice %arg4[%dma_start3A_2102, %multiple_of3A_2077] : memref<32x1000000xf32, #tpu.memory_space<hbm>> -> memref<32x128xf32, #tpu.memory_space<hbm>>
      tpu.enqueue_dma source(%dma_start3A_2103 : memref<32x128xf32, #tpu.memory_space<hbm>>) target(%dma_start3A_2101 : memref<32x128xf32, #tpu.memory_space<vmem>>) target_semaphore(%arg17 : memref<!tpu.dma_semaphore, #tpu.memory_space<semaphore_mem>>)
      %dma_wait3A_2104 = arith.constant 3 : i32
      %dma_wait3A_2105 = arith.constant 0 : i32
      %dma_wait3A_2106 = arith.constant 0 : i32
      %dma_wait3A_2107 = tpu.memref_slice %arg8[%dma_wait3A_2104, %dma_wait3A_2105, %dma_wait3A_2106] : memref<4x32x128xf32, #tpu.memory_space<vmem>> -> memref<1x32x128xf32, #tpu.memory_space<vmem>>
      %dma_wait3A_2108 = tpu.memref_squeeze %dma_wait3A_2107 : memref<1x32x128xf32, #tpu.memory_space<vmem>> -> memref<32x128xf32, #tpu.memory_space<vmem>>
      %dma_wait3A_2109 = arith.constant 0 : i32
      %dma_wait3A_2110 = arith.constant 0 : i32
      %dma_wait3A_2111 = tpu.memref_slice %arg3[%dma_wait3A_2109, %dma_wait3A_2110] : memref<32x1000000xf32, #tpu.memory_space<hbm>> -> memref<32x128xf32, #tpu.memory_space<hbm>>
      %dma_wait3A_2112 = arith.constant 0 : i32
      %dma_wait3A_2113 = arith.constant 0 : i32
      %dma_wait3A_2114 = tpu.memref_slice %arg8[%dma_wait3A_2104, %dma_wait3A_2112, %dma_wait3A_2113] : memref<4x32x128xf32, #tpu.memory_space<vmem>> -> memref<1x32x128xf32, #tpu.memory_space<vmem>>
      %dma_wait3A_2115 = tpu.memref_squeeze %dma_wait3A_2114 : memref<1x32x128xf32, #tpu.memory_space<vmem>> -> memref<32x128xf32, #tpu.memory_space<vmem>>
      %dma_wait3A_2116 = arith.constant 0 : i32
      %dma_wait3A_2117 = arith.constant 0 : i32
      %dma_wait3A_2118 = tpu.memref_slice %arg3[%dma_wait3A_2116, %dma_wait3A_2117] : memref<32x1000000xf32, #tpu.memory_space<hbm>> -> memref<32x128xf32, #tpu.memory_space<hbm>>
      tpu.wait_dma2 semaphore(%arg14 : memref<!tpu.dma_semaphore, #tpu.memory_space<semaphore_mem>>) src(%dma_wait3A_2118 : memref<32x128xf32, #tpu.memory_space<hbm>>) dst(%dma_wait3A_2115 : memref<32x128xf32, #tpu.memory_space<vmem>>)
      %dma_wait3A_2119 = arith.constant 3 : i32
      %dma_wait3A_2120 = arith.constant 0 : i32
      %dma_wait3A_2121 = arith.constant 0 : i32
      %dma_wait3A_2122 = tpu.memref_slice %arg9[%dma_wait3A_2119, %dma_wait3A_2120, %dma_wait3A_2121] : memref<4x32x128xf32, #tpu.memory_space<vmem>> -> memref<1x32x128xf32, #tpu.memory_space<vmem>>
      %dma_wait3A_2123 = tpu.memref_squeeze %dma_wait3A_2122 : memref<1x32x128xf32, #tpu.memory_space<vmem>> -> memref<32x128xf32, #tpu.memory_space<vmem>>
      %dma_wait3A_2124 = arith.constant 0 : i32
      %dma_wait3A_2125 = arith.constant 0 : i32
      %dma_wait3A_2126 = tpu.memref_slice %arg4[%dma_wait3A_2124, %dma_wait3A_2125] : memref<32x1000000xf32, #tpu.memory_space<hbm>> -> memref<32x128xf32, #tpu.memory_space<hbm>>
      %dma_wait3A_2127 = arith.constant 0 : i32
      %dma_wait3A_2128 = arith.constant 0 : i32
      %dma_wait3A_2129 = tpu.memref_slice %arg9[%dma_wait3A_2119, %dma_wait3A_2127, %dma_wait3A_2128] : memref<4x32x128xf32, #tpu.memory_space<vmem>> -> memref<1x32x128xf32, #tpu.memory_space<vmem>>
      %dma_wait3A_2130 = tpu.memref_squeeze %dma_wait3A_2129 : memref<1x32x128xf32, #tpu.memory_space<vmem>> -> memref<32x128xf32, #tpu.memory_space<vmem>>
      %dma_wait3A_2131 = arith.constant 0 : i32
      %dma_wait3A_2132 = arith.constant 0 : i32
      %dma_wait3A_2133 = tpu.memref_slice %arg4[%dma_wait3A_2131, %dma_wait3A_2132] : memref<32x1000000xf32, #tpu.memory_space<hbm>> -> memref<32x128xf32, #tpu.memory_space<hbm>>
      tpu.wait_dma2 semaphore(%arg18 : memref<!tpu.dma_semaphore, #tpu.memory_space<semaphore_mem>>) src(%dma_wait3A_2133 : memref<32x128xf32, #tpu.memory_space<hbm>>) dst(%dma_wait3A_2130 : memref<32x128xf32, #tpu.memory_space<vmem>>)
      %slice3A_2134 = vector.extract_strided_slice %scan3A_223 {offsets = [15], sizes = [1], strides = [1]} : vector<16xi32> to vector<1xi32>
      %squeeze3A_2135 = vector.extract %slice3A_2134[0] : i32 from vector<1xi32>
      %and3A_2136 = arith.constant 127 : i32
      %and3A_2137 = arith.andi %squeeze3A_2135, %and3A_2136 : i32
      %broadcast_in_dim3A_2138 = vector.broadcast %and3A_2137 : i32 to vector<16xi32>
      %slice3A_2139 = vector.extract_strided_slice %scan3A_224 {offsets = [15], sizes = [1], strides = [1]} : vector<16xi32> to vector<1xi32>
      %squeeze3A_2140 = vector.extract %slice3A_2139[0] : i32 from vector<1xi32>
      %and3A_2141 = arith.constant 127 : i32
      %and3A_2142 = arith.andi %squeeze3A_2140, %and3A_2141 : i32
      %broadcast_in_dim3A_2143 = vector.broadcast %and3A_2142 : i32 to vector<16xi32>
      %gather3A_2144 = arith.constant 3 : i32
      %gather3A_2145 = arith.constant 0 : i32
      %gather3A_2146 = arith.constant 0 : i32
      %gather3A_2147 = tpu.memref_slice %arg8[%gather3A_2144, %gather3A_2145, %gather3A_2146] : memref<4x32x128xf32, #tpu.memory_space<vmem>> -> memref<1x32x128xf32, #tpu.memory_space<vmem>>
      %gather3A_2148 = tpu.memref_squeeze %gather3A_2147 : memref<1x32x128xf32, #tpu.memory_space<vmem>> -> memref<32x128xf32, #tpu.memory_space<vmem>>
      %gather3A_2149 = tpu.vector_load_idx %gather3A_2148[%iota3A, %broadcast_in_dim3A_2138] : memref<32x128xf32, #tpu.memory_space<vmem>>[vector<16xi32>, vector<16xi32>], vector<16xf32>,
      %add3A_2150 = arith.constant 16 : i32
      %add3A_2151 = vector.broadcast %add3A_2150 : i32 to vector<16xi32>
      %add3A_2152 = arith.addi %iota3A, %add3A_2151 : vector<16xi32>
      %gather3A_2153 = arith.constant 3 : i32
      %gather3A_2154 = arith.constant 0 : i32
      %gather3A_2155 = arith.constant 0 : i32
      %gather3A_2156 = tpu.memref_slice %arg8[%gather3A_2153, %gather3A_2154, %gather3A_2155] : memref<4x32x128xf32, #tpu.memory_space<vmem>> -> memref<1x32x128xf32, #tpu.memory_space<vmem>>
      %gather3A_2157 = tpu.memref_squeeze %gather3A_2156 : memref<1x32x128xf32, #tpu.memory_space<vmem>> -> memref<32x128xf32, #tpu.memory_space<vmem>>
      %gather3A_2158 = tpu.vector_load_idx %gather3A_2157[%add3A_2152, %broadcast_in_dim3A_2138] : memref<32x128xf32, #tpu.memory_space<vmem>>[vector<16xi32>, vector<16xi32>], vector<16xf32>,
      %gather3A_2159 = arith.constant 3 : i32
      %gather3A_2160 = arith.constant 0 : i32
      %gather3A_2161 = arith.constant 0 : i32
      %gather3A_2162 = tpu.memref_slice %arg9[%gather3A_2159, %gather3A_2160, %gather3A_2161] : memref<4x32x128xf32, #tpu.memory_space<vmem>> -> memref<1x32x128xf32, #tpu.memory_space<vmem>>
      %gather3A_2163 = tpu.memref_squeeze %gather3A_2162 : memref<1x32x128xf32, #tpu.memory_space<vmem>> -> memref<32x128xf32, #tpu.memory_space<vmem>>
      %gather3A_2164 = tpu.vector_load_idx %gather3A_2163[%iota3A, %broadcast_in_dim3A_2143] : memref<32x128xf32, #tpu.memory_space<vmem>>[vector<16xi32>, vector<16xi32>], vector<16xf32>,
      %add3A_2165 = arith.constant 16 : i32
      %add3A_2166 = vector.broadcast %add3A_2165 : i32 to vector<16xi32>
      %add3A_2167 = arith.addi %iota3A, %add3A_2166 : vector<16xi32>
      %gather3A_2168 = arith.constant 3 : i32
      %gather3A_2169 = arith.constant 0 : i32
      %gather3A_2170 = arith.constant 0 : i32
      %gather3A_2171 = tpu.memref_slice %arg9[%gather3A_2168, %gather3A_2169, %gather3A_2170] : memref<4x32x128xf32, #tpu.memory_space<vmem>> -> memref<1x32x128xf32, #tpu.memory_space<vmem>>
      %gather3A_2172 = tpu.memref_squeeze %gather3A_2171 : memref<1x32x128xf32, #tpu.memory_space<vmem>> -> memref<32x128xf32, #tpu.memory_space<vmem>>
      %gather3A_2173 = tpu.vector_load_idx %gather3A_2172[%add3A_2167, %broadcast_in_dim3A_2143] : memref<32x128xf32, #tpu.memory_space<vmem>>[vector<16xi32>, vector<16xi32>], vector<16xf32>,
      %mul3A_2174 = arith.mulf %gather3A_2149, %gather3A_2164 : vector<16xf32>
      %mul3A_2175 = arith.mulf %gather3A_2158, %gather3A_2173 : vector<16xf32>
      %add3A_2176 = arith.addf %mul3A_2174, %mul3A_2175 : vector<16xf32>
      %reduce_sum3A_2177 = arith.constant true
      %reduce_sum3A_2178 = vector.broadcast %reduce_sum3A_2177 : i1 to vector<16xi1>
      %reduce_sum3A_2179 = tpu.scan <sum>, %add3A_2176 masked %reduce_sum3A_2178 : vector<16xf32>, vector<16xi1> -> vector<16xf32>
      %reduce_sum3A_2180 = vector.extract %reduce_sum3A_2179[15] : f32 from vector<16xf32>
      %eq3A_2181 = arith.constant 15 : i32
      %eq3A_2182 = vector.broadcast %eq3A_2181 : i32 to vector<16xi32>
      %eq3A_2183 = arith.cmpi eq, %iota3A, %eq3A_2182 : vector<16xi32>
      %broadcast_in_dim3A_2184 = vector.broadcast %reduce_sum3A_2180 : f32 to vector<16xf32>
      %select_n3A_2185 = arith.select %eq3A_2183, %broadcast_in_dim3A_2184, %select_n3A_2063 : vector<16xi1>, vector<16xf32>
      %mul3A_2186 = arith.constant 16 : i32
      %mul3A_2187 = arith.muli %scan3A_222, %mul3A_2186 : i32
      %swap3A_2188 = arith.index_cast %mul3A_2187 : i32 to index
      %swap3A_2189 = tpu.vector_load %arg10[%swap3A_2188] {strides = array<i32>} : memref<512xf32, #tpu.memory_space<vmem>>, vector<16xf32>,
      tpu.vector_store %arg10[%swap3A_2188], %select_n3A_2185 {strides = array<i32>} : memref<512xf32, #tpu.memory_space<vmem>>, vector<16xf32>,
      scf.yield %get3A_1813, %get3A_1819 : vector<16xi32>, vector<16xi32>
    }
    %scan3A_132 = arith.constant 32 : i32
    %dma_wait3A = arith.constant 0 : i32
    %dma_wait3A_133 = arith.constant 0 : i32
    %dma_wait3A_134 = arith.constant 0 : i32
    %dma_wait3A_135 = tpu.memref_slice %arg8[%dma_wait3A, %dma_wait3A_133, %dma_wait3A_134] : memref<4x32x128xf32, #tpu.memory_space<vmem>> -> memref<1x32x128xf32, #tpu.memory_space<vmem>>
    %dma_wait3A_136 = tpu.memref_squeeze %dma_wait3A_135 : memref<1x32x128xf32, #tpu.memory_space<vmem>> -> memref<32x128xf32, #tpu.memory_space<vmem>>
    %dma_wait3A_137 = arith.constant 0 : i32
    %dma_wait3A_138 = arith.constant 0 : i32
    %dma_wait3A_139 = tpu.memref_slice %arg3[%dma_wait3A_137, %dma_wait3A_138] : memref<32x1000000xf32, #tpu.memory_space<hbm>> -> memref<32x128xf32, #tpu.memory_space<hbm>>
    %dma_wait3A_140 = arith.constant 0 : i32
    %dma_wait3A_141 = arith.constant 0 : i32
    %dma_wait3A_142 = tpu.memref_slice %arg8[%dma_wait3A, %dma_wait3A_140, %dma_wait3A_141] : memref<4x32x128xf32, #tpu.memory_space<vmem>> -> memref<1x32x128xf32, #tpu.memory_space<vmem>>
    %dma_wait3A_143 = tpu.memref_squeeze %dma_wait3A_142 : memref<1x32x128xf32, #tpu.memory_space<vmem>> -> memref<32x128xf32, #tpu.memory_space<vmem>>
    %dma_wait3A_144 = arith.constant 0 : i32
    %dma_wait3A_145 = arith.constant 0 : i32
    %dma_wait3A_146 = tpu.memref_slice %arg3[%dma_wait3A_144, %dma_wait3A_145] : memref<32x1000000xf32, #tpu.memory_space<hbm>> -> memref<32x128xf32, #tpu.memory_space<hbm>>
    tpu.wait_dma2 semaphore(%arg11 : memref<!tpu.dma_semaphore, #tpu.memory_space<semaphore_mem>>) src(%dma_wait3A_146 : memref<32x128xf32, #tpu.memory_space<hbm>>) dst(%dma_wait3A_143 : memref<32x128xf32, #tpu.memory_space<vmem>>)
    %dma_wait3A_147 = arith.constant 0 : i32
    %dma_wait3A_148 = arith.constant 0 : i32
    %dma_wait3A_149 = arith.constant 0 : i32
    %dma_wait3A_150 = tpu.memref_slice %arg9[%dma_wait3A_147, %dma_wait3A_148, %dma_wait3A_149] : memref<4x32x128xf32, #tpu.memory_space<vmem>> -> memref<1x32x128xf32, #tpu.memory_space<vmem>>
    %dma_wait3A_151 = tpu.memref_squeeze %dma_wait3A_150 : memref<1x32x128xf32, #tpu.memory_space<vmem>> -> memref<32x128xf32, #tpu.memory_space<vmem>>
    %dma_wait3A_152 = arith.constant 0 : i32
    %dma_wait3A_153 = arith.constant 0 : i32
    %dma_wait3A_154 = tpu.memref_slice %arg4[%dma_wait3A_152, %dma_wait3A_153] : memref<32x1000000xf32, #tpu.memory_space<hbm>> -> memref<32x128xf32, #tpu.memory_space<hbm>>
    %dma_wait3A_155 = arith.constant 0 : i32
    %dma_wait3A_156 = arith.constant 0 : i32
    %dma_wait3A_157 = tpu.memref_slice %arg9[%dma_wait3A_147, %dma_wait3A_155, %dma_wait3A_156] : memref<4x32x128xf32, #tpu.memory_space<vmem>> -> memref<1x32x128xf32, #tpu.memory_space<vmem>>
    %dma_wait3A_158 = tpu.memref_squeeze %dma_wait3A_157 : memref<1x32x128xf32, #tpu.memory_space<vmem>> -> memref<32x128xf32, #tpu.memory_space<vmem>>
    %dma_wait3A_159 = arith.constant 0 : i32
    %dma_wait3A_160 = arith.constant 0 : i32
    %dma_wait3A_161 = tpu.memref_slice %arg4[%dma_wait3A_159, %dma_wait3A_160] : memref<32x1000000xf32, #tpu.memory_space<hbm>> -> memref<32x128xf32, #tpu.memory_space<hbm>>
    tpu.wait_dma2 semaphore(%arg15 : memref<!tpu.dma_semaphore, #tpu.memory_space<semaphore_mem>>) src(%dma_wait3A_161 : memref<32x128xf32, #tpu.memory_space<hbm>>) dst(%dma_wait3A_158 : memref<32x128xf32, #tpu.memory_space<vmem>>)
    %dma_wait3A_162 = arith.constant 1 : i32
    %dma_wait3A_163 = arith.constant 0 : i32
    %dma_wait3A_164 = arith.constant 0 : i32
    %dma_wait3A_165 = tpu.memref_slice %arg8[%dma_wait3A_162, %dma_wait3A_163, %dma_wait3A_164] : memref<4x32x128xf32, #tpu.memory_space<vmem>> -> memref<1x32x128xf32, #tpu.memory_space<vmem>>
    %dma_wait3A_166 = tpu.memref_squeeze %dma_wait3A_165 : memref<1x32x128xf32, #tpu.memory_space<vmem>> -> memref<32x128xf32, #tpu.memory_space<vmem>>
    %dma_wait3A_167 = arith.constant 0 : i32
    %dma_wait3A_168 = arith.constant 0 : i32
    %dma_wait3A_169 = tpu.memref_slice %arg3[%dma_wait3A_167, %dma_wait3A_168] : memref<32x1000000xf32, #tpu.memory_space<hbm>> -> memref<32x128xf32, #tpu.memory_space<hbm>>
    %dma_wait3A_170 = arith.constant 0 : i32
    %dma_wait3A_171 = arith.constant 0 : i32
    %dma_wait3A_172 = tpu.memref_slice %arg8[%dma_wait3A_162, %dma_wait3A_170, %dma_wait3A_171] : memref<4x32x128xf32, #tpu.memory_space<vmem>> -> memref<1x32x128xf32, #tpu.memory_space<vmem>>
    %dma_wait3A_173 = tpu.memref_squeeze %dma_wait3A_172 : memref<1x32x128xf32, #tpu.memory_space<vmem>> -> memref<32x128xf32, #tpu.memory_space<vmem>>
    %dma_wait3A_174 = arith.constant 0 : i32
    %dma_wait3A_175 = arith.constant 0 : i32
    %dma_wait3A_176 = tpu.memref_slice %arg3[%dma_wait3A_174, %dma_wait3A_175] : memref<32x1000000xf32, #tpu.memory_space<hbm>> -> memref<32x128xf32, #tpu.memory_space<hbm>>
    tpu.wait_dma2 semaphore(%arg12 : memref<!tpu.dma_semaphore, #tpu.memory_space<semaphore_mem>>) src(%dma_wait3A_176 : memref<32x128xf32, #tpu.memory_space<hbm>>) dst(%dma_wait3A_173 : memref<32x128xf32, #tpu.memory_space<vmem>>)
    %dma_wait3A_177 = arith.constant 1 : i32
    %dma_wait3A_178 = arith.constant 0 : i32
    %dma_wait3A_179 = arith.constant 0 : i32
    %dma_wait3A_180 = tpu.memref_slice %arg9[%dma_wait3A_177, %dma_wait3A_178, %dma_wait3A_179] : memref<4x32x128xf32, #tpu.memory_space<vmem>> -> memref<1x32x128xf32, #tpu.memory_space<vmem>>
    %dma_wait3A_181 = tpu.memref_squeeze %dma_wait3A_180 : memref<1x32x128xf32, #tpu.memory_space<vmem>> -> memref<32x128xf32, #tpu.memory_space<vmem>>
    %dma_wait3A_182 = arith.constant 0 : i32
    %dma_wait3A_183 = arith.constant 0 : i32
    %dma_wait3A_184 = tpu.memref_slice %arg4[%dma_wait3A_182, %dma_wait3A_183] : memref<32x1000000xf32, #tpu.memory_space<hbm>> -> memref<32x128xf32, #tpu.memory_space<hbm>>
    %dma_wait3A_185 = arith.constant 0 : i32
    %dma_wait3A_186 = arith.constant 0 : i32
    %dma_wait3A_187 = tpu.memref_slice %arg9[%dma_wait3A_177, %dma_wait3A_185, %dma_wait3A_186] : memref<4x32x128xf32, #tpu.memory_space<vmem>> -> memref<1x32x128xf32, #tpu.memory_space<vmem>>
    %dma_wait3A_188 = tpu.memref_squeeze %dma_wait3A_187 : memref<1x32x128xf32, #tpu.memory_space<vmem>> -> memref<32x128xf32, #tpu.memory_space<vmem>>
    %dma_wait3A_189 = arith.constant 0 : i32
    %dma_wait3A_190 = arith.constant 0 : i32
    %dma_wait3A_191 = tpu.memref_slice %arg4[%dma_wait3A_189, %dma_wait3A_190] : memref<32x1000000xf32, #tpu.memory_space<hbm>> -> memref<32x128xf32, #tpu.memory_space<hbm>>
    tpu.wait_dma2 semaphore(%arg16 : memref<!tpu.dma_semaphore, #tpu.memory_space<semaphore_mem>>) src(%dma_wait3A_191 : memref<32x128xf32, #tpu.memory_space<hbm>>) dst(%dma_wait3A_188 : memref<32x128xf32, #tpu.memory_space<vmem>>)
    %dma_wait3A_192 = arith.constant 2 : i32
    %dma_wait3A_193 = arith.constant 0 : i32
    %dma_wait3A_194 = arith.constant 0 : i32
    %dma_wait3A_195 = tpu.memref_slice %arg8[%dma_wait3A_192, %dma_wait3A_193, %dma_wait3A_194] : memref<4x32x128xf32, #tpu.memory_space<vmem>> -> memref<1x32x128xf32, #tpu.memory_space<vmem>>
    %dma_wait3A_196 = tpu.memref_squeeze %dma_wait3A_195 : memref<1x32x128xf32, #tpu.memory_space<vmem>> -> memref<32x128xf32, #tpu.memory_space<vmem>>
    %dma_wait3A_197 = arith.constant 0 : i32
    %dma_wait3A_198 = arith.constant 0 : i32
    %dma_wait3A_199 = tpu.memref_slice %arg3[%dma_wait3A_197, %dma_wait3A_198] : memref<32x1000000xf32, #tpu.memory_space<hbm>> -> memref<32x128xf32, #tpu.memory_space<hbm>>
    %dma_wait3A_200 = arith.constant 0 : i32
    %dma_wait3A_201 = arith.constant 0 : i32
    %dma_wait3A_202 = tpu.memref_slice %arg8[%dma_wait3A_192, %dma_wait3A_200, %dma_wait3A_201] : memref<4x32x128xf32, #tpu.memory_space<vmem>> -> memref<1x32x128xf32, #tpu.memory_space<vmem>>
    %dma_wait3A_203 = tpu.memref_squeeze %dma_wait3A_202 : memref<1x32x128xf32, #tpu.memory_space<vmem>> -> memref<32x128xf32, #tpu.memory_space<vmem>>
    %dma_wait3A_204 = arith.constant 0 : i32
    %dma_wait3A_205 = arith.constant 0 : i32
    %dma_wait3A_206 = tpu.memref_slice %arg3[%dma_wait3A_204, %dma_wait3A_205] : memref<32x1000000xf32, #tpu.memory_space<hbm>> -> memref<32x128xf32, #tpu.memory_space<hbm>>
    tpu.wait_dma2 semaphore(%arg13 : memref<!tpu.dma_semaphore, #tpu.memory_space<semaphore_mem>>) src(%dma_wait3A_206 : memref<32x128xf32, #tpu.memory_space<hbm>>) dst(%dma_wait3A_203 : memref<32x128xf32, #tpu.memory_space<vmem>>)
    %dma_wait3A_207 = arith.constant 2 : i32
    %dma_wait3A_208 = arith.constant 0 : i32
    %dma_wait3A_209 = arith.constant 0 : i32
    %dma_wait3A_210 = tpu.memref_slice %arg9[%dma_wait3A_207, %dma_wait3A_208, %dma_wait3A_209] : memref<4x32x128xf32, #tpu.memory_space<vmem>> -> memref<1x32x128xf32, #tpu.memory_space<vmem>>
    %dma_wait3A_211 = tpu.memref_squeeze %dma_wait3A_210 : memref<1x32x128xf32, #tpu.memory_space<vmem>> -> memref<32x128xf32, #tpu.memory_space<vmem>>
    %dma_wait3A_212 = arith.constant 0 : i32
    %dma_wait3A_213 = arith.constant 0 : i32
    %dma_wait3A_214 = tpu.memref_slice %arg4[%dma_wait3A_212, %dma_wait3A_213] : memref<32x1000000xf32, #tpu.memory_space<hbm>> -> memref<32x128xf32, #tpu.memory_space<hbm>>
    %dma_wait3A_215 = arith.constant 0 : i32
    %dma_wait3A_216 = arith.constant 0 : i32
    %dma_wait3A_217 = tpu.memref_slice %arg9[%dma_wait3A_207, %dma_wait3A_215, %dma_wait3A_216] : memref<4x32x128xf32, #tpu.memory_space<vmem>> -> memref<1x32x128xf32, #tpu.memory_space<vmem>>
    %dma_wait3A_218 = tpu.memref_squeeze %dma_wait3A_217 : memref<1x32x128xf32, #tpu.memory_space<vmem>> -> memref<32x128xf32, #tpu.memory_space<vmem>>
    %dma_wait3A_219 = arith.constant 0 : i32
    %dma_wait3A_220 = arith.constant 0 : i32
    %dma_wait3A_221 = tpu.memref_slice %arg4[%dma_wait3A_219, %dma_wait3A_220] : memref<32x1000000xf32, #tpu.memory_space<hbm>> -> memref<32x128xf32, #tpu.memory_space<hbm>>
    tpu.wait_dma2 semaphore(%arg17 : memref<!tpu.dma_semaphore, #tpu.memory_space<semaphore_mem>>) src(%dma_wait3A_221 : memref<32x128xf32, #tpu.memory_space<hbm>>) dst(%dma_wait3A_218 : memref<32x128xf32, #tpu.memory_space<vmem>>)
    "tpu.region"() ({
      %run_scoped3A_222 = tpu.sem_alloc : memref<!tpu.dma_semaphore, #tpu.memory_space<semaphore_mem>>
      %dma_start3A_223 = tpu.memref_slice %arg5[%mul3A_2] : memref<16384xf32, #tpu.memory_space<hbm>> -> memref<512xf32, #tpu.memory_space<hbm>>
      %dma_start3A_224 = tpu.memref_slice %arg5[%mul3A_2] : memref<16384xf32, #tpu.memory_space<hbm>> -> memref<512xf32, #tpu.memory_space<hbm>>
      tpu.enqueue_dma source(%arg10 : memref<512xf32, #tpu.memory_space<vmem>>) target(%dma_start3A_224 : memref<512xf32, #tpu.memory_space<hbm>>) target_semaphore(%run_scoped3A_222 : memref<!tpu.dma_semaphore, #tpu.memory_space<semaphore_mem>>)
      %dma_wait3A_225 = tpu.memref_slice %arg5[%mul3A_2] : memref<16384xf32, #tpu.memory_space<hbm>> -> memref<512xf32, #tpu.memory_space<hbm>>
      %dma_wait3A_226 = tpu.memref_slice %arg5[%mul3A_2] : memref<16384xf32, #tpu.memory_space<hbm>> -> memref<512xf32, #tpu.memory_space<hbm>>
      tpu.wait_dma2 semaphore(%run_scoped3A_222 : memref<!tpu.dma_semaphore, #tpu.memory_space<semaphore_mem>>) src(%arg10 : memref<512xf32, #tpu.memory_space<vmem>>) dst(%dma_wait3A_226 : memref<512xf32, #tpu.memory_space<hbm>>)
      tpu.yield
    }) : () -> ()
    return
  }
}

</mosaic_0001>

<sc_bundles>
// kernel: kernel.3.cloned.1.call-start
scs
__scs_entry_jumppad:
0x0: {  	(pc) =	sbr.rel $0x88, $3  }
0x1: {  	(tag) =	ssettag $0x0;
	lr =	simm.s32 $0x1  }
0x2: {  	[smem:$0x3F9E] =	sst lr;
	_ =	strace $0xD0000000  }
0x3: {  	_ = 	snop  }
0x4: {  	_ = 	snop  }
0x5: {  	_ = 	snop  }
0x6: {  	_ = 	snop  }
0x7: {  	_ = 	snop  }
__scs_overlays_trampoline_lowered:
0x8: {  	[smem:$0x3FAD] =	sst s0  }
0x9: {  	[smem:$0x3FAE] =	sst s1  }
0xa: {  	[smem:$0x3FAF] =	sst s2  }
0xb: {  	[smem:$0x3FB0] =	sst s3  }
0xc: {  	[smem:$0x3FB1] =	sst s4  }
0xd: {  	[smem:$0x3FB2] =	sst s5  }
0xe: {  	[smem:$0x3FB3] =	sst s6  }
0xf: {  	[smem:$0x3FB4] =	sst s7  }
0x10: {  	[smem:$0x3FB5] =	sst s8  }
0x11: {  	[smem:$0x3FB6] =	sst s9;
	s0 =	simm.s32 @!p0 $0x0  }
0x12: {  	s1 =	sld [smem:$0x3F9C];
	s0 =	simm.s32 @p0 $0x1  }
0x13: {  	[smem:$0x3FB7] =	sst s0;
	s0 =	simm.s32 @!p1 $0x0  }
0x14: {  	s2 =	sld [smem:$0x3F9B];
	s0 =	simm.s32 @p1 $0x1  }
0x15: {  	[smem:$0x3FB8] =	sst s0;
	s0 =	simm.s32 @!p2 $0x0  }
0x16: {  	s3 =	sld [smem:$0x3FDB];
	s0 =	simm.s32 @p2 $0x1  }
0x17: {  	s4 =	simm.s32 $0x1BF5;
	[smem:$0x3FBA] =	sst s0  }
0x18: {  	s0 =	sld [smem:$0x3F9D];
	_ =	swait.ge [sflag:s4], $0x0  }
0x19: {  	s7 =	sld [smem:$0x3F9E]  }
0x1a: {  	s8 =	sadd.s32 $0xFFFFE003, lr  }
0x1b: {  	s9 =	sadd.s32 $0xFFFFFEF7, lr;
	s5 =	simm.s32 $0xFFFFFFFF;
	p2 =	slt.u32 s8, $0xFFFFF086  }
0x1c: {  	p1 =	slt.u32 s9, $0xF7A;
	s5 =	simm.s32 @!p2 $0x0  }
0x1d: {  	s5 =	simm.s32 @p1 $0x1;
	p0 =	seq.s32 s7, s2  }
0x1e: {  	s7 =	smul.u32 @!p0 $0xF7A, s2;
	p2 =	seq.s32 @!p0 s5, $0x0  }
0x1f: {  	s9 =	smul.u32 $0xF7A, s1;
	s8 =	simm.s32 @!p0 $0x1BF5;
	p2 =	por !p2, p0  }
0x20: {  	[sflag:s8] =	ssyncset.s32 @!p0 $0xFFFFF086;
	s6 =	sadd.s32 @!p0 s3, s7;
	s7 =	simm.s32 @!p0 $0x108  }
0x21: {  	s3 =	sadd.s32 s3, s9;
	s6 =	sadd.s32 @!p0 $0x88, s6;
	s7 =	simm.s32 @p2 $0x1082  }
0x22: {  	[simem:s7], [sflag:s8] =	dma.local @!p0 [hbm:s6], $0xF7A  }
0x23: {  	s9 =	sor.u32 $0xD0000000, s2;
	s6 =	simm.s32 $0x108;
	_ =	swait.ge @!p0 [sflag:s8], $0x0  }
0x24: {  	s3 =	sadd.s32 $0x88, s3;
	s6 =	simm.s32 @!p1 $0x1082;
	[sflag:s4] =	ssyncset.s32 $0xFFFFF086  }
0x25: {  	[simem:s6], [sflag:s4] =	dma.local [hbm:s3], $0xF7A  }
0x26: {  	[smem:$0x3F9E] =	sst s1;
	(tag) =	ssettag s2;
	_ =	strace s9  }
0x27: {  	s1 =	sld [smem:$0x3FAE]  }
0x28: {  	s2 =	sld [smem:$0x3FAF]  }
0x29: {  	s4 =	sld [smem:$0x3FB1]  }
0x2a: {  	p0 =	seq.s32 s5, $0x0;
	s5 =	sld [smem:$0x3FB2]  }
0x2b: {  	s6 =	sld [smem:$0x3FB3]  }
0x2c: {  	s7 =	sld [smem:$0x3FB4]  }
0x2d: {  	s3 =	simm.s32 $0x108;
	s8 =	sld [smem:$0x3FB5]  }
0x2e: {  	s3 =	simm.s32 @!p0 $0x1082;
	s9 =	sld [smem:$0x3FB6]  }
0x2f: {  	lr =	sadd.s32 s0, s3;
	s0 =	sld [smem:$0x3FAD]  }
0x30: {  	s3 =	sld [smem:$0x3FB0]  }
0x31: {  	[smem:$0x3FB9] =	sst s10  }
0x32: {  	s10 =	sld [smem:$0x3FB7];
	_ =	sdelay $0x3  }
0x33: {  	p0 =	seq.s32 s10, $0x1;
	s10 =	sld [smem:$0x3FB9];
	_ =	sdelay $0x3  }
0x34: {  	[smem:$0x3FB9] =	sst s10  }
0x35: {  	s10 =	sld [smem:$0x3FB8];
	_ =	sdelay $0x3  }
0x36: {  	p1 =	seq.s32 s10, $0x1;
	s10 =	sld [smem:$0x3FB9];
	_ =	sdelay $0x3  }
0x37: {  	[smem:$0x3FB9] =	sst s10  }
0x38: {  	s10 =	sld [smem:$0x3FBA]  }
0x39: {  	_ = 	snop;
	(pc) =	sbr.ind lr, $3  }
0x3a: {  	_ = 	snop  }
0x3b: {  	_ = 	snop  }
0x3c: {  	p2 =	seq.s32 s10, $0x1;
	s10 =	sld [smem:$0x3FB9]  }
0x3d: {  	_ =	shalt  }
0x3e: {  	_ =	shalt  }
0x3f: {  	_ =	shalt  }
0x40: {  	_ =	shalt  }
0x41: {  	_ =	shalt  }
0x42: {  	_ =	shalt  }
0x43: {  	_ =	shalt  }
0x44: {  	_ =	shalt  }
0x45: {  	_ =	shalt  }
0x46: {  	_ =	shalt  }
0x47: {  	_ =	shalt  }
0x48: {  	_ =	shalt  }
0x49: {  	_ =	shalt  }
0x4a: {  	_ =	shalt  }
0x4b: {  	_ =	shalt  }
0x4c: {  	_ =	shalt  }
0x4d: {  	_ =	shalt  }
0x4e: {  	_ =	shalt  }
0x4f: {  	_ =	shalt  }
0x50: {  	_ =	shalt  }
0x51: {  	_ =	shalt  }
0x52: {  	_ =	shalt  }
0x53: {  	_ =	shalt  }
0x54: {  	_ =	shalt  }
0x55: {  	_ =	shalt  }
0x56: {  	_ =	shalt  }
0x57: {  	_ =	shalt  }
0x58: {  	_ =	shalt  }
0x59: {  	_ =	shalt  }
0x5a: {  	_ =	shalt  }
0x5b: {  	_ =	shalt  }
0x5c: {  	_ =	shalt  }
0x5d: {  	_ =	shalt  }
0x5e: {  	_ =	shalt  }
0x5f: {  	_ =	shalt  }
0x60: {  	_ =	shalt  }
0x61: {  	_ =	shalt  }
0x62: {  	_ =	shalt  }
0x63: {  	_ =	shalt  }
0x64: {  	_ =	shalt  }
0x65: {  	_ =	shalt  }
0x66: {  	_ =	shalt  }
0x67: {  	_ =	shalt  }
0x68: {  	_ =	shalt  }
0x69: {  	_ =	shalt  }
0x6a: {  	_ =	shalt  }
0x6b: {  	_ =	shalt  }
0x6c: {  	_ =	shalt  }
0x6d: {  	_ =	shalt  }
0x6e: {  	_ =	shalt  }
0x6f: {  	_ =	shalt  }
0x70: {  	_ =	shalt  }
0x71: {  	_ =	shalt  }
0x72: {  	_ =	shalt  }
0x73: {  	_ =	shalt  }
0x74: {  	_ =	shalt  }
0x75: {  	_ =	shalt  }
0x76: {  	_ =	shalt  }
0x77: {  	_ =	shalt  }
0x78: {  	_ =	shalt  }
0x79: {  	_ =	shalt  }
0x7a: {  	_ =	shalt  }
0x7b: {  	_ =	shalt  }
0x7c: {  	_ =	shalt  }
0x7d: {  	_ =	shalt  }
0x7e: {  	_ =	shalt  }
0x7f: {  	_ =	shalt  }
0x80: {  	_ =	shalt  }
0x81: {  	_ =	shalt  }
0x82: {  	_ =	shalt  }
0x83: {  	_ =	shalt  }
0x84: {  	_ =	shalt  }
0x85: {  	_ =	shalt  }
0x86: {  	_ =	shalt  }
0x87: {  	_ =	shalt  }
.Lfunc_end0:
.L_simem_size_0:
called_computation_lowered:
.L_overlay_start_0:
0x88: {  	s2 =	sld [smem:$0x3FD9]  }
0x89: {  	s3 =	sld [smem:$0x3FFE];
	_ =	sdelay $0x1  }
0x8a: {  	s1 =	srdreg.scid  }
0x8b: {  	s0 =	sand.u32 $0x1, s1  }
0x8c: {  	s18 =	sshll.u32 s0, $0xA;
	s2 =	sadd.s32 s3, s2  }
0x8d: {  	s2 =	sadd.s32 s2, s18  }
0x8e: {  	[smem:$0x3FC5] =	sst s2  }
0x8f: {  	_ = 	snop  }
0x90: {  	s2 =	sld [smem:$0x3FC9]  }
0x91: {  	s19 =	sld [smem:$0x3FC8]  }
0x92: {  	s4 =	sld [smem:$0x3FC7]  }
0x93: {  	s5 =	sld [smem:$0x3FD0];
	(tm) =	ssettm $0x1  }
0x94: {  	s6 =	sld [smem:$0x3FFB];
	_ =	sdelay $0x3  }
0x95: {  	_ =	strace s6  }
0x96: {  	s6 =	sld [smem:$0x3FFC];
	_ =	sdelay $0x3  }
0x97: {  	_ =	strace s6  }
0x98: {  	s6 =	sld [smem:$0x3FFD];
	_ =	sdelay $0x3  }
0x99: {  	_ =	strace s6  }
0x9a: {  	_ =	strace $0x8FFFFFFF  }
0x9b: {  	s20 =	sld [smem:$0x3FDB];
	_ =	sdelay $0x1  }
0x9c: {  	s7 =	simm.s32 $_scs_section_size  }
0x9d: {  	s8 =	simm.s32 $_size__tile_overlayer_lowered;
	s9 =	simm.s32 $_tile_overlayer_lowered  }
0x9e: {  	s23 =	simm.s32 $0x1BFF;
	s22 =	sshll.u32 s9, $0x1;
	s6 =	sadd.s32 s7, s20  }
0x9f: {  	s10 =	simm.s32 $0x0;
	s21 =	sshll.u32 s8, $0x1;
	s8 =	sadd.s32 s22, s6  }
0xa0: {  	[timem:s10], [sflag:s23] =	dma.local [hbm:s8], s21  }
0xa1: {  	_ =	swait.ge [sflag:s23], s21  }
0xa2: {  	s7 =	ssub.s32 $0x0, s21;
	[sflag:s23] =	ssyncset.done $0x0  }
0xa3: {  	[sflag:s23] =	ssyncadd.s32 s7;
	_ =	sdelay $0x1  }
0xa4: {  	s24 =	simm.s32 $0x1B8B  }
0xa5: {  	_ =	swait.ge [sflag:s24], $0x1  }
0xa6: {  	[sflag:s24] =	ssyncset.done $0x0  }
0xa7: {  	s25 =	simm.s32 $0x1B8E;
	[sflag:s24] =	ssyncadd.s32 $0xFFFFFFFF  }
0xa8: {  	s26 =	simm.s32 $execute0_lowered;
	[smem:$0x3FD2] =	sst s25  }
0xa9: {  	s7 =	sshll.u32 s26, $0x1;
	_ =	strace $0x80000046;
	[dreg:$0x1] =	wrdreg $0xFFFFFFFF  }
0xaa: {  	s28 =	simm.s32 $_size_execute0_lowered;
	s6 =	sadd.s32 s6, s7;
	[dreg:$0x0] =	wrdreg $0x0  }
0xab: {  	s7 =	sshll.u32 s28, $0x1;
	[dreg:$0x2] =	wrdreg s6  }
0xac: {  	[dreg:$0x3] =	wrdreg s7  }
0xad: {  	[dreg:$0x4] =	wrdreg $0xC0  }
0xae: {  	_ =	task [dreg:s10], $0x5FFFF  }
0xaf: {  	[dreg:$0x1] =	wrdreg $0xFFFFFFFF  }
0xb0: {  	[dreg:$0x0] =	wrdreg $0x60  }
0xb1: {  	[dreg:$0x2] =	wrdreg s2  }
0xb2: {  	[dreg:$0x3] =	wrdreg s19  }
0xb3: {  	[dreg:$0x4] =	wrdreg s4  }
0xb4: {  	[dreg:$0x5] =	wrdreg s5  }
0xb5: {  	[dreg:$0x6] =	wrdreg $0x9  }
0xb6: {  	_ =	task.clear_ibuf [dreg:s10], $0x7FFFF;
	_ =	strace $0x90000046  }
0xb7: {  	s29 =	simm.s32 $0x9;
	_ =	strace $0x80000048  }
0xb8: {  	_ =	swait.ge [sflag:s29], $0x1  }
0xb9: {  	[sflag:s29] =	ssyncadd.s32 $0xFFFFFFFF  }
0xba: {  	_ =	strace $0x90000048  }
0xbb: {  	_ =	sfence  }
0xbc: {  	s30 =	sld [smem:$0x0];
	_ =	sdelay $0x2  }
0xbd: {  	s31 =	sshll.u32 s1, $0xD;
	s1 =	sshrl.u32 s1, $0x2  }
0xbe: {  	s3 =	sand.u32 $0x4000, s31;
	s1 =	sadd.s32 s1, s30  }
0xbf: {  	s0 =	sor.u32 s3, s0;
	s1 =	sshll.u32 s1, $0x11  }
0xc0: {  	s0 =	sor.u32 s1, s0  }
0xc1: {  	s0 =	sadd.s32 $0x8F2B, s0  }
0xc2: {  	[sflag:s0] =	ssyncadd.remote.s32 $0x1  }
0xc3: {  	_ =	sfence.sel $0xFFFF  }
0xc4: {  	[dreg:$0x0] =	wrdreg $0xFFFFFFFF;
	(pc) =	sbr.abs _section_cstart, $3  }
0xc5: {  	[dreg:$0x1] =	wrdreg $0xFFFFFFFF  }
0xc6: {  	_ =	task.clear_ibuf [dreg:s10], $0x2FFFF;
	_ =	strace $0x9FFFFFFF  }
0xc7: {  	(tm) =	ssettm $0x7FFFFFFF  }
tec
execute0_lowered:
.L_overlay_start_1:
0x0: {  	(tag) =	ssettag $0x1  }
0x1: {  	s0 =	rddreg [dreg:$0x0]  }
0x2: {  	s1 =	rddreg [dreg:$0x1]  }
0x3: {  	s3 =	rddreg [dreg:$0x2]  }
0x4: {  	s2 =	rddreg [dreg:$0x3]  }
0x5: {  	s4 =	srdreg.scid;
	s5 =	stileid.u32;
	s8 =	simm.s32 $0x0  }
0x6: {  	s13 =	simm.s32 $0x400;
	s14 =	simm.s32 $0x7A1400;
	s15 =	simm.s32 $0x500  }
0x7: {  	s16 =	simm.s32 $0x4500;
	s17 =	simm.s32 $0x1500;
	s18 =	simm.s32 $0x5500  }
0x8: {  	s19 =	simm.s32 $0x2500;
	s20 =	simm.s32 $0x6500;
	s21 =	simm.s32 $0x3500  }
0x9: {  	s28 =	simm.s32 $0x3;
	s29 =	simm.s32 $0x7;
	s30 =	simm.s32 $0x4  }
0xa: {  	s31 =	simm.s32 $0x8;
	s4 =	sand.u32 $0x1, s4;
	s5 =	sshll.u32 s5, $0xA  }
0xb: {  	[smem:$0x7FF] =	sst s8;
	s6 =	sshll.u32 s4, $0x9;
	s4 =	ssub.s32 $0x2, s4  }
0xc: {  	v0 =	vlaneseq.u32;
	_ =	strace $0x80000047;
	s5 =	sor.u32 s6, s5;
	s22 =	sshrl.u32 s4, $0x1  }
0xd: {  	v1 =	vimm.s32 $0x0;
	vm0 =	vmmov $0x1;
	vm1 =	vmmov $0x3;
	s6 =	simm.s32 $0x9;
	s7 =	sshrl.u32 s5, $0x2;
	s4 =	ssub.s32 s4, s22  }
0xe: {  	vm2 =	vmmov $0x7;
	vm3 =	vmmov $0xf;
	vm4 =	vmmov $0x1f;
	s24 =	sshrl.u32 s5, $0x3;
	s22 =	simm.s32 $0x7500;
	s23 =	sadd.s32 s0, s7  }
0xf: {  	vm5 =	vmmov $0x3f;
	vm6 =	vmmov $0x7f;
	vm7 =	vmmov $0xff;
	s0 =	sadd.s32 s2, s24;
	s26 =	smax.u32 s4, $0x1;
	[dreg:$0x5] =	wrdreg s23  }
0x10: {  	vm8 =	vmmov $0x1ff;
	vm9 =	vmmov $0x3ff;
	v0 =	vmul.u32 $0x80, v0;
	s24 =	simm.s32 $0x5;
	s2 =	simm.s32 $0x0;
	[dreg:$0x7] =	wrdreg s0  }
0x11: {  	vm10 =	vmmov $0x7ff;
	vm11 =	vmmov $0xfff;
	vm12 =	vmmov $0x1fff;
	s25 =	sadd.s32 $0x10, s23;
	[dreg:$0x8] =	wrdreg s26;
	s23 =	simm.s32 $0x1  }
0x12: {  	vm13 =	vmmov $0x3fff;
	vm14 =	vmmov $0x7fff;
	v2 =	vor.u32 $0x800, v0;
	s26 =	simm.s32 $0x6;
	[dreg:$0x6] =	wrdreg s25;
	s25 =	simm.s32 $0x2  }
.LBB2_1:
0x13: {  	s0 =	rddreg [dreg:$0x5];
	s4 =	simm.s32 $0x80;
	s5 =	simm.s32 $0x100  }
0x14: {  	[tilespmem:s8], [sflag:$0x9] =	stream.strided.gather [hbm4b:s0+s4], $0x200, s5, s4, $0x38;
	[tilespmem:$0x8700] =	vst v63  }
0x15: {  	_ =	swait.ge [sflag:s6], $0x200  }
0x16: {  	[sflag:s6] =	ssyncset.done $0x0  }
0x17: {  	s7 =	simm.s32 $0x280;
	s12 =	rddreg [dreg:$0x6];
	[sflag:s6] =	ssyncadd.s32 $0xFFFFFE00  }
0x18: {  	[tilespmem:s7], [sflag:$0x9] =	stream.strided.gather [hbm4b:s12+s4], $0x200, s5, s4, $0x38;
	[tilespmem:$0x8700] =	vst v63  }
0x19: {  	_ =	swait.ge [sflag:s6], $0x200  }
0x1a: {  	[sflag:s6] =	ssyncset.done $0x0  }
0x1b: {  	[sflag:s6] =	ssyncadd.s32 $0xFFFFFE00  }
0x1c: {  	v3 =	vld [tilespmem:$0x0];
	_ =	sdelay $0x1  }
0x1d: {  	v4 =	vld [tilespmem:$0x280];
	_ =	sdelay $0x2  }
0x1e: {  	(v2sf) =	vpush v3, $0x0;
	_ =	sdelay $0x1  }
0x1f: {  	(v2sf) =	vpush v4, $0x0;
	_ =	sdelay $0x4  }
0x20: {  	(v2sf) =	vpush v3, $0x1;
	_ =	sdelay $0x2  }
0x21: {  	(v2sf) =	vpush v4, $0x1;
	_ =	sdelay $0x4  }
0x22: {  	s7 =	spop (v2sf);
	(v2sf) =	vpush v3, $0x2;
	_ =	sdelay $0x1  }
0x23: {  	s8 =	spop (v2sf);
	(v2sf) =	vpush v4, $0x2  }
0x24: {  	[tilespmem:$0x200] =	vst v1;
	s0 =	sand.u32 $0xFFFFF80, s7  }
0x25: {  	[tilespmem:$0x480] =	vst v1;
	s0 =	sadd.s32 s1, s0  }
0x26: {  	[tilespmem:s15], [sflag:$0x1] =	stream.strided.gather [hbm4b:s0+s13], $0x1000, s14, s13, $0x38;
	[tilespmem:$0x8700] =	vst v63  }
0x27: {  	s0 =	sand.u32 $0xFFFFF80, s8  }
0x28: {  	s9 =	spop (v2sf);
	s0 =	sadd.s32 s3, s0  }
0x29: {  	[tilespmem:s16], [sflag:$0x5] =	stream.strided.gather [hbm4b:s0+s13], $0x1000, s14, s13, $0x38;
	[tilespmem:$0x8700] =	vst v63  }
0x2a: {  	s0 =	sand.u32 $0xFFFFF80, s9  }
0x2b: {  	s10 =	spop (v2sf);
	s0 =	sadd.s32 s1, s0  }
0x2c: {  	[tilespmem:s17], [sflag:$0x2] =	stream.strided.gather [hbm4b:s0+s13], $0x1000, s14, s13, $0x38;
	[tilespmem:$0x8700] =	vst v63  }
0x2d: {  	s0 =	sand.u32 $0xFFFFF80, s10  }
0x2e: {  	s0 =	sadd.s32 s3, s0  }
0x2f: {  	[tilespmem:s18], [sflag:$0x6] =	stream.strided.gather [hbm4b:s0+s13], $0x1000, s14, s13, $0x38;
	[tilespmem:$0x8700] =	vst v63  }
0x30: {  	s11 =	spop (v2sf)  }
0x31: {  	s0 =	sand.u32 $0xFFFFF80, s11  }
0x32: {  	s12 =	spop (v2sf);
	s0 =	sadd.s32 s1, s0  }
0x33: {  	[tilespmem:s19], [sflag:$0x3] =	stream.strided.gather [hbm4b:s0+s13], $0x1000, s14, s13, $0x38;
	[tilespmem:$0x8700] =	vst v63  }
0x34: {  	s0 =	sand.u32 $0xFFFFF80, s12  }
0x35: {  	s12 =	simm.s32 $0x0;
	s0 =	sadd.s32 s3, s0  }
0x36: {  	[tilespmem:s20], [sflag:$0x7] =	stream.strided.gather [hbm4b:s0+s13], $0x1000, s14, s13, $0x38;
	[tilespmem:$0x8700] =	vst v63  }
.LBB2_2:
0x37: {  	(v2sf) =	vpush v3, $0x3  }
0x38: {  	(v2sf) =	vpush v4, $0x3;
	_ =	sdelay $0xd  }
0x39: {  	s4 =	spop (v2sf)  }
0x3a: {  	s5 =	sand.u32 $0xFFFFF80, s4;
	s0 =	spop (v2sf)  }
0x3b: {  	s5 =	sadd.s32 s1, s5;
	s6 =	sand.u32 $0xFFFFF80, s0  }
0x3c: {  	[tilespmem:s21], [sflag:$0x4] =	stream.strided.gather [hbm4b:s5+s13], $0x1000, s14, s13, $0x38;
	[tilespmem:$0x8700] =	vst v63  }
0x3d: {  	s5 =	sadd.s32 s3, s6  }
0x3e: {  	[tilespmem:s22], [sflag:$0x8] =	stream.strided.gather [hbm4b:s5+s13], $0x1000, s14, s13, $0x38;
	[tilespmem:$0x8700] =	vst v63  }
0x3f: {  	_ =	swait.ge [sflag:s23], $0x1000  }
0x40: {  	[sflag:s23] =	ssyncset.done $0x0  }
0x41: {  	[sflag:s23] =	ssyncadd.s32 $0xFFFFF000  }
0x42: {  	_ =	swait.ge [sflag:s24], $0x1000  }
0x43: {  	(v2sf) =	vpush v3, $0x0;
	_ =	sdelay $0x1  }
0x44: {  	(v2sf) =	vpush v4, $0x0;
	_ =	sdelay $0xc  }
0x45: {  	s7 =	spop (v2sf)  }
0x46: {  	s5 =	sand.u32 $0x7F, s7  }
0x47: {  	s6 =	spop (v2sf);
	v5 =	vor.u32 s5, v0  }
0x48: {  	s6 =	sand.u32 $0x7F, s6;
	v6 =	vor.u32 s5, v2  }
0x49: {  	v7 =	vor.u32 s6, v0  }
0x4a: {  	[sflag:s24] =	ssyncset.done $0x0;
	v8 =	vor.u32 s6, v2  }
0x4b: {  	[sflag:s24] =	ssyncadd.s32 $0xFFFFF000  }
0x4c: {  	v5 =	vld.idx.msk [tilespmem:v5+s15+$0x0], $0xffff  }
0x4d: {  	v6 =	vld.idx.msk [tilespmem:v6+s15+$0x0], $0xffff  }
0x4e: {  	(v2sf) =	vpush v3, $0x4;
	v7 =	vld.idx.msk [tilespmem:v7+s16+$0x0], $0xffff  }
0x4f: {  	(v2sf) =	vpush v4, $0x4;
	v8 =	vld.idx.msk [tilespmem:v8+s16+$0x0], $0xffff;
	_ =	sdelay $0x4  }
0x50: {  	v5 =	vmul.f32 v7, v5;
	v6 =	vmul.f32 v8, v6;
	_ =	sdelay $0x1  }
0x51: {  	v5 =	vadd.f32 v6, v5;
	_ =	sdelay $0x1  }
0x52: {  	(xrf2) =	vadd.scan.msk.f32 $0xffff, v5;
	_ =	sdelay $0x4  }
0x53: {  	s10 =	spop (v2sf)  }
0x54: {  	s8 =	sand.u32 $0xFFFFF80, s10;
	s9 =	spop (v2sf)  }
0x55: {  	s5 =	sadd.s32 s1, s8;
	s11 =	sand.u32 $0xFFFFF80, s9  }
0x56: {  	[tilespmem:s15], [sflag:$0x1] =	stream.strided.gather [hbm4b:s5+s13], $0x1000, s14, s13, $0x38;
	[tilespmem:$0x8700] =	vst v63  }
0x57: {  	s5 =	sadd.s32 s3, s11  }
0x58: {  	[tilespmem:s16], [sflag:$0x5] =	stream.strided.gather [hbm4b:s5+s13], $0x1000, s14, s13, $0x38;
	v5, _, _ =	vpop (xrf2);
	[tilespmem:$0x8700] =	vst v63  }
0x59: {  	_ =	swait.ge [sflag:s25], $0x1000  }
0x5a: {  	[sflag:s25] =	ssyncset.done $0x0  }
0x5b: {  	[sflag:s25] =	ssyncadd.s32 $0xFFFFF000  }
0x5c: {  	_ =	swait.ge [sflag:s26], $0x1000  }
0x5d: {  	(v2sf) =	vpush v3, $0x1;
	_ =	sdelay $0x1  }
0x5e: {  	(v2sf) =	vpush v4, $0x1;
	_ =	sdelay $0xc  }
0x5f: {  	s6 =	spop (v2sf)  }
0x60: {  	s5 =	sand.u32 $0x7F, s6  }
0x61: {  	s7 =	spop (v2sf);
	v6 =	vor.u32 s5, v0  }
0x62: {  	s6 =	sand.u32 $0x7F, s7;
	v7 =	vor.u32 s5, v2  }
0x63: {  	v18 =	vor.u32 s6, v0  }
0x64: {  	[sflag:s26] =	ssyncset.done $0x0;
	v9 =	vor.u32 s6, v2  }
0x65: {  	[sflag:s26] =	ssyncadd.s32 $0xFFFFF000  }
0x66: {  	v6 =	vld.idx.msk [tilespmem:v6+s17+$0x0], $0xffff  }
0x67: {  	v7 =	vld.idx.msk [tilespmem:v7+s17+$0x0], $0xffff  }
0x68: {  	(v2sf) =	vpush v3, $0x5;
	v8 =	vld.idx.msk [tilespmem:v18+s18+$0x0], $0xffff  }
0x69: {  	(v2sf) =	vpush v4, $0x5;
	v9 =	vld.idx.msk [tilespmem:v9+s18+$0x0], $0xffff;
	_ =	sdelay $0x4  }
0x6a: {  	v6 =	vmul.f32 v8, v6;
	v7 =	vmul.f32 v9, v7;
	_ =	sdelay $0x1  }
0x6b: {  	v6 =	vadd.f32 v7, v6;
	_ =	sdelay $0x1  }
0x6c: {  	(xrf2) =	vadd.scan.msk.f32 $0xffff, v6;
	_ =	sdelay $0x4  }
0x6d: {  	s7 =	spop (v2sf)  }
0x6e: {  	s8 =	sand.u32 $0xFFFFF80, s7;
	s6 =	spop (v2sf)  }
0x6f: {  	s5 =	sadd.s32 s1, s8;
	s11 =	sand.u32 $0xFFFFF80, s6  }
0x70: {  	[tilespmem:s17], [sflag:$0x2] =	stream.strided.gather [hbm4b:s5+s13], $0x1000, s14, s13, $0x38;
	[tilespmem:$0x8700] =	vst v63  }
0x71: {  	s5 =	sadd.s32 s3, s11  }
0x72: {  	[tilespmem:s18], [sflag:$0x6] =	stream.strided.gather [hbm4b:s5+s13], $0x1000, s14, s13, $0x38;
	v6, _, _ =	vpop (xrf2);
	[tilespmem:$0x8700] =	vst v63  }
0x73: {  	_ =	swait.ge [sflag:s28], $0x1000  }
0x74: {  	[sflag:s28] =	ssyncset.done $0x0  }
0x75: {  	[sflag:s28] =	ssyncadd.s32 $0xFFFFF000  }
0x76: {  	_ =	swait.ge [sflag:s29], $0x1000  }
0x77: {  	(v2sf) =	vpush v3, $0x2;
	_ =	sdelay $0x1  }
0x78: {  	(v2sf) =	vpush v4, $0x2;
	_ =	sdelay $0xc  }
0x79: {  	s8 =	spop (v2sf)  }
0x7a: {  	s5 =	sand.u32 $0x7F, s8  }
0x7b: {  	s8 =	spop (v2sf);
	v7 =	vor.u32 s5, v0  }
0x7c: {  	s8 =	sand.u32 $0x7F, s8;
	v19 =	vor.u32 s5, v2  }
0x7d: {  	v20 =	vor.u32 s8, v0  }
0x7e: {  	[sflag:s29] =	ssyncset.done $0x0;
	v10 =	vor.u32 s8, v2  }
0x7f: {  	[sflag:s29] =	ssyncadd.s32 $0xFFFFF000  }
0x80: {  	v7 =	vld.idx.msk [tilespmem:v7+s19+$0x0], $0xffff  }
0x81: {  	(v2sf) =	vpush v3, $0x6;
	v8 =	vld.idx.msk [tilespmem:v19+s19+$0x0], $0xffff  }
0x82: {  	v9 =	vld.idx.msk [tilespmem:v20+s20+$0x0], $0xffff  }
0x83: {  	(v2sf) =	vpush v4, $0x6;
	v10 =	vld.idx.msk [tilespmem:v10+s20+$0x0], $0xffff;
	_ =	sdelay $0x4  }
0x84: {  	v7 =	vmul.f32 v9, v7;
	v8 =	vmul.f32 v10, v8;
	_ =	sdelay $0x1  }
0x85: {  	v7 =	vadd.f32 v8, v7;
	_ =	sdelay $0x1  }
0x86: {  	(xrf2) =	vadd.scan.msk.f32 $0xffff, v7;
	_ =	sdelay $0x3  }
0x87: {  	s8 =	spop (v2sf)  }
0x88: {  	s11 =	sand.u32 $0xFFFFF80, s8  }
0x89: {  	s5 =	spop (v2sf);
	s11 =	sadd.s32 s1, s11  }
0x8a: {  	[tilespmem:s19], [sflag:$0x3] =	stream.strided.gather [hbm4b:s11+s13], $0x1000, s14, s13, $0x38;
	[tilespmem:$0x8700] =	vst v63  }
0x8b: {  	s11 =	sand.u32 $0xFFFFF80, s5  }
0x8c: {  	s11 =	sadd.s32 s3, s11  }
0x8d: {  	[tilespmem:s20], [sflag:$0x7] =	stream.strided.gather [hbm4b:s11+s13], $0x1000, s14, s13, $0x38;
	v7, _, _ =	vpop (xrf2);
	[tilespmem:$0x8700] =	vst v63  }
0x8e: {  	s4 =	sand.u32 $0x7F, s4;
	_ =	swait.ge [sflag:s30], $0x1000  }
0x8f: {  	v21 =	vor.u32 s4, v0;
	[sflag:s30] =	ssyncset.done $0x0  }
0x90: {  	s0 =	sand.u32 $0x7F, s0;
	v22 =	vor.u32 s4, v2;
	[sflag:s30] =	ssyncadd.s32 $0xFFFFF000  }
0x91: {  	v23 =	vor.u32 s0, v0;
	_ =	swait.ge [sflag:s31], $0x1000  }
0x92: {  	v11 =	vor.u32 s0, v2;
	[sflag:s31] =	ssyncset.done $0x0  }
0x93: {  	[sflag:s31] =	ssyncadd.s32 $0xFFFFF000  }
0x94: {  	v8 =	vld.idx.msk [tilespmem:v21+s21+$0x0], $0xffff  }
0x95: {  	(v2sf) =	vpush v3, $0x7;
	v9 =	vld.idx.msk [tilespmem:v22+s21+$0x0], $0xffff  }
0x96: {  	v10 =	vld.idx.msk [tilespmem:v23+s22+$0x0], $0xffff  }
0x97: {  	(v2sf) =	vpush v4, $0x7;
	v11 =	vld.idx.msk [tilespmem:v11+s22+$0x0], $0xffff;
	_ =	sdelay $0x4  }
0x98: {  	v8 =	vmul.f32 v10, v8;
	v9 =	vmul.f32 v11, v9;
	_ =	sdelay $0x1  }
0x99: {  	v8 =	vadd.f32 v9, v8;
	_ =	sdelay $0x1  }
0x9a: {  	(xrf2) =	vadd.scan.msk.f32 $0xffff, v8;
	_ =	sdelay $0x3  }
0x9b: {  	s11 =	spop (v2sf)  }
0x9c: {  	s4 =	sand.u32 $0xFFFFF80, s11  }
0x9d: {  	s0 =	spop (v2sf);
	s4 =	sadd.s32 s1, s4  }
0x9e: {  	[tilespmem:s21], [sflag:$0x4] =	stream.strided.gather [hbm4b:s4+s13], $0x1000, s14, s13, $0x38;
	[tilespmem:$0x8700] =	vst v63  }
0x9f: {  	s4 =	sand.u32 $0xFFFFF80, s0  }
0xa0: {  	s4 =	sadd.s32 s3, s4  }
0xa1: {  	[tilespmem:s22], [sflag:$0x8] =	stream.strided.gather [hbm4b:s4+s13], $0x1000, s14, s13, $0x38;
	v8, _, _ =	vpop (xrf2);
	[tilespmem:$0x8700] =	vst v63  }
0xa2: {  	s10 =	sand.u32 $0x7F, s10;
	_ =	swait.ge [sflag:s23], $0x1000  }
0xa3: {  	v24 =	vor.u32 s10, v0;
	[sflag:s23] =	ssyncset.done $0x0  }
0xa4: {  	s9 =	sand.u32 $0x7F, s9;
	v25 =	vor.u32 s10, v2;
	[sflag:s23] =	ssyncadd.s32 $0xFFFFF000  }
0xa5: {  	v26 =	vor.u32 s9, v0;
	_ =	swait.ge [sflag:s24], $0x1000  }
0xa6: {  	v12 =	vor.u32 s9, v2;
	[sflag:s24] =	ssyncset.done $0x0  }
0xa7: {  	[sflag:s24] =	ssyncadd.s32 $0xFFFFF000  }
0xa8: {  	v9 =	vld.idx.msk [tilespmem:v24+s15+$0x0], $0xffff  }
0xa9: {  	(v2sf) =	vpush v3, $0x8;
	v10 =	vld.idx.msk [tilespmem:v25+s15+$0x0], $0xffff  }
0xaa: {  	v11 =	vld.idx.msk [tilespmem:v26+s16+$0x0], $0xffff  }
0xab: {  	(v2sf) =	vpush v4, $0x8;
	v12 =	vld.idx.msk [tilespmem:v12+s16+$0x0], $0xffff;
	_ =	sdelay $0x4  }
0xac: {  	v9 =	vmul.f32 v11, v9;
	v10 =	vmul.f32 v12, v10;
	_ =	sdelay $0x1  }
0xad: {  	v9 =	vadd.f32 v10, v9;
	_ =	sdelay $0x1  }
0xae: {  	(xrf2) =	vadd.scan.msk.f32 $0xffff, v9;
	_ =	sdelay $0x3  }
0xaf: {  	s9 =	spop (v2sf)  }
0xb0: {  	s10 =	sand.u32 $0xFFFFF80, s9  }
0xb1: {  	s4 =	spop (v2sf);
	s10 =	sadd.s32 s1, s10  }
0xb2: {  	[tilespmem:s15], [sflag:$0x1] =	stream.strided.gather [hbm4b:s10+s13], $0x1000, s14, s13, $0x38;
	[tilespmem:$0x8700] =	vst v63  }
0xb3: {  	s10 =	sand.u32 $0xFFFFF80, s4  }
0xb4: {  	s10 =	sadd.s32 s3, s10  }
0xb5: {  	[tilespmem:s16], [sflag:$0x5] =	stream.strided.gather [hbm4b:s10+s13], $0x1000, s14, s13, $0x38;
	v9, _, _ =	vpop (xrf2);
	[tilespmem:$0x8700] =	vst v63  }
0xb6: {  	s7 =	sand.u32 $0x7F, s7;
	_ =	swait.ge [sflag:s25], $0x1000  }
0xb7: {  	v27 =	vor.u32 s7, v0;
	[sflag:s25] =	ssyncset.done $0x0  }
0xb8: {  	s6 =	sand.u32 $0x7F, s6;
	v28 =	vor.u32 s7, v2;
	[sflag:s25] =	ssyncadd.s32 $0xFFFFF000  }
0xb9: {  	v29 =	vor.u32 s6, v0;
	_ =	swait.ge [sflag:s26], $0x1000  }
0xba: {  	v13 =	vor.u32 s6, v2;
	[sflag:s26] =	ssyncset.done $0x0  }
0xbb: {  	[sflag:s26] =	ssyncadd.s32 $0xFFFFF000  }
0xbc: {  	v10 =	vld.idx.msk [tilespmem:v27+s17+$0x0], $0xffff  }
0xbd: {  	(v2sf) =	vpush v3, $0x9;
	v11 =	vld.idx.msk [tilespmem:v28+s17+$0x0], $0xffff  }
0xbe: {  	v12 =	vld.idx.msk [tilespmem:v29+s18+$0x0], $0xffff  }
0xbf: {  	(v2sf) =	vpush v4, $0x9;
	v13 =	vld.idx.msk [tilespmem:v13+s18+$0x0], $0xffff;
	_ =	sdelay $0x4  }
0xc0: {  	v10 =	vmul.f32 v12, v10;
	v11 =	vmul.f32 v13, v11;
	_ =	sdelay $0x1  }
0xc1: {  	v10 =	vadd.f32 v11, v10;
	_ =	sdelay $0x1  }
0xc2: {  	(xrf2) =	vadd.scan.msk.f32 $0xffff, v10;
	_ =	sdelay $0x3  }
0xc3: {  	s7 =	spop (v2sf)  }
0xc4: {  	s10 =	sand.u32 $0xFFFFF80, s7  }
0xc5: {  	s6 =	spop (v2sf);
	s10 =	sadd.s32 s1, s10  }
0xc6: {  	[tilespmem:s17], [sflag:$0x2] =	stream.strided.gather [hbm4b:s10+s13], $0x1000, s14, s13, $0x38;
	[tilespmem:$0x8700] =	vst v63  }
0xc7: {  	s10 =	sand.u32 $0xFFFFF80, s6  }
0xc8: {  	s10 =	sadd.s32 s3, s10  }
0xc9: {  	[tilespmem:s18], [sflag:$0x6] =	stream.strided.gather [hbm4b:s10+s13], $0x1000, s14, s13, $0x38;
	v10, _, _ =	vpop (xrf2);
	[tilespmem:$0x8700] =	vst v63  }
0xca: {  	s8 =	sand.u32 $0x7F, s8;
	_ =	swait.ge [sflag:s28], $0x1000  }
0xcb: {  	v30 =	vor.u32 s8, v0;
	[sflag:s28] =	ssyncset.done $0x0  }
0xcc: {  	v31 =	vor.u32 s8, v2;
	s5 =	sand.u32 $0x7F, s5;
	[sflag:s28] =	ssyncadd.s32 $0xFFFFF000  }
0xcd: {  	v32 =	vor.u32 s5, v0;
	_ =	swait.ge [sflag:s29], $0x1000  }
0xce: {  	v14 =	vor.u32 s5, v2;
	[sflag:s29] =	ssyncset.done $0x0  }
0xcf: {  	[sflag:s29] =	ssyncadd.s32 $0xFFFFF000  }
0xd0: {  	v11 =	vld.idx.msk [tilespmem:v30+s19+$0x0], $0xffff  }
0xd1: {  	(v2sf) =	vpush v3, $0xA;
	v12 =	vld.idx.msk [tilespmem:v31+s19+$0x0], $0xffff  }
0xd2: {  	v13 =	vld.idx.msk [tilespmem:v32+s20+$0x0], $0xffff  }
0xd3: {  	(v2sf) =	vpush v4, $0xA;
	v14 =	vld.idx.msk [tilespmem:v14+s20+$0x0], $0xffff;
	_ =	sdelay $0x4  }
0xd4: {  	v11 =	vmul.f32 v13, v11;
	v12 =	vmul.f32 v14, v12;
	_ =	sdelay $0x1  }
0xd5: {  	v11 =	vadd.f32 v12, v11;
	_ =	sdelay $0x1  }
0xd6: {  	(xrf2) =	vadd.scan.msk.f32 $0xffff, v11;
	_ =	sdelay $0x3  }
0xd7: {  	s10 =	spop (v2sf)  }
0xd8: {  	s8 =	sand.u32 $0xFFFFF80, s10  }
0xd9: {  	s5 =	spop (v2sf);
	s8 =	sadd.s32 s1, s8  }
0xda: {  	[tilespmem:s19], [sflag:$0x3] =	stream.strided.gather [hbm4b:s8+s13], $0x1000, s14, s13, $0x38;
	[tilespmem:$0x8700] =	vst v63  }
0xdb: {  	s8 =	sand.u32 $0xFFFFF80, s5  }
0xdc: {  	s8 =	sadd.s32 s3, s8  }
0xdd: {  	[tilespmem:s20], [sflag:$0x7] =	stream.strided.gather [hbm4b:s8+s13], $0x1000, s14, s13, $0x38;
	v11, _, _ =	vpop (xrf2);
	[tilespmem:$0x8700] =	vst v63  }
0xde: {  	s11 =	sand.u32 $0x7F, s11;
	_ =	swait.ge [sflag:s30], $0x1000  }
0xdf: {  	v33 =	vor.u32 s11, v0;
	[sflag:s30] =	ssyncset.done $0x0  }
0xe0: {  	v34 =	vor.u32 s11, v2;
	s0 =	sand.u32 $0x7F, s0;
	[sflag:s30] =	ssyncadd.s32 $0xFFFFF000  }
0xe1: {  	v35 =	vor.u32 s0, v0;
	_ =	swait.ge [sflag:s31], $0x1000  }
0xe2: {  	v15 =	vor.u32 s0, v2;
	[sflag:s31] =	ssyncset.done $0x0  }
0xe3: {  	[sflag:s31] =	ssyncadd.s32 $0xFFFFF000  }
0xe4: {  	v12 =	vld.idx.msk [tilespmem:v33+s21+$0x0], $0xffff  }
0xe5: {  	(v2sf) =	vpush v3, $0xB;
	v13 =	vld.idx.msk [tilespmem:v34+s21+$0x0], $0xffff  }
0xe6: {  	v14 =	vld.idx.msk [tilespmem:v35+s22+$0x0], $0xffff  }
0xe7: {  	(v2sf) =	vpush v4, $0xB;
	v15 =	vld.idx.msk [tilespmem:v15+s22+$0x0], $0xffff;
	_ =	sdelay $0x4  }
0xe8: {  	v12 =	vmul.f32 v14, v12;
	v13 =	vmul.f32 v15, v13;
	_ =	sdelay $0x1  }
0xe9: {  	v12 =	vadd.f32 v13, v12;
	_ =	sdelay $0x1  }
0xea: {  	(xrf2) =	vadd.scan.msk.f32 $0xffff, v12;
	_ =	sdelay $0x3  }
0xeb: {  	s11 =	spop (v2sf)  }
0xec: {  	s0 =	sand.u32 $0xFFFFF80, s11  }
0xed: {  	s8 =	spop (v2sf);
	s0 =	sadd.s32 s1, s0  }
0xee: {  	[tilespmem:s21], [sflag:$0x4] =	stream.strided.gather [hbm4b:s0+s13], $0x1000, s14, s13, $0x38;
	[tilespmem:$0x8700] =	vst v63  }
0xef: {  	s0 =	sand.u32 $0xFFFFF80, s8  }
0xf0: {  	s0 =	sadd.s32 s3, s0  }
0xf1: {  	[tilespmem:s22], [sflag:$0x8] =	stream.strided.gather [hbm4b:s0+s13], $0x1000, s14, s13, $0x38;
	v12, _, _ =	vpop (xrf2);
	[tilespmem:$0x8700] =	vst v63  }
0xf2: {  	s9 =	sand.u32 $0x7F, s9;
	_ =	swait.ge [sflag:s23], $0x1000  }
0xf3: {  	v36 =	vor.u32 s9, v0;
	[sflag:s23] =	ssyncset.done $0x0  }
0xf4: {  	v37 =	vor.u32 s9, v2;
	s4 =	sand.u32 $0x7F, s4;
	[sflag:s23] =	ssyncadd.s32 $0xFFFFF000  }
0xf5: {  	v38 =	vor.u32 s4, v0;
	_ =	swait.ge [sflag:s24], $0x1000  }
0xf6: {  	v16 =	vor.u32 s4, v2;
	[sflag:s24] =	ssyncset.done $0x0  }
0xf7: {  	[sflag:s24] =	ssyncadd.s32 $0xFFFFF000  }
0xf8: {  	v13 =	vld.idx.msk [tilespmem:v36+s15+$0x0], $0xffff  }
0xf9: {  	(v2sf) =	vpush v3, $0xC;
	v14 =	vld.idx.msk [tilespmem:v37+s15+$0x0], $0xffff  }
0xfa: {  	v15 =	vld.idx.msk [tilespmem:v38+s16+$0x0], $0xffff  }
0xfb: {  	(v2sf) =	vpush v4, $0xC;
	v16 =	vld.idx.msk [tilespmem:v16+s16+$0x0], $0xffff;
	_ =	sdelay $0x4  }
0xfc: {  	v13 =	vmul.f32 v15, v13;
	v14 =	vmul.f32 v16, v14;
	_ =	sdelay $0x1  }
0xfd: {  	v13 =	vadd.f32 v14, v13;
	_ =	sdelay $0x1  }
0xfe: {  	(xrf2) =	vadd.scan.msk.f32 $0xffff, v13;
	_ =	sdelay $0x3  }
0xff: {  	s0 =	spop (v2sf)  }
0x100: {  	s9 =	sand.u32 $0xFFFFF80, s0  }
0x101: {  	s4 =	spop (v2sf);
	s9 =	sadd.s32 s1, s9  }
0x102: {  	[tilespmem:s15], [sflag:$0x1] =	stream.strided.gather [hbm4b:s9+s13], $0x1000, s14, s13, $0x38;
	[tilespmem:$0x8700] =	vst v63  }
0x103: {  	s9 =	sand.u32 $0xFFFFF80, s4  }
0x104: {  	s9 =	sadd.s32 s3, s9  }
0x105: {  	[tilespmem:s16], [sflag:$0x5] =	stream.strided.gather [hbm4b:s9+s13], $0x1000, s14, s13, $0x38;
	v13, _, _ =	vpop (xrf2);
	[tilespmem:$0x8700] =	vst v63  }
0x106: {  	s7 =	sand.u32 $0x7F, s7;
	_ =	swait.ge [sflag:s25], $0x1000  }
0x107: {  	v39 =	vor.u32 s7, v0;
	[sflag:s25] =	ssyncset.done $0x0  }
0x108: {  	v40 =	vor.u32 s7, v2;
	s6 =	sand.u32 $0x7F, s6;
	[sflag:s25] =	ssyncadd.s32 $0xFFFFF000  }
0x109: {  	v41 =	vor.u32 s6, v0;
	_ =	swait.ge [sflag:s26], $0x1000  }
0x10a: {  	v17 =	vor.u32 s6, v2;
	[sflag:s26] =	ssyncset.done $0x0  }
0x10b: {  	[sflag:s26] =	ssyncadd.s32 $0xFFFFF000  }
0x10c: {  	v14 =	vld.idx.msk [tilespmem:v39+s17+$0x0], $0xffff  }
0x10d: {  	(v2sf) =	vpush v3, $0xD;
	v15 =	vld.idx.msk [tilespmem:v40+s17+$0x0], $0xffff  }
0x10e: {  	v16 =	vld.idx.msk [tilespmem:v41+s18+$0x0], $0xffff  }
0x10f: {  	(v2sf) =	vpush v4, $0xD;
	v17 =	vld.idx.msk [tilespmem:v17+s18+$0x0], $0xffff;
	_ =	sdelay $0x4  }
0x110: {  	v14 =	vmul.f32 v16, v14;
	v15 =	vmul.f32 v17, v15;
	_ =	sdelay $0x1  }
0x111: {  	v14 =	vadd.f32 v15, v14;
	_ =	sdelay $0x1  }
0x112: {  	(xrf2) =	vadd.scan.msk.f32 $0xffff, v14;
	_ =	sdelay $0x3  }
0x113: {  	s7 =	spop (v2sf)  }
0x114: {  	s9 =	sand.u32 $0xFFFFF80, s7  }
0x115: {  	s6 =	spop (v2sf);
	s9 =	sadd.s32 s1, s9  }
0x116: {  	[tilespmem:s17], [sflag:$0x2] =	stream.strided.gather [hbm4b:s9+s13], $0x1000, s14, s13, $0x38;
	[tilespmem:$0x8700] =	vst v63  }
0x117: {  	s9 =	sand.u32 $0xFFFFF80, s6  }
0x118: {  	s9 =	sadd.s32 s3, s9  }
0x119: {  	[tilespmem:s18], [sflag:$0x6] =	stream.strided.gather [hbm4b:s9+s13], $0x1000, s14, s13, $0x38;
	v14, _, _ =	vpop (xrf2);
	[tilespmem:$0x8700] =	vst v63  }
0x11a: {  	s10 =	sand.u32 $0x7F, s10;
	_ =	swait.ge [sflag:s28], $0x1000  }
0x11b: {  	v42 =	vor.u32 s10, v0;
	[sflag:s28] =	ssyncset.done $0x0  }
0x11c: {  	v43 =	vor.u32 s10, v2;
	s5 =	sand.u32 $0x7F, s5;
	[sflag:s28] =	ssyncadd.s32 $0xFFFFF000  }
0x11d: {  	v44 =	vor.u32 s5, v0;
	_ =	swait.ge [sflag:s29], $0x1000  }
0x11e: {  	v18 =	vor.u32 s5, v2;
	[sflag:s29] =	ssyncset.done $0x0  }
0x11f: {  	[sflag:s29] =	ssyncadd.s32 $0xFFFFF000  }
0x120: {  	v15 =	vld.idx.msk [tilespmem:v42+s19+$0x0], $0xffff  }
0x121: {  	(v2sf) =	vpush v3, $0xE;
	v16 =	vld.idx.msk [tilespmem:v43+s19+$0x0], $0xffff  }
0x122: {  	v17 =	vld.idx.msk [tilespmem:v44+s20+$0x0], $0xffff  }
0x123: {  	(v2sf) =	vpush v4, $0xE;
	v18 =	vld.idx.msk [tilespmem:v18+s20+$0x0], $0xffff;
	_ =	sdelay $0x4  }
0x124: {  	v15 =	vmul.f32 v17, v15;
	v16 =	vmul.f32 v18, v16;
	_ =	sdelay $0x1  }
0x125: {  	v15 =	vadd.f32 v16, v15;
	_ =	sdelay $0x1  }
0x126: {  	(xrf2) =	vadd.scan.msk.f32 $0xffff, v15;
	_ =	sdelay $0x3  }
0x127: {  	s10 =	spop (v2sf)  }
0x128: {  	s5 =	sand.u32 $0xFFFFF80, s10  }
0x129: {  	s9 =	spop (v2sf);
	s5 =	sadd.s32 s1, s5  }
0x12a: {  	[tilespmem:s19], [sflag:$0x3] =	stream.strided.gather [hbm4b:s5+s13], $0x1000, s14, s13, $0x38;
	[tilespmem:$0x8700] =	vst v63  }
0x12b: {  	s5 =	sand.u32 $0xFFFFF80, s9  }
0x12c: {  	s5 =	sadd.s32 s3, s5  }
0x12d: {  	[tilespmem:s20], [sflag:$0x7] =	stream.strided.gather [hbm4b:s5+s13], $0x1000, s14, s13, $0x38;
	v15, _, _ =	vpop (xrf2);
	[tilespmem:$0x8700] =	vst v63  }
0x12e: {  	s11 =	sand.u32 $0x7F, s11;
	_ =	swait.ge [sflag:s30], $0x1000  }
0x12f: {  	v45 =	vor.u32 s11, v0;
	[sflag:s30] =	ssyncset.done $0x0  }
0x130: {  	v46 =	vor.u32 s11, v2;
	s8 =	sand.u32 $0x7F, s8;
	[sflag:s30] =	ssyncadd.s32 $0xFFFFF000  }
0x131: {  	v47 =	vor.u32 s8, v0;
	_ =	swait.ge [sflag:s31], $0x1000  }
0x132: {  	v19 =	vor.u32 s8, v2;
	[sflag:s31] =	ssyncset.done $0x0  }
0x133: {  	[sflag:s31] =	ssyncadd.s32 $0xFFFFF000  }
0x134: {  	v16 =	vld.idx.msk [tilespmem:v45+s21+$0x0], $0xffff  }
0x135: {  	(v2sf) =	vpush v3, $0xF;
	v17 =	vld.idx.msk [tilespmem:v46+s21+$0x0], $0xffff  }
0x136: {  	v3 =	vld.idx.msk [tilespmem:v47+s22+$0x0], $0xffff  }
0x137: {  	(v2sf) =	vpush v4, $0xF;
	v48 =	vld.idx.msk [tilespmem:v19+s22+$0x0], $0xffff;
	_ =	sdelay $0x4  }
0x138: {  	v3 =	vmul.f32 v3, v16;
	v4 =	vmul.f32 v48, v17;
	_ =	sdelay $0x1  }
0x139: {  	v3 =	vadd.f32 v4, v3;
	_ =	sdelay $0x1  }
0x13a: {  	(xrf2) =	vadd.scan.msk.f32 $0xffff, v3;
	_ =	sdelay $0x3  }
0x13b: {  	s8 =	spop (v2sf)  }
0x13c: {  	s11 =	sand.u32 $0xFFFFF80, s8  }
0x13d: {  	s5 =	spop (v2sf);
	s11 =	sadd.s32 s1, s11  }
0x13e: {  	[tilespmem:s21], [sflag:$0x4] =	stream.strided.gather [hbm4b:s11+s13], $0x1000, s14, s13, $0x38;
	[tilespmem:$0x8700] =	vst v63  }
0x13f: {  	s11 =	sand.u32 $0xFFFFF80, s5  }
0x140: {  	s11 =	sadd.s32 s3, s11  }
0x141: {  	[tilespmem:s22], [sflag:$0x8] =	stream.strided.gather [hbm4b:s11+s13], $0x1000, s14, s13, $0x38;
	v49, _, _ =	vpop (xrf2);
	[tilespmem:$0x8700] =	vst v63  }
0x142: {  	_ =	swait.ge [sflag:s23], $0x1000  }
0x143: {  	[sflag:s23] =	ssyncset.done $0x0  }
0x144: {  	[sflag:s23] =	ssyncadd.s32 $0xFFFFF000  }
0x145: {  	_ =	swait.ge [sflag:s24], $0x1000  }
0x146: {  	s11 =	sand.u32 $0x7F, s0;
	[sflag:s24] =	ssyncset.done $0x0  }
0x147: {  	s0 =	sshra.s32 s12, $0x2;
	v50 =	vor.u32 s11, v0;
	[sflag:s24] =	ssyncadd.s32 $0xFFFFF000  }
0x148: {  	s4 =	sand.u32 $0x7F, s4;
	v51 =	vor.u32 s11, v2;
	v3 =	vld [tilespmem:s0+$0x10]  }
0x149: {  	v52 =	vor.u32 s4, v0  }
0x14a: {  	v20 =	vor.u32 s4, v2;
	v4 =	vld [tilespmem:s0+$0x290];
	_ =	sdelay $0x1  }
0x14b: {  	v17 =	vld.idx.msk [tilespmem:v50+s15+$0x0], $0xffff  }
0x14c: {  	v18 =	vld.idx.msk [tilespmem:v51+s15+$0x0], $0xffff;
	(v2sf) =	vpush v3, $0x0  }
0x14d: {  	v19 =	vld.idx.msk [tilespmem:v52+s16+$0x0], $0xffff  }
0x14e: {  	v20 =	vld.idx.msk [tilespmem:v20+s16+$0x0], $0xffff;
	(v2sf) =	vpush v4, $0x0;
	_ =	sdelay $0x4  }
0x14f: {  	v17 =	vmul.f32 v19, v17;
	v18 =	vmul.f32 v20, v18;
	_ =	sdelay $0x1  }
0x150: {  	v17 =	vadd.f32 v18, v17;
	_ =	sdelay $0x1  }
0x151: {  	(xrf2) =	vadd.scan.msk.f32 $0xffff, v17;
	_ =	sdelay $0x3  }
0x152: {  	s11 =	spop (v2sf)  }
0x153: {  	s4 =	sand.u32 $0xFFFFF80, s11  }
0x154: {  	s11 =	spop (v2sf);
	s4 =	sadd.s32 s1, s4  }
0x155: {  	[tilespmem:s15], [sflag:$0x1] =	stream.strided.gather [hbm4b:s4+s13], $0x1000, s14, s13, $0x38;
	[tilespmem:$0x8700] =	vst v63  }
0x156: {  	s4 =	sand.u32 $0xFFFFF80, s11  }
0x157: {  	s4 =	sadd.s32 s3, s4  }
0x158: {  	v17, _, _ =	vpop (xrf2);
	[tilespmem:s16], [sflag:$0x5] =	stream.strided.gather [hbm4b:s4+s13], $0x1000, s14, s13, $0x38;
	[tilespmem:$0x8700] =	vst v63  }
0x159: {  	s11 =	sand.u32 $0x7F, s7;
	_ =	swait.ge [sflag:s25], $0x1000  }
0x15a: {  	v53 =	vor.u32 s11, v0;
	[sflag:s25] =	ssyncset.done $0x0  }
0x15b: {  	s6 =	sand.u32 $0x7F, s6;
	v54 =	vor.u32 s11, v2;
	[sflag:s25] =	ssyncadd.s32 $0xFFFFF000  }
0x15c: {  	v55 =	vor.u32 s6, v0;
	_ =	swait.ge [sflag:s26], $0x1000  }
0x15d: {  	v21 =	vor.u32 s6, v2;
	[sflag:s26] =	ssyncset.done $0x0  }
0x15e: {  	[sflag:s26] =	ssyncadd.s32 $0xFFFFF000  }
0x15f: {  	v18 =	vld.idx.msk [tilespmem:v53+s17+$0x0], $0xffff  }
0x160: {  	(v2sf) =	vpush v3, $0x1;
	v19 =	vld.idx.msk [tilespmem:v54+s17+$0x0], $0xffff  }
0x161: {  	v20 =	vld.idx.msk [tilespmem:v55+s18+$0x0], $0xffff  }
0x162: {  	(v2sf) =	vpush v4, $0x1;
	v21 =	vld.idx.msk [tilespmem:v21+s18+$0x0], $0xffff;
	_ =	sdelay $0x4  }
0x163: {  	v18 =	vmul.f32 v20, v18;
	v19 =	vmul.f32 v21, v19;
	_ =	sdelay $0x1  }
0x164: {  	v18 =	vadd.f32 v19, v18;
	_ =	sdelay $0x1  }
0x165: {  	(xrf2) =	vadd.scan.msk.f32 $0xffff, v18;
	_ =	sdelay $0x3  }
0x166: {  	s7 =	spop (v2sf)  }
0x167: {  	s4 =	sand.u32 $0xFFFFF80, s7  }
0x168: {  	s11 =	spop (v2sf);
	s4 =	sadd.s32 s1, s4  }
0x169: {  	[tilespmem:s17], [sflag:$0x2] =	stream.strided.gather [hbm4b:s4+s13], $0x1000, s14, s13, $0x38;
	[tilespmem:$0x8700] =	vst v63  }
0x16a: {  	s4 =	sand.u32 $0xFFFFF80, s11  }
0x16b: {  	s4 =	sadd.s32 s3, s4  }
0x16c: {  	[tilespmem:s18], [sflag:$0x6] =	stream.strided.gather [hbm4b:s4+s13], $0x1000, s14, s13, $0x38;
	v18, _, _ =	vpop (xrf2);
	[tilespmem:$0x8700] =	vst v63  }
0x16d: {  	s6 =	sand.u32 $0x7F, s10;
	_ =	swait.ge [sflag:s28], $0x1000  }
0x16e: {  	v56 =	vor.u32 s6, v0;
	[sflag:s28] =	ssyncset.done $0x0  }
0x16f: {  	v57 =	vor.u32 s6, v2;
	s7 =	sand.u32 $0x7F, s9;
	[sflag:s28] =	ssyncadd.s32 $0xFFFFF000  }
0x170: {  	v58 =	vor.u32 s7, v0;
	_ =	swait.ge [sflag:s29], $0x1000  }
0x171: {  	v22 =	vor.u32 s7, v2;
	[sflag:s29] =	ssyncset.done $0x0  }
0x172: {  	[sflag:s29] =	ssyncadd.s32 $0xFFFFF000  }
0x173: {  	v19 =	vld.idx.msk [tilespmem:v56+s19+$0x0], $0xffff  }
0x174: {  	(v2sf) =	vpush v3, $0x2;
	v20 =	vld.idx.msk [tilespmem:v57+s19+$0x0], $0xffff  }
0x175: {  	v21 =	vld.idx.msk [tilespmem:v58+s20+$0x0], $0xffff  }
0x176: {  	(v2sf) =	vpush v4, $0x2;
	v22 =	vld.idx.msk [tilespmem:v22+s20+$0x0], $0xffff;
	_ =	sdelay $0x4  }
0x177: {  	v19 =	vmul.f32 v21, v19;
	v20 =	vmul.f32 v22, v20;
	_ =	sdelay $0x1  }
0x178: {  	v19 =	vadd.f32 v20, v19;
	_ =	sdelay $0x1  }
0x179: {  	(xrf2) =	vadd.scan.msk.f32 $0xffff, v19;
	_ =	sdelay $0x3  }
0x17a: {  	s9 =	spop (v2sf)  }
0x17b: {  	s4 =	sand.u32 $0xFFFFF80, s9  }
0x17c: {  	s10 =	spop (v2sf);
	s4 =	sadd.s32 s1, s4  }
0x17d: {  	[tilespmem:s19], [sflag:$0x3] =	stream.strided.gather [hbm4b:s4+s13], $0x1000, s14, s13, $0x38;
	[tilespmem:$0x8700] =	vst v63  }
0x17e: {  	s4 =	sand.u32 $0xFFFFF80, s10  }
0x17f: {  	s4 =	sadd.s32 s3, s4  }
0x180: {  	[tilespmem:s20], [sflag:$0x7] =	stream.strided.gather [hbm4b:s4+s13], $0x1000, s14, s13, $0x38;
	v19, _, _ =	vpop (xrf2);
	[tilespmem:$0x8700] =	vst v63  }
0x181: {  	s11 =	sand.u32 $0x7F, s8;
	_ =	swait.ge [sflag:s30], $0x1000  }
0x182: {  	s5 =	sand.u32 $0x7F, s5;
	v59 =	vor.u32 s11, v0;
	[sflag:s30] =	ssyncset.done $0x0  }
0x183: {  	v60 =	vor.u32 s5, v0;
	[sflag:s30] =	ssyncadd.s32 $0xFFFFF000  }
0x184: {  	v61 =	vor.u32 s11, v2;
	_ =	swait.ge [sflag:s31], $0x1000  }
0x185: {  	v23 =	vor.u32 s5, v2;
	[sflag:s31] =	ssyncset.done $0x0  }
0x186: {  	[sflag:s31] =	ssyncadd.s32 $0xFFFFF000  }
0x187: {  	v20 =	vld.idx.msk [tilespmem:v59+s21+$0x0], $0xffff  }
0x188: {  	v21 =	vld.idx.msk [tilespmem:v60+s22+$0x0], $0xffff  }
0x189: {  	v22 =	vld.idx.msk [tilespmem:v61+s21+$0x0], $0xffff  }
0x18a: {  	v23 =	vld.idx.msk [tilespmem:v23+s22+$0x0], $0xffff;
	_ =	sdelay $0x2  }
0x18b: {  	v5 =	vbroadcast v5, $0xF  }
0x18c: {  	v6 =	vbroadcast v6, $0xF;
	v7 =	vbroadcast v7, $0xF  }
0x18d: {  	v20 =	vmul.f32 v21, v20;
	v62 =	vmul.f32 v23, v22  }
0x18e: {  	v5 =	vsel vm0, v5, v6;
	v6 =	vbroadcast v8, $0xF  }
0x18f: {  	v5 =	vsel vm1, v5, v7;
	v63 =	vbroadcast v9, $0xF;
	v7 =	vadd.f32 v62, v20  }
0x190: {  	v5 =	vsel vm2, v5, v6;
	v6 =	vbroadcast v10, $0xF  }
0x191: {  	v5 =	vsel vm3, v5, v63;
	(xrf2) =	vadd.scan.msk.f32 $0xffff, v7;
	v7 =	vbroadcast v11, $0xF  }
0x192: {  	v5 =	vsel vm4, v5, v6;
	v6 =	vbroadcast v12, $0xF  }
0x193: {  	v5 =	vsel vm5, v5, v7;
	v7 =	vbroadcast v13, $0xF  }
0x194: {  	v5 =	vsel vm6, v5, v6;
	v6 =	vbroadcast v14, $0xF  }
0x195: {  	v5 =	vsel vm7, v5, v7;
	v7 =	vbroadcast v15, $0xF  }
0x196: {  	v5 =	vsel vm8, v5, v6;
	v6 =	vbroadcast v49, $0xF  }
0x197: {  	v5 =	vsel vm9, v5, v7  }
0x198: {  	v7 =	vbroadcast v17, $0xF;
	v5 =	vsel vm10, v5, v6;
	v6 =	vbroadcast v18, $0xF  }
0x199: {  	p0 =	sne.s32 s12, $0x7C0  }
.Ltmp0:
0x19a: {  	v5 =	vsel vm11, v5, v7;
	v7 =	vbroadcast v19, $0xF;
	(pc) =	sbr.rel @p0 .LBB2_2-.Ltmp0, $4  }
0x19b: {  	v5 =	vsel vm12, v5, v6  }
0x19c: {  	v5 =	vsel vm13, v5, v7;
	v6, _, _ =	vpop (xrf2)  }
0x19d: {  	v5 =	vsel vm14, v5, v6  }
0x19e: {  	s12 =	sadd.s32 $0x40, s12;
	[tilespmem:s0+$0x8500] =	vst v5  }
0x19f: {  	_ =	swait.ge [sflag:s23], $0x1000  }
0x1a0: {  	[sflag:s23] =	ssyncset.done $0x0  }
0x1a1: {  	[sflag:s23] =	ssyncadd.s32 $0xFFFFF000  }
0x1a2: {  	_ =	swait.ge [sflag:s24], $0x1000  }
0x1a3: {  	[sflag:s24] =	ssyncset.done $0x0  }
0x1a4: {  	[sflag:s24] =	ssyncadd.s32 $0xFFFFF000  }
0x1a5: {  	_ =	swait.ge [sflag:s25], $0x1000  }
0x1a6: {  	[sflag:s25] =	ssyncset.done $0x0  }
0x1a7: {  	[sflag:s25] =	ssyncadd.s32 $0xFFFFF000  }
0x1a8: {  	_ =	swait.ge [sflag:s26], $0x1000  }
0x1a9: {  	[sflag:s26] =	ssyncset.done $0x0  }
0x1aa: {  	[sflag:s26] =	ssyncadd.s32 $0xFFFFF000  }
0x1ab: {  	_ =	swait.ge [sflag:s28], $0x1000  }
0x1ac: {  	[sflag:s28] =	ssyncset.done $0x0  }
0x1ad: {  	[sflag:s28] =	ssyncadd.s32 $0xFFFFF000  }
0x1ae: {  	_ =	swait.ge [sflag:s29], $0x1000  }
0x1af: {  	s8 =	simm.s32 $0x0;
	s4 =	simm.s32 $0x8500;
	[sflag:s29] =	ssyncset.done $0x0  }
0x1b0: {  	s6 =	simm.s32 $0x9;
	s0 =	rddreg [dreg:$0x7];
	[sflag:s29] =	ssyncadd.s32 $0xFFFFF000  }
0x1b1: {  	[hbm4b:s0+s8] =	stream.linear.scatter [tilespmem:s4], [sflag:$0x9], $0x200, $0x38;
	[tilespmem:$0x8700] =	vst v63  }
0x1b2: {  	_ =	swait.ge [sflag:s6], $0x200  }
0x1b3: {  	s2 =	sadd.s32 $0x1, s2;
	s12 =	rddreg [dreg:$0x8]  }
0x1b4: {  	p0 =	sne.s32 s2, s12  }
.Ltmp1:
0x1b5: {  	_ = 	snop;
	(pc) =	sbr.rel @p0 .LBB2_1-.Ltmp1, $3  }
0x1b6: {  	_ =	sdelay $0x1  }
0x1b7: {  	[sflag:s6] =	ssyncset.done $0x0  }
0x1b8: {  	[sflag:s6] =	ssyncadd.s32 $0xFFFFFE00  }
0x1b9: {  	_ =	sfence.sel $0x180000  }
0x1ba: {  	[bflag:$0x0] =	sbarrier.arrive $0xFFFF  }
0x1bb: {  	_ =	strace $0x90000047  }
0x1bc: {  	s0 =	stileid.u32;
	[bflag:$0x2] =	sbarrier.arrive $0xFFFF  }
0x1bd: {  	p0 =	sne.s32 s0, $0x0;
	s0 =	rddreg [dreg:$0x4]  }
0x1be: {  	s0 =	sadd.s32 @!p0 $0x100000, s0  }
0x1bf: {  	[sflag:s0] =	ssyncadd.tile.s32 @!p0 $0x1;
	_ =	shalt  }
.Lfunc_end2:
_tile_overlayer_lowered:
.L_overlay_start_2:
0x1c0: {  	(tag) =	ssettag $0x2  }
0x1c1: {  	s0 =	rddreg [dreg:$0x0];
	s2 =	stileid.u32  }
0x1c2: {  	s1 =	rddreg [dreg:$0x1];
	p0 =	sne.s32 s2, $0x0  }
0x1c3: {  	s3 =	rddreg [dreg:$0x2];
	[bflag:$0x3] =	sbarrier.arrive $0xFFFF;
	s2 =	simm.s32 @!p0 $0x1C09  }
0x1c4: {  	[timem:s3], [sflag:s2] =	dma.local @!p0 [hbm:s0], s1  }
0x1c5: {  	s0 =	simm.s32 @!p0 $0x9  }
0x1c6: {  	_ =	swait.ge @!p0 [sflag:s0], s1  }
0x1c7: {  	s1 =	ssub.s32 @!p0 $0x0, s1;
	[sflag:s0] =	ssyncset.done @!p0 $0x0  }
0x1c8: {  	[sflag:s0] =	ssyncadd.s32 @!p0 s1  }
0x1c9: {  	[bflag:$0x3] =	sbarrier.arrive $0xFFFF  }
0x1ca: {  	_ =	shalt  }

</sc_bundles>
